<compile_context>
chip_gen: v7x
topology: tpu7x:2x2x1
jax: 0.10.2.dev20260603
libtpu: 0.0.44.dev20260713+nightly
codegen_flags: <defaults>
</compile_context>

<pallas_src>
import functools

import jax
import jax.numpy as jnp
from jax import lax
from jax.experimental import pallas as pl
from jax.experimental.pallas import tpu as pltpu
from jax.experimental.pallas import tpu_sc as plsc

B, H, W, C = 4, 192, 192, 96
OH, OW = 2 * H, 2 * W
N_ROWS = B * H * W
HW = H * W
PLANE_B = OH * OW
OUT_WORDS = PLANE_B * C * B

NUM_SC = 2
NUM_TILES = 16
CH_PER_SC = 8
CH_PER_PASS = NUM_SC * CH_PER_SC
NUM_PASSES = C // CH_PER_PASS
REGION = CH_PER_SC * PLANE_B
TILE_WB = REGION // NUM_TILES
PER_TILE = HW // 2
ZWORDS = TILE_WB // 4


def _decode_body(m_ref, u_ref, d_ref, ut_ref, *, blk):
    m = m_ref[...]
    c = lax.broadcasted_iota(jnp.int32, (blk, C), 1)
    dest = (c % CH_PER_SC) * PLANE_B + m // C
    pad = jnp.zeros((blk, 128 - C), jnp.int32)
    dt = jnp.concatenate([dest, pad], axis=1).T
    ut = jnp.concatenate([u_ref[...], pad.astype(jnp.float32)], axis=1).T
    d_ref[...] = dt[:C, :]
    ut_ref[...] = ut[:C, :]


def _untranspose_body(i_ref, o_ref, *, blk):
    x = i_ref[...]
    pad = jnp.zeros((128 - C, blk), jnp.float32)
    t = jnp.concatenate([x, pad], axis=0).T
    o_ref[...] = t[:, :C]


def _sc_body(dest_hbm, upd_hbm, out_hbm, dest_v, val_v, zero_v, shared, *, b):
    cid = lax.axis_index("c")
    sid = lax.axis_index("s")

    def fill_zero(i, carry):
        zero_v[pl.ds(i * 16, 16)] = jnp.zeros((16,), jnp.float32)
        return carry

    lax.fori_loop(0, ZWORDS // 16, fill_zero, 0)

    def pass_body(p, carry):
        zbase = sid * TILE_WB

        def zcopy(i, c2):
            pltpu.sync_copy(zero_v, shared.at[pl.ds(zbase + i * ZWORDS, ZWORDS)])
            return c2

        lax.fori_loop(0, 4, zcopy, 0)
        plsc.subcore_barrier()

        ch = p * CH_PER_PASS + cid * CH_PER_SC + sid // 2
        col = (sid % 2) * PER_TILE
        pltpu.sync_copy(dest_hbm.at[ch, pl.ds(col, PER_TILE)], dest_v)
        pltpu.sync_copy(upd_hbm.at[ch, pl.ds(col, PER_TILE)], val_v)
        pltpu.sync_copy(val_v, shared.at[dest_v], add=True)
        plsc.subcore_barrier()

        row = p * CH_PER_PASS + cid * CH_PER_SC + sid // 2
        col = (sid % 2) * TILE_WB
        pltpu.sync_copy(shared.at[pl.ds(sid * TILE_WB, TILE_WB)],
                        out_hbm.at[row, pl.ds(col, TILE_WB)])
        return carry

    lax.fori_loop(0, NUM_PASSES, pass_body, 0)


def kernel(updates, mask):
    m = mask.astype(jnp.int32).reshape(N_ROWS, C)
    u = updates.reshape(N_ROWS, C)

    blk = 1536
    rb = HW // blk

    def _decode_batch(b):
        return pl.pallas_call(
            functools.partial(_decode_body, blk=blk),
            grid=(rb,),
            in_specs=[
                pl.BlockSpec((blk, C), lambda i, b=b: (b * rb + i, 0)),
                pl.BlockSpec((blk, C), lambda i, b=b: (b * rb + i, 0)),
            ],
            out_specs=[
                pl.BlockSpec((C, blk), lambda i: (0, i)),
                pl.BlockSpec((C, blk), lambda i: (0, i)),
            ],
            out_shape=[
                jax.ShapeDtypeStruct((C, HW), jnp.int32),
                jax.ShapeDtypeStruct((C, HW), jnp.float32),
            ],
        )(m, u)

    mesh = plsc.VectorSubcoreMesh(core_axis_name="c", subcore_axis_name="s")
    scratch = [
        pltpu.VMEM((PER_TILE,), jnp.int32),
        pltpu.VMEM((PER_TILE,), jnp.float32),
        pltpu.VMEM((ZWORDS,), jnp.float32),
        pltpu.VMEM_SHARED((REGION,), jnp.float32),
    ]
    blkc = 4608
    untr = pl.pallas_call(
        functools.partial(_untranspose_body, blk=blkc),
        grid=(PLANE_B // blkc,),
        in_specs=[pl.BlockSpec((C, blkc), lambda i: (0, i))],
        out_specs=pl.BlockSpec((blkc, C), lambda i: (i, 0)),
        out_shape=jax.ShapeDtypeStruct((PLANE_B, C), jnp.float32),
    )
    parts = []
    for b in range(B):
        dest_tb, upd_tb = _decode_batch(b)
        sc = pl.kernel(
            functools.partial(_sc_body, b=b),
            out_type=jax.ShapeDtypeStruct((C, PLANE_B), jnp.float32),
            mesh=mesh,
            scratch_types=scratch,
        )
        parts.append(untr(sc(dest_tb, upd_tb)))

    return jnp.stack(parts, axis=0).reshape(B, OH, OW, C)

# --- scband reference (transcript-rebuilt; emitter-appended) ---
"""Pipeline reference for scband-max-unpooling2-d-13589276524630 (READ-ONLY COPY).

The authoritative reference and input builder live on the scoring server;
editing this copy changes nothing except your own understanding.
"""

import jax, jax.numpy as jnp
import numpy as np

SIZE = (2, 2)


def setup_inputs(seed: int = 0) -> dict:
    key = jax.random.key(seed)
    k1, k2 = jax.random.split(key)
    B, H, W, C = 4, 192, 192, 96
    out_h, out_w = H * SIZE[0], W * SIZE[1]
    updates = jax.random.normal(k1, (B, H, W, C), dtype=jnp.float32)
    mask = jax.random.randint(k2, (B, H, W, C), 0, out_h * out_w * C, dtype=jnp.int64)
    return {"updates": updates, "mask": mask}


def reference(updates, mask):
    # Faithful translation of MaxUnpooling2D.call with output_shape=None
    B, H, W, C = updates.shape
    out_h, out_w = H * SIZE[0], W * SIZE[1]
    mask = mask.astype(jnp.int32)
    one_like_mask = jnp.ones_like(mask, dtype=jnp.int32)
    batch_range = jnp.arange(B, dtype=jnp.int32).reshape(B, 1, 1, 1)
    b = one_like_mask * batch_range
    y = mask // (out_w * C)
    x = (mask // C) % out_w
    feature_range = jnp.arange(C, dtype=jnp.int32)
    f = one_like_mask * feature_range
    updates_size = updates.size
    indices = jnp.transpose(jnp.stack([b, y, x, f]).reshape(4, updates_size))
    values = updates.reshape(updates_size)
    # tf.scatter_nd accumulates duplicate indices -> use .at[].add
    ret = jnp.zeros((B, out_h, out_w, C), dtype=updates.dtype).at[
        indices[:, 0], indices[:, 1], indices[:, 2], indices[:, 3]
    ].add(values)
    return ret

if __name__ == "__main__":
    import jax
    _d = setup_inputs()
    print(jax.jit(kernel)(*tuple(_d.values())))

</pallas_src>

<mosaic_0001>
#map = affine_map<(d0, d1) -> (0, 0)>
module attributes {stable_mosaic.version = 14 : i64} {
  func.func @_sc_body(%arg0: i32, %arg1: i32, %arg2: memref<96x36864xi32, #tpu.memory_space<hbm>>, %arg3: memref<96x36864xf32, #tpu.memory_space<hbm>>, %arg4: memref<96x147456xf32, #tpu.memory_space<hbm>>, %arg5: memref<18432xi32, #tpu.memory_space<vmem>>, %arg6: memref<18432xf32, #tpu.memory_space<vmem>>, %arg7: memref<18432xf32, #tpu.memory_space<vmem>>, %arg8: memref<1179648xf32, #tpu.memory_space<vmem_shared>>) attributes {dimension_semantics = [#tpu.dimension_semantics<core_parallel>, #tpu.dimension_semantics<subcore_parallel>], iteration_bounds = array<i64: 2, 16>, scalar_prefetch = 0 : i64, scratch_operands = 4 : i64, tpu.core_type = #tpu.core_type<sc_vector_subcore>, window_params = [{transform_indices = #map}, {transform_indices = #map}, {transform_indices = #map}]} {
    %scan3A = arith.constant 0 : i32
    %scan3A_0 = arith.constant 0 : i32
    %scan3A_1 = arith.constant 1152 : i32
    %scan3A_2 = arith.addi %scan3A_0, %scan3A_1 : i32
    %scan3A_3 = arith.constant 1 : i32
    scf.for %scan3A_11 = %scan3A_0 to %scan3A_2 step %scan3A_3  : i32 {
      %broadcast_in_dim3A = arith.constant 0.000000e+00 : f32
      %broadcast_in_dim3A_12 = vector.broadcast %broadcast_in_dim3A : f32 to vector<16xf32>
      %mul3A = arith.constant 16 : i32
      %mul3A_13 = arith.muli %scan3A_11, %mul3A : i32
      %swap3A = arith.index_cast %mul3A_13 : i32 to index
      %swap3A_14 = tpu.vector_load %arg7[%swap3A] {strides = array<i32>} : memref<18432xf32, #tpu.memory_space<vmem>>, vector<16xf32>,
      %swap3A_15 = vector.shape_cast %swap3A_14 : vector<16xf32> to vector<16xf32>
      %swap3A_16 = vector.shape_cast %broadcast_in_dim3A_12 : vector<16xf32> to vector<16xf32>
      tpu.vector_store %arg7[%swap3A], %swap3A_16 {strides = array<i32>} : memref<18432xf32, #tpu.memory_space<vmem>>, vector<16xf32>,
    }
    %scan3A_4 = arith.constant 1152 : i32
    %scan3A_5 = arith.constant 0 : i32
    %scan3A_6 = arith.constant 0 : i32
    %scan3A_7 = arith.constant 6 : i32
    %scan3A_8 = arith.addi %scan3A_6, %scan3A_7 : i32
    %scan3A_9 = arith.constant 1 : i32
    scf.for %scan3A_11 = %scan3A_6 to %scan3A_8 step %scan3A_9  : i32 {
      %mul3A = arith.constant 73728 : i32
      %mul3A_12 = arith.muli %arg1, %mul3A : i32
      %scan3A_13 = arith.constant 0 : i32
      %scan3A_14 = arith.constant 0 : i32
      %scan3A_15 = arith.constant 4 : i32
      %scan3A_16 = arith.addi %scan3A_14, %scan3A_15 : i32
      %scan3A_17 = arith.constant 1 : i32
      scf.for %scan3A_107 = %scan3A_14 to %scan3A_16 step %scan3A_17  : i32 {
        %mul3A_108 = arith.constant 18432 : i32
        %mul3A_109 = arith.muli %scan3A_107, %mul3A_108 : i32
        %add3A_110 = arith.addi %mul3A_12, %mul3A_109 : i32
        "tpu.region"() ({
          %run_scoped3A = tpu.sem_alloc : memref<!tpu.dma_semaphore, #tpu.memory_space<semaphore_mem>>
          %dma_start3A = tpu.memref_slice %arg8[%add3A_110] : memref<1179648xf32, #tpu.memory_space<vmem_shared>> -> memref<18432xf32, #tpu.memory_space<vmem_shared>>
          %dma_start3A_111 = tpu.memref_slice %arg8[%add3A_110] : memref<1179648xf32, #tpu.memory_space<vmem_shared>> -> memref<18432xf32, #tpu.memory_space<vmem_shared>>
          tpu.enqueue_dma source(%arg7 : memref<18432xf32, #tpu.memory_space<vmem>>) target(%dma_start3A_111 : memref<18432xf32, #tpu.memory_space<vmem_shared>>) target_semaphore(%run_scoped3A : memref<!tpu.dma_semaphore, #tpu.memory_space<semaphore_mem>>)
          %dma_wait3A = tpu.memref_slice %arg8[%add3A_110] : memref<1179648xf32, #tpu.memory_space<vmem_shared>> -> memref<18432xf32, #tpu.memory_space<vmem_shared>>
          %dma_wait3A_112 = tpu.memref_slice %arg8[%add3A_110] : memref<1179648xf32, #tpu.memory_space<vmem_shared>> -> memref<18432xf32, #tpu.memory_space<vmem_shared>>
          tpu.wait_dma2 semaphore(%run_scoped3A : memref<!tpu.dma_semaphore, #tpu.memory_space<semaphore_mem>>) src(%arg7 : memref<18432xf32, #tpu.memory_space<vmem>>) dst(%dma_wait3A_112 : memref<18432xf32, #tpu.memory_space<vmem_shared>>)
          tpu.yield
        }) : () -> ()
      }
      %scan3A_18 = arith.constant 4 : i32
      %barrier3A = arith.constant 0 : index
      tpu.barrier barrier_id(%barrier3A)
      %mul3A_19 = arith.constant 16 : i32
      %mul3A_20 = arith.muli %scan3A_11, %mul3A_19 : i32
      %mul3A_21 = arith.constant 8 : i32
      %mul3A_22 = arith.muli %arg0, %mul3A_21 : i32
      %add3A = arith.addi %mul3A_20, %mul3A_22 : i32
      %jit3A = arith.constant 2 : i32
      %div3A = arith.divsi %arg1, %jit3A : i32
      %sign3A = arith.constant 0 : i32
      %sign3A_23 = arith.cmpi sgt, %arg1, %sign3A : i32
      %sign3A_24 = arith.extui %sign3A_23 : i1 to i32
      %sign3A_25 = arith.constant 0 : i32
      %sign3A_26 = arith.cmpi slt, %arg1, %sign3A_25 : i32
      %sign3A_27 = arith.extui %sign3A_26 : i1 to i32
      %sign3A_28 = arith.subi %sign3A_24, %sign3A_27 : i32
      %sign3A_29 = arith.constant 0 : i32
      %sign3A_30 = arith.cmpi sgt, %jit3A, %sign3A_29 : i32
      %sign3A_31 = arith.extui %sign3A_30 : i1 to i32
      %sign3A_32 = arith.constant 0 : i32
      %sign3A_33 = arith.cmpi slt, %jit3A, %sign3A_32 : i32
      %sign3A_34 = arith.extui %sign3A_33 : i1 to i32
      %sign3A_35 = arith.subi %sign3A_31, %sign3A_34 : i32
      %ne3A = arith.cmpi ne, %sign3A_28, %sign3A_35 : i32
      %rem3A = arith.remsi %arg1, %jit3A : i32
      %ne3A_36 = arith.constant 0 : i32
      %ne3A_37 = arith.cmpi ne, %rem3A, %ne3A_36 : i32
      %and3A = arith.andi %ne3A, %ne3A_37 : i1
      %sub3A = arith.constant 1 : i32
      %sub3A_38 = arith.subi %div3A, %sub3A : i32
      %select_n3A = arith.select %and3A, %sub3A_38, %div3A : i32
      %add3A_39 = arith.addi %add3A, %select_n3A : i32
      %jit3A_40 = arith.constant 2 : i32
      %eq3A = arith.constant 0 : i32
      %eq3A_41 = arith.cmpi eq, %jit3A_40, %eq3A : i32
      %jit3A_42 = arith.constant 1 : i32
      %select_n3A_43 = arith.select %eq3A_41, %jit3A_42, %jit3A_40 : i32
      %rem3A_44 = arith.remsi %arg1, %select_n3A_43 : i32
      %ne3A_45 = arith.constant 0 : i32
      %ne3A_46 = arith.cmpi ne, %rem3A_44, %ne3A_45 : i32
      %lt3A = arith.constant 0 : i32
      %lt3A_47 = arith.cmpi slt, %rem3A_44, %lt3A : i32
      %lt3A_48 = arith.constant 0 : i32
      %lt3A_49 = arith.cmpi slt, %select_n3A_43, %lt3A_48 : i32
      %ne3A_50 = arith.xori %lt3A_47, %lt3A_49 : i1
      %and3A_51 = arith.andi %ne3A_50, %ne3A_46 : i1
      %add3A_52 = arith.addi %rem3A_44, %select_n3A_43 : i32
      %select_n3A_53 = arith.select %and3A_51, %add3A_52, %rem3A_44 : i32
      %mul3A_54 = arith.constant 18432 : i32
      %mul3A_55 = arith.muli %select_n3A_53, %mul3A_54 : i32
      "tpu.region"() ({
        %run_scoped3A = tpu.sem_alloc : memref<!tpu.dma_semaphore, #tpu.memory_space<semaphore_mem>>
        %dma_start3A = tpu.memref_slice %arg2[%add3A_39, %mul3A_55] : memref<96x36864xi32, #tpu.memory_space<hbm>> -> memref<1x18432xi32, #tpu.memory_space<hbm>>
        %dma_start3A_107 = tpu.memref_squeeze %dma_start3A : memref<1x18432xi32, #tpu.memory_space<hbm>> -> memref<18432xi32, #tpu.memory_space<hbm>>
        %dma_start3A_108 = tpu.memref_slice %arg2[%add3A_39, %mul3A_55] : memref<96x36864xi32, #tpu.memory_space<hbm>> -> memref<1x18432xi32, #tpu.memory_space<hbm>>
        %dma_start3A_109 = tpu.memref_squeeze %dma_start3A_108 : memref<1x18432xi32, #tpu.memory_space<hbm>> -> memref<18432xi32, #tpu.memory_space<hbm>>
        tpu.enqueue_dma source(%dma_start3A_109 : memref<18432xi32, #tpu.memory_space<hbm>>) target(%arg5 : memref<18432xi32, #tpu.memory_space<vmem>>) target_semaphore(%run_scoped3A : memref<!tpu.dma_semaphore, #tpu.memory_space<semaphore_mem>>)
        %dma_wait3A = tpu.memref_slice %arg2[%add3A_39, %mul3A_55] : memref<96x36864xi32, #tpu.memory_space<hbm>> -> memref<1x18432xi32, #tpu.memory_space<hbm>>
        %dma_wait3A_110 = tpu.memref_squeeze %dma_wait3A : memref<1x18432xi32, #tpu.memory_space<hbm>> -> memref<18432xi32, #tpu.memory_space<hbm>>
        %dma_wait3A_111 = tpu.memref_slice %arg2[%add3A_39, %mul3A_55] : memref<96x36864xi32, #tpu.memory_space<hbm>> -> memref<1x18432xi32, #tpu.memory_space<hbm>>
        %dma_wait3A_112 = tpu.memref_squeeze %dma_wait3A_111 : memref<1x18432xi32, #tpu.memory_space<hbm>> -> memref<18432xi32, #tpu.memory_space<hbm>>
        tpu.wait_dma2 semaphore(%run_scoped3A : memref<!tpu.dma_semaphore, #tpu.memory_space<semaphore_mem>>) src(%dma_wait3A_112 : memref<18432xi32, #tpu.memory_space<hbm>>) dst(%arg5 : memref<18432xi32, #tpu.memory_space<vmem>>)
        tpu.yield
      }) : () -> ()
      "tpu.region"() ({
        %run_scoped3A = tpu.sem_alloc : memref<!tpu.dma_semaphore, #tpu.memory_space<semaphore_mem>>
        %dma_start3A = tpu.memref_slice %arg3[%add3A_39, %mul3A_55] : memref<96x36864xf32, #tpu.memory_space<hbm>> -> memref<1x18432xf32, #tpu.memory_space<hbm>>
        %dma_start3A_107 = tpu.memref_squeeze %dma_start3A : memref<1x18432xf32, #tpu.memory_space<hbm>> -> memref<18432xf32, #tpu.memory_space<hbm>>
        %dma_start3A_108 = tpu.memref_slice %arg3[%add3A_39, %mul3A_55] : memref<96x36864xf32, #tpu.memory_space<hbm>> -> memref<1x18432xf32, #tpu.memory_space<hbm>>
        %dma_start3A_109 = tpu.memref_squeeze %dma_start3A_108 : memref<1x18432xf32, #tpu.memory_space<hbm>> -> memref<18432xf32, #tpu.memory_space<hbm>>
        tpu.enqueue_dma source(%dma_start3A_109 : memref<18432xf32, #tpu.memory_space<hbm>>) target(%arg6 : memref<18432xf32, #tpu.memory_space<vmem>>) target_semaphore(%run_scoped3A : memref<!tpu.dma_semaphore, #tpu.memory_space<semaphore_mem>>)
        %dma_wait3A = tpu.memref_slice %arg3[%add3A_39, %mul3A_55] : memref<96x36864xf32, #tpu.memory_space<hbm>> -> memref<1x18432xf32, #tpu.memory_space<hbm>>
        %dma_wait3A_110 = tpu.memref_squeeze %dma_wait3A : memref<1x18432xf32, #tpu.memory_space<hbm>> -> memref<18432xf32, #tpu.memory_space<hbm>>
        %dma_wait3A_111 = tpu.memref_slice %arg3[%add3A_39, %mul3A_55] : memref<96x36864xf32, #tpu.memory_space<hbm>> -> memref<1x18432xf32, #tpu.memory_space<hbm>>
        %dma_wait3A_112 = tpu.memref_squeeze %dma_wait3A_111 : memref<1x18432xf32, #tpu.memory_space<hbm>> -> memref<18432xf32, #tpu.memory_space<hbm>>
        tpu.wait_dma2 semaphore(%run_scoped3A : memref<!tpu.dma_semaphore, #tpu.memory_space<semaphore_mem>>) src(%dma_wait3A_112 : memref<18432xf32, #tpu.memory_space<hbm>>) dst(%arg6 : memref<18432xf32, #tpu.memory_space<vmem>>)
        tpu.yield
      }) : () -> ()
      "tpu.region"() ({
        %run_scoped3A = tpu.sem_alloc : memref<!tpu.dma_semaphore, #tpu.memory_space<semaphore_mem>>
        %dma_start3A = arith.constant 0 : i32
        %dma_start3A_107 = tpu.memref_slice %arg8[%dma_start3A] : memref<1179648xf32, #tpu.memory_space<vmem_shared>> -> memref<1179648xf32, #tpu.memory_space<vmem_shared>>
        tpu.enqueue_indirect_dma source(%arg6 : memref<18432xf32, #tpu.memory_space<vmem>>) target(%dma_start3A_107 : memref<1179648xf32, #tpu.memory_space<vmem_shared>>) offsets(%arg5 : memref<18432xi32, #tpu.memory_space<vmem>>) semaphore(%run_scoped3A : memref<!tpu.dma_semaphore, #tpu.memory_space<semaphore_mem>>) {add = true}
        %dma_wait3A = arith.constant 0 : i32
        %dma_wait3A_108 = tpu.memref_slice %arg8[%dma_wait3A] : memref<1179648xf32, #tpu.memory_space<vmem_shared>> -> memref<1179648xf32, #tpu.memory_space<vmem_shared>>
        tpu.wait_indirect_dma semaphore(%run_scoped3A : memref<!tpu.dma_semaphore, #tpu.memory_space<semaphore_mem>>) src(%arg6 : memref<18432xf32, #tpu.memory_space<vmem>>) dst(%dma_wait3A_108 : memref<1179648xf32, #tpu.memory_space<vmem_shared>>)
        tpu.yield
      }) : () -> ()
      %barrier3A_56 = arith.constant 0 : index
      tpu.barrier barrier_id(%barrier3A_56)
      %mul3A_57 = arith.constant 16 : i32
      %mul3A_58 = arith.muli %scan3A_11, %mul3A_57 : i32
      %mul3A_59 = arith.constant 8 : i32
      %mul3A_60 = arith.muli %arg0, %mul3A_59 : i32
      %add3A_61 = arith.addi %mul3A_58, %mul3A_60 : i32
      %jit3A_62 = arith.constant 2 : i32
      %div3A_63 = arith.divsi %arg1, %jit3A_62 : i32
      %sign3A_64 = arith.constant 0 : i32
      %sign3A_65 = arith.cmpi sgt, %arg1, %sign3A_64 : i32
      %sign3A_66 = arith.extui %sign3A_65 : i1 to i32
      %sign3A_67 = arith.constant 0 : i32
      %sign3A_68 = arith.cmpi slt, %arg1, %sign3A_67 : i32
      %sign3A_69 = arith.extui %sign3A_68 : i1 to i32
      %sign3A_70 = arith.subi %sign3A_66, %sign3A_69 : i32
      %sign3A_71 = arith.constant 0 : i32
      %sign3A_72 = arith.cmpi sgt, %jit3A_62, %sign3A_71 : i32
      %sign3A_73 = arith.extui %sign3A_72 : i1 to i32
      %sign3A_74 = arith.constant 0 : i32
      %sign3A_75 = arith.cmpi slt, %jit3A_62, %sign3A_74 : i32
      %sign3A_76 = arith.extui %sign3A_75 : i1 to i32
      %sign3A_77 = arith.subi %sign3A_73, %sign3A_76 : i32
      %ne3A_78 = arith.cmpi ne, %sign3A_70, %sign3A_77 : i32
      %rem3A_79 = arith.remsi %arg1, %jit3A_62 : i32
      %ne3A_80 = arith.constant 0 : i32
      %ne3A_81 = arith.cmpi ne, %rem3A_79, %ne3A_80 : i32
      %and3A_82 = arith.andi %ne3A_78, %ne3A_81 : i1
      %sub3A_83 = arith.constant 1 : i32
      %sub3A_84 = arith.subi %div3A_63, %sub3A_83 : i32
      %select_n3A_85 = arith.select %and3A_82, %sub3A_84, %div3A_63 : i32
      %add3A_86 = arith.addi %add3A_61, %select_n3A_85 : i32
      %jit3A_87 = arith.constant 2 : i32
      %eq3A_88 = arith.constant 0 : i32
      %eq3A_89 = arith.cmpi eq, %jit3A_87, %eq3A_88 : i32
      %jit3A_90 = arith.constant 1 : i32
      %select_n3A_91 = arith.select %eq3A_89, %jit3A_90, %jit3A_87 : i32
      %rem3A_92 = arith.remsi %arg1, %select_n3A_91 : i32
      %ne3A_93 = arith.constant 0 : i32
      %ne3A_94 = arith.cmpi ne, %rem3A_92, %ne3A_93 : i32
      %lt3A_95 = arith.constant 0 : i32
      %lt3A_96 = arith.cmpi slt, %rem3A_92, %lt3A_95 : i32
      %lt3A_97 = arith.constant 0 : i32
      %lt3A_98 = arith.cmpi slt, %select_n3A_91, %lt3A_97 : i32
      %ne3A_99 = arith.xori %lt3A_96, %lt3A_98 : i1
      %and3A_100 = arith.andi %ne3A_99, %ne3A_94 : i1
      %add3A_101 = arith.addi %rem3A_92, %select_n3A_91 : i32
      %select_n3A_102 = arith.select %and3A_100, %add3A_101, %rem3A_92 : i32
      %mul3A_103 = arith.constant 73728 : i32
      %mul3A_104 = arith.muli %select_n3A_102, %mul3A_103 : i32
      %mul3A_105 = arith.constant 73728 : i32
      %mul3A_106 = arith.muli %arg1, %mul3A_105 : i32
      "tpu.region"() ({
        %run_scoped3A = tpu.sem_alloc : memref<!tpu.dma_semaphore, #tpu.memory_space<semaphore_mem>>
        %dma_start3A = tpu.memref_slice %arg4[%add3A_86, %mul3A_104] : memref<96x147456xf32, #tpu.memory_space<hbm>> -> memref<1x73728xf32, #tpu.memory_space<hbm>>
        %dma_start3A_107 = tpu.memref_squeeze %dma_start3A : memref<1x73728xf32, #tpu.memory_space<hbm>> -> memref<73728xf32, #tpu.memory_space<hbm>>
        %dma_start3A_108 = tpu.memref_slice %arg8[%mul3A_106] : memref<1179648xf32, #tpu.memory_space<vmem_shared>> -> memref<73728xf32, #tpu.memory_space<vmem_shared>>
        tpu.enqueue_dma source(%dma_start3A_108 : memref<73728xf32, #tpu.memory_space<vmem_shared>>) target(%dma_start3A_107 : memref<73728xf32, #tpu.memory_space<hbm>>) target_semaphore(%run_scoped3A : memref<!tpu.dma_semaphore, #tpu.memory_space<semaphore_mem>>)
        %dma_wait3A = tpu.memref_slice %arg4[%add3A_86, %mul3A_104] : memref<96x147456xf32, #tpu.memory_space<hbm>> -> memref<1x73728xf32, #tpu.memory_space<hbm>>
        %dma_wait3A_109 = tpu.memref_squeeze %dma_wait3A : memref<1x73728xf32, #tpu.memory_space<hbm>> -> memref<73728xf32, #tpu.memory_space<hbm>>
        %dma_wait3A_110 = tpu.memref_slice %arg8[%mul3A_106] : memref<1179648xf32, #tpu.memory_space<vmem_shared>> -> memref<73728xf32, #tpu.memory_space<vmem_shared>>
        tpu.wait_dma2 semaphore(%run_scoped3A : memref<!tpu.dma_semaphore, #tpu.memory_space<semaphore_mem>>) src(%dma_wait3A_110 : memref<73728xf32, #tpu.memory_space<vmem_shared>>) dst(%dma_wait3A_109 : memref<73728xf32, #tpu.memory_space<hbm>>)
        tpu.yield
      }) : () -> ()
    }
    %scan3A_10 = arith.constant 6 : i32
    return
  }
}

#map = affine_map<(d0, d1) -> (0, 0)>
module attributes {stable_mosaic.version = 14 : i64} {
  func.func @_sc_body(%arg0: i32, %arg1: i32, %arg2: memref<96x36864xi32, #tpu.memory_space<hbm>>, %arg3: memref<96x36864xf32, #tpu.memory_space<hbm>>, %arg4: memref<96x147456xf32, #tpu.memory_space<hbm>>, %arg5: memref<18432xi32, #tpu.memory_space<vmem>>, %arg6: memref<18432xf32, #tpu.memory_space<vmem>>, %arg7: memref<18432xf32, #tpu.memory_space<vmem>>, %arg8: memref<1179648xf32, #tpu.memory_space<vmem_shared>>) attributes {dimension_semantics = [#tpu.dimension_semantics<core_parallel>, #tpu.dimension_semantics<subcore_parallel>], iteration_bounds = array<i64: 2, 16>, scalar_prefetch = 0 : i64, scratch_operands = 4 : i64, tpu.core_type = #tpu.core_type<sc_vector_subcore>, window_params = [{transform_indices = #map}, {transform_indices = #map}, {transform_indices = #map}]} {
    %scan3A = arith.constant 0 : i32
    %scan3A_0 = arith.constant 0 : i32
    %scan3A_1 = arith.constant 1152 : i32
    %scan3A_2 = arith.addi %scan3A_0, %scan3A_1 : i32
    %scan3A_3 = arith.constant 1 : i32
    scf.for %scan3A_11 = %scan3A_0 to %scan3A_2 step %scan3A_3  : i32 {
      %broadcast_in_dim3A = arith.constant 0.000000e+00 : f32
      %broadcast_in_dim3A_12 = vector.broadcast %broadcast_in_dim3A : f32 to vector<16xf32>
      %mul3A = arith.constant 16 : i32
      %mul3A_13 = arith.muli %scan3A_11, %mul3A : i32
      %swap3A = arith.index_cast %mul3A_13 : i32 to index
      %swap3A_14 = tpu.vector_load %arg7[%swap3A] {strides = array<i32>} : memref<18432xf32, #tpu.memory_space<vmem>>, vector<16xf32>,
      %swap3A_15 = vector.shape_cast %swap3A_14 : vector<16xf32> to vector<16xf32>
      %swap3A_16 = vector.shape_cast %broadcast_in_dim3A_12 : vector<16xf32> to vector<16xf32>
      tpu.vector_store %arg7[%swap3A], %swap3A_16 {strides = array<i32>} : memref<18432xf32, #tpu.memory_space<vmem>>, vector<16xf32>,
    }
    %scan3A_4 = arith.constant 1152 : i32
    %scan3A_5 = arith.constant 0 : i32
    %scan3A_6 = arith.constant 0 : i32
    %scan3A_7 = arith.constant 6 : i32
    %scan3A_8 = arith.addi %scan3A_6, %scan3A_7 : i32
    %scan3A_9 = arith.constant 1 : i32
    scf.for %scan3A_11 = %scan3A_6 to %scan3A_8 step %scan3A_9  : i32 {
      %mul3A = arith.constant 73728 : i32
      %mul3A_12 = arith.muli %arg1, %mul3A : i32
      %scan3A_13 = arith.constant 0 : i32
      %scan3A_14 = arith.constant 0 : i32
      %scan3A_15 = arith.constant 4 : i32
      %scan3A_16 = arith.addi %scan3A_14, %scan3A_15 : i32
      %scan3A_17 = arith.constant 1 : i32
      scf.for %scan3A_107 = %scan3A_14 to %scan3A_16 step %scan3A_17  : i32 {
        %mul3A_108 = arith.constant 18432 : i32
        %mul3A_109 = arith.muli %scan3A_107, %mul3A_108 : i32
        %add3A_110 = arith.addi %mul3A_12, %mul3A_109 : i32
        "tpu.region"() ({
          %run_scoped3A = tpu.sem_alloc : memref<!tpu.dma_semaphore, #tpu.memory_space<semaphore_mem>>
          %dma_start3A = tpu.memref_slice %arg8[%add3A_110] : memref<1179648xf32, #tpu.memory_space<vmem_shared>> -> memref<18432xf32, #tpu.memory_space<vmem_shared>>
          %dma_start3A_111 = tpu.memref_slice %arg8[%add3A_110] : memref<1179648xf32, #tpu.memory_space<vmem_shared>> -> memref<18432xf32, #tpu.memory_space<vmem_shared>>
          tpu.enqueue_dma source(%arg7 : memref<18432xf32, #tpu.memory_space<vmem>>) target(%dma_start3A_111 : memref<18432xf32, #tpu.memory_space<vmem_shared>>) target_semaphore(%run_scoped3A : memref<!tpu.dma_semaphore, #tpu.memory_space<semaphore_mem>>)
          %dma_wait3A = tpu.memref_slice %arg8[%add3A_110] : memref<1179648xf32, #tpu.memory_space<vmem_shared>> -> memref<18432xf32, #tpu.memory_space<vmem_shared>>
          %dma_wait3A_112 = tpu.memref_slice %arg8[%add3A_110] : memref<1179648xf32, #tpu.memory_space<vmem_shared>> -> memref<18432xf32, #tpu.memory_space<vmem_shared>>
          tpu.wait_dma2 semaphore(%run_scoped3A : memref<!tpu.dma_semaphore, #tpu.memory_space<semaphore_mem>>) src(%arg7 : memref<18432xf32, #tpu.memory_space<vmem>>) dst(%dma_wait3A_112 : memref<18432xf32, #tpu.memory_space<vmem_shared>>)
          tpu.yield
        }) : () -> ()
      }
      %scan3A_18 = arith.constant 4 : i32
      %barrier3A = arith.constant 0 : index
      tpu.barrier barrier_id(%barrier3A)
      %mul3A_19 = arith.constant 16 : i32
      %mul3A_20 = arith.muli %scan3A_11, %mul3A_19 : i32
      %mul3A_21 = arith.constant 8 : i32
      %mul3A_22 = arith.muli %arg0, %mul3A_21 : i32
      %add3A = arith.addi %mul3A_20, %mul3A_22 : i32
      %jit3A = arith.constant 2 : i32
      %div3A = arith.divsi %arg1, %jit3A : i32
      %sign3A = arith.constant 0 : i32
      %sign3A_23 = arith.cmpi sgt, %arg1, %sign3A : i32
      %sign3A_24 = arith.extui %sign3A_23 : i1 to i32
      %sign3A_25 = arith.constant 0 : i32
      %sign3A_26 = arith.cmpi slt, %arg1, %sign3A_25 : i32
      %sign3A_27 = arith.extui %sign3A_26 : i1 to i32
      %sign3A_28 = arith.subi %sign3A_24, %sign3A_27 : i32
      %sign3A_29 = arith.constant 0 : i32
      %sign3A_30 = arith.cmpi sgt, %jit3A, %sign3A_29 : i32
      %sign3A_31 = arith.extui %sign3A_30 : i1 to i32
      %sign3A_32 = arith.constant 0 : i32
      %sign3A_33 = arith.cmpi slt, %jit3A, %sign3A_32 : i32
      %sign3A_34 = arith.extui %sign3A_33 : i1 to i32
      %sign3A_35 = arith.subi %sign3A_31, %sign3A_34 : i32
      %ne3A = arith.cmpi ne, %sign3A_28, %sign3A_35 : i32
      %rem3A = arith.remsi %arg1, %jit3A : i32
      %ne3A_36 = arith.constant 0 : i32
      %ne3A_37 = arith.cmpi ne, %rem3A, %ne3A_36 : i32
      %and3A = arith.andi %ne3A, %ne3A_37 : i1
      %sub3A = arith.constant 1 : i32
      %sub3A_38 = arith.subi %div3A, %sub3A : i32
      %select_n3A = arith.select %and3A, %sub3A_38, %div3A : i32
      %add3A_39 = arith.addi %add3A, %select_n3A : i32
      %jit3A_40 = arith.constant 2 : i32
      %eq3A = arith.constant 0 : i32
      %eq3A_41 = arith.cmpi eq, %jit3A_40, %eq3A : i32
      %jit3A_42 = arith.constant 1 : i32
      %select_n3A_43 = arith.select %eq3A_41, %jit3A_42, %jit3A_40 : i32
      %rem3A_44 = arith.remsi %arg1, %select_n3A_43 : i32
      %ne3A_45 = arith.constant 0 : i32
      %ne3A_46 = arith.cmpi ne, %rem3A_44, %ne3A_45 : i32
      %lt3A = arith.constant 0 : i32
      %lt3A_47 = arith.cmpi slt, %rem3A_44, %lt3A : i32
      %lt3A_48 = arith.constant 0 : i32
      %lt3A_49 = arith.cmpi slt, %select_n3A_43, %lt3A_48 : i32
      %ne3A_50 = arith.xori %lt3A_47, %lt3A_49 : i1
      %and3A_51 = arith.andi %ne3A_50, %ne3A_46 : i1
      %add3A_52 = arith.addi %rem3A_44, %select_n3A_43 : i32
      %select_n3A_53 = arith.select %and3A_51, %add3A_52, %rem3A_44 : i32
      %mul3A_54 = arith.constant 18432 : i32
      %mul3A_55 = arith.muli %select_n3A_53, %mul3A_54 : i32
      "tpu.region"() ({
        %run_scoped3A = tpu.sem_alloc : memref<!tpu.dma_semaphore, #tpu.memory_space<semaphore_mem>>
        %dma_start3A = tpu.memref_slice %arg2[%add3A_39, %mul3A_55] : memref<96x36864xi32, #tpu.memory_space<hbm>> -> memref<1x18432xi32, #tpu.memory_space<hbm>>
        %dma_start3A_107 = tpu.memref_squeeze %dma_start3A : memref<1x18432xi32, #tpu.memory_space<hbm>> -> memref<18432xi32, #tpu.memory_space<hbm>>
        %dma_start3A_108 = tpu.memref_slice %arg2[%add3A_39, %mul3A_55] : memref<96x36864xi32, #tpu.memory_space<hbm>> -> memref<1x18432xi32, #tpu.memory_space<hbm>>
        %dma_start3A_109 = tpu.memref_squeeze %dma_start3A_108 : memref<1x18432xi32, #tpu.memory_space<hbm>> -> memref<18432xi32, #tpu.memory_space<hbm>>
        tpu.enqueue_dma source(%dma_start3A_109 : memref<18432xi32, #tpu.memory_space<hbm>>) target(%arg5 : memref<18432xi32, #tpu.memory_space<vmem>>) target_semaphore(%run_scoped3A : memref<!tpu.dma_semaphore, #tpu.memory_space<semaphore_mem>>)
        %dma_wait3A = tpu.memref_slice %arg2[%add3A_39, %mul3A_55] : memref<96x36864xi32, #tpu.memory_space<hbm>> -> memref<1x18432xi32, #tpu.memory_space<hbm>>
        %dma_wait3A_110 = tpu.memref_squeeze %dma_wait3A : memref<1x18432xi32, #tpu.memory_space<hbm>> -> memref<18432xi32, #tpu.memory_space<hbm>>
        %dma_wait3A_111 = tpu.memref_slice %arg2[%add3A_39, %mul3A_55] : memref<96x36864xi32, #tpu.memory_space<hbm>> -> memref<1x18432xi32, #tpu.memory_space<hbm>>
        %dma_wait3A_112 = tpu.memref_squeeze %dma_wait3A_111 : memref<1x18432xi32, #tpu.memory_space<hbm>> -> memref<18432xi32, #tpu.memory_space<hbm>>
        tpu.wait_dma2 semaphore(%run_scoped3A : memref<!tpu.dma_semaphore, #tpu.memory_space<semaphore_mem>>) src(%dma_wait3A_112 : memref<18432xi32, #tpu.memory_space<hbm>>) dst(%arg5 : memref<18432xi32, #tpu.memory_space<vmem>>)
        tpu.yield
      }) : () -> ()
      "tpu.region"() ({
        %run_scoped3A = tpu.sem_alloc : memref<!tpu.dma_semaphore, #tpu.memory_space<semaphore_mem>>
        %dma_start3A = tpu.memref_slice %arg3[%add3A_39, %mul3A_55] : memref<96x36864xf32, #tpu.memory_space<hbm>> -> memref<1x18432xf32, #tpu.memory_space<hbm>>
        %dma_start3A_107 = tpu.memref_squeeze %dma_start3A : memref<1x18432xf32, #tpu.memory_space<hbm>> -> memref<18432xf32, #tpu.memory_space<hbm>>
        %dma_start3A_108 = tpu.memref_slice %arg3[%add3A_39, %mul3A_55] : memref<96x36864xf32, #tpu.memory_space<hbm>> -> memref<1x18432xf32, #tpu.memory_space<hbm>>
        %dma_start3A_109 = tpu.memref_squeeze %dma_start3A_108 : memref<1x18432xf32, #tpu.memory_space<hbm>> -> memref<18432xf32, #tpu.memory_space<hbm>>
        tpu.enqueue_dma source(%dma_start3A_109 : memref<18432xf32, #tpu.memory_space<hbm>>) target(%arg6 : memref<18432xf32, #tpu.memory_space<vmem>>) target_semaphore(%run_scoped3A : memref<!tpu.dma_semaphore, #tpu.memory_space<semaphore_mem>>)
        %dma_wait3A = tpu.memref_slice %arg3[%add3A_39, %mul3A_55] : memref<96x36864xf32, #tpu.memory_space<hbm>> -> memref<1x18432xf32, #tpu.memory_space<hbm>>
        %dma_wait3A_110 = tpu.memref_squeeze %dma_wait3A : memref<1x18432xf32, #tpu.memory_space<hbm>> -> memref<18432xf32, #tpu.memory_space<hbm>>
        %dma_wait3A_111 = tpu.memref_slice %arg3[%add3A_39, %mul3A_55] : memref<96x36864xf32, #tpu.memory_space<hbm>> -> memref<1x18432xf32, #tpu.memory_space<hbm>>
        %dma_wait3A_112 = tpu.memref_squeeze %dma_wait3A_111 : memref<1x18432xf32, #tpu.memory_space<hbm>> -> memref<18432xf32, #tpu.memory_space<hbm>>
        tpu.wait_dma2 semaphore(%run_scoped3A : memref<!tpu.dma_semaphore, #tpu.memory_space<semaphore_mem>>) src(%dma_wait3A_112 : memref<18432xf32, #tpu.memory_space<hbm>>) dst(%arg6 : memref<18432xf32, #tpu.memory_space<vmem>>)
        tpu.yield
      }) : () -> ()
      "tpu.region"() ({
        %run_scoped3A = tpu.sem_alloc : memref<!tpu.dma_semaphore, #tpu.memory_space<semaphore_mem>>
        %dma_start3A = arith.constant 0 : i32
        %dma_start3A_107 = tpu.memref_slice %arg8[%dma_start3A] : memref<1179648xf32, #tpu.memory_space<vmem_shared>> -> memref<1179648xf32, #tpu.memory_space<vmem_shared>>
        tpu.enqueue_indirect_dma source(%arg6 : memref<18432xf32, #tpu.memory_space<vmem>>) target(%dma_start3A_107 : memref<1179648xf32, #tpu.memory_space<vmem_shared>>) offsets(%arg5 : memref<18432xi32, #tpu.memory_space<vmem>>) semaphore(%run_scoped3A : memref<!tpu.dma_semaphore, #tpu.memory_space<semaphore_mem>>) {add = true}
        %dma_wait3A = arith.constant 0 : i32
        %dma_wait3A_108 = tpu.memref_slice %arg8[%dma_wait3A] : memref<1179648xf32, #tpu.memory_space<vmem_shared>> -> memref<1179648xf32, #tpu.memory_space<vmem_shared>>
        tpu.wait_indirect_dma semaphore(%run_scoped3A : memref<!tpu.dma_semaphore, #tpu.memory_space<semaphore_mem>>) src(%arg6 : memref<18432xf32, #tpu.memory_space<vmem>>) dst(%dma_wait3A_108 : memref<1179648xf32, #tpu.memory_space<vmem_shared>>)
        tpu.yield
      }) : () -> ()
      %barrier3A_56 = arith.constant 0 : index
      tpu.barrier barrier_id(%barrier3A_56)
      %mul3A_57 = arith.constant 16 : i32
      %mul3A_58 = arith.muli %scan3A_11, %mul3A_57 : i32
      %mul3A_59 = arith.constant 8 : i32
      %mul3A_60 = arith.muli %arg0, %mul3A_59 : i32
      %add3A_61 = arith.addi %mul3A_58, %mul3A_60 : i32
      %jit3A_62 = arith.constant 2 : i32
      %div3A_63 = arith.divsi %arg1, %jit3A_62 : i32
      %sign3A_64 = arith.constant 0 : i32
      %sign3A_65 = arith.cmpi sgt, %arg1, %sign3A_64 : i32
      %sign3A_66 = arith.extui %sign3A_65 : i1 to i32
      %sign3A_67 = arith.constant 0 : i32
      %sign3A_68 = arith.cmpi slt, %arg1, %sign3A_67 : i32
      %sign3A_69 = arith.extui %sign3A_68 : i1 to i32
      %sign3A_70 = arith.subi %sign3A_66, %sign3A_69 : i32
      %sign3A_71 = arith.constant 0 : i32
      %sign3A_72 = arith.cmpi sgt, %jit3A_62, %sign3A_71 : i32
      %sign3A_73 = arith.extui %sign3A_72 : i1 to i32
      %sign3A_74 = arith.constant 0 : i32
      %sign3A_75 = arith.cmpi slt, %jit3A_62, %sign3A_74 : i32
      %sign3A_76 = arith.extui %sign3A_75 : i1 to i32
      %sign3A_77 = arith.subi %sign3A_73, %sign3A_76 : i32
      %ne3A_78 = arith.cmpi ne, %sign3A_70, %sign3A_77 : i32
      %rem3A_79 = arith.remsi %arg1, %jit3A_62 : i32
      %ne3A_80 = arith.constant 0 : i32
      %ne3A_81 = arith.cmpi ne, %rem3A_79, %ne3A_80 : i32
      %and3A_82 = arith.andi %ne3A_78, %ne3A_81 : i1
      %sub3A_83 = arith.constant 1 : i32
      %sub3A_84 = arith.subi %div3A_63, %sub3A_83 : i32
      %select_n3A_85 = arith.select %and3A_82, %sub3A_84, %div3A_63 : i32
      %add3A_86 = arith.addi %add3A_61, %select_n3A_85 : i32
      %jit3A_87 = arith.constant 2 : i32
      %eq3A_88 = arith.constant 0 : i32
      %eq3A_89 = arith.cmpi eq, %jit3A_87, %eq3A_88 : i32
      %jit3A_90 = arith.constant 1 : i32
      %select_n3A_91 = arith.select %eq3A_89, %jit3A_90, %jit3A_87 : i32
      %rem3A_92 = arith.remsi %arg1, %select_n3A_91 : i32
      %ne3A_93 = arith.constant 0 : i32
      %ne3A_94 = arith.cmpi ne, %rem3A_92, %ne3A_93 : i32
      %lt3A_95 = arith.constant 0 : i32
      %lt3A_96 = arith.cmpi slt, %rem3A_92, %lt3A_95 : i32
      %lt3A_97 = arith.constant 0 : i32
      %lt3A_98 = arith.cmpi slt, %select_n3A_91, %lt3A_97 : i32
      %ne3A_99 = arith.xori %lt3A_96, %lt3A_98 : i1
      %and3A_100 = arith.andi %ne3A_99, %ne3A_94 : i1
      %add3A_101 = arith.addi %rem3A_92, %select_n3A_91 : i32
      %select_n3A_102 = arith.select %and3A_100, %add3A_101, %rem3A_92 : i32
      %mul3A_103 = arith.constant 73728 : i32
      %mul3A_104 = arith.muli %select_n3A_102, %mul3A_103 : i32
      %mul3A_105 = arith.constant 73728 : i32
      %mul3A_106 = arith.muli %arg1, %mul3A_105 : i32
      "tpu.region"() ({
        %run_scoped3A = tpu.sem_alloc : memref<!tpu.dma_semaphore, #tpu.memory_space<semaphore_mem>>
        %dma_start3A = tpu.memref_slice %arg4[%add3A_86, %mul3A_104] : memref<96x147456xf32, #tpu.memory_space<hbm>> -> memref<1x73728xf32, #tpu.memory_space<hbm>>
        %dma_start3A_107 = tpu.memref_squeeze %dma_start3A : memref<1x73728xf32, #tpu.memory_space<hbm>> -> memref<73728xf32, #tpu.memory_space<hbm>>
        %dma_start3A_108 = tpu.memref_slice %arg8[%mul3A_106] : memref<1179648xf32, #tpu.memory_space<vmem_shared>> -> memref<73728xf32, #tpu.memory_space<vmem_shared>>
        tpu.enqueue_dma source(%dma_start3A_108 : memref<73728xf32, #tpu.memory_space<vmem_shared>>) target(%dma_start3A_107 : memref<73728xf32, #tpu.memory_space<hbm>>) target_semaphore(%run_scoped3A : memref<!tpu.dma_semaphore, #tpu.memory_space<semaphore_mem>>)
        %dma_wait3A = tpu.memref_slice %arg4[%add3A_86, %mul3A_104] : memref<96x147456xf32, #tpu.memory_space<hbm>> -> memref<1x73728xf32, #tpu.memory_space<hbm>>
        %dma_wait3A_109 = tpu.memref_squeeze %dma_wait3A : memref<1x73728xf32, #tpu.memory_space<hbm>> -> memref<73728xf32, #tpu.memory_space<hbm>>
        %dma_wait3A_110 = tpu.memref_slice %arg8[%mul3A_106] : memref<1179648xf32, #tpu.memory_space<vmem_shared>> -> memref<73728xf32, #tpu.memory_space<vmem_shared>>
        tpu.wait_dma2 semaphore(%run_scoped3A : memref<!tpu.dma_semaphore, #tpu.memory_space<semaphore_mem>>) src(%dma_wait3A_110 : memref<73728xf32, #tpu.memory_space<vmem_shared>>) dst(%dma_wait3A_109 : memref<73728xf32, #tpu.memory_space<hbm>>)
        tpu.yield
      }) : () -> ()
    }
    %scan3A_10 = arith.constant 6 : i32
    return
  }
}

#map = affine_map<(d0, d1) -> (0, 0)>
module attributes {stable_mosaic.version = 14 : i64} {
  func.func @_sc_body(%arg0: i32, %arg1: i32, %arg2: memref<96x36864xi32, #tpu.memory_space<hbm>>, %arg3: memref<96x36864xf32, #tpu.memory_space<hbm>>, %arg4: memref<96x147456xf32, #tpu.memory_space<hbm>>, %arg5: memref<18432xi32, #tpu.memory_space<vmem>>, %arg6: memref<18432xf32, #tpu.memory_space<vmem>>, %arg7: memref<18432xf32, #tpu.memory_space<vmem>>, %arg8: memref<1179648xf32, #tpu.memory_space<vmem_shared>>) attributes {dimension_semantics = [#tpu.dimension_semantics<core_parallel>, #tpu.dimension_semantics<subcore_parallel>], iteration_bounds = array<i64: 2, 16>, scalar_prefetch = 0 : i64, scratch_operands = 4 : i64, tpu.core_type = #tpu.core_type<sc_vector_subcore>, window_params = [{transform_indices = #map}, {transform_indices = #map}, {transform_indices = #map}]} {
    %scan3A = arith.constant 0 : i32
    %scan3A_0 = arith.constant 0 : i32
    %scan3A_1 = arith.constant 1152 : i32
    %scan3A_2 = arith.addi %scan3A_0, %scan3A_1 : i32
    %scan3A_3 = arith.constant 1 : i32
    scf.for %scan3A_11 = %scan3A_0 to %scan3A_2 step %scan3A_3  : i32 {
      %broadcast_in_dim3A = arith.constant 0.000000e+00 : f32
      %broadcast_in_dim3A_12 = vector.broadcast %broadcast_in_dim3A : f32 to vector<16xf32>
      %mul3A = arith.constant 16 : i32
      %mul3A_13 = arith.muli %scan3A_11, %mul3A : i32
      %swap3A = arith.index_cast %mul3A_13 : i32 to index
      %swap3A_14 = tpu.vector_load %arg7[%swap3A] {strides = array<i32>} : memref<18432xf32, #tpu.memory_space<vmem>>, vector<16xf32>,
      %swap3A_15 = vector.shape_cast %swap3A_14 : vector<16xf32> to vector<16xf32>
      %swap3A_16 = vector.shape_cast %broadcast_in_dim3A_12 : vector<16xf32> to vector<16xf32>
      tpu.vector_store %arg7[%swap3A], %swap3A_16 {strides = array<i32>} : memref<18432xf32, #tpu.memory_space<vmem>>, vector<16xf32>,
    }
    %scan3A_4 = arith.constant 1152 : i32
    %scan3A_5 = arith.constant 0 : i32
    %scan3A_6 = arith.constant 0 : i32
    %scan3A_7 = arith.constant 6 : i32
    %scan3A_8 = arith.addi %scan3A_6, %scan3A_7 : i32
    %scan3A_9 = arith.constant 1 : i32
    scf.for %scan3A_11 = %scan3A_6 to %scan3A_8 step %scan3A_9  : i32 {
      %mul3A = arith.constant 73728 : i32
      %mul3A_12 = arith.muli %arg1, %mul3A : i32
      %scan3A_13 = arith.constant 0 : i32
      %scan3A_14 = arith.constant 0 : i32
      %scan3A_15 = arith.constant 4 : i32
      %scan3A_16 = arith.addi %scan3A_14, %scan3A_15 : i32
      %scan3A_17 = arith.constant 1 : i32
      scf.for %scan3A_107 = %scan3A_14 to %scan3A_16 step %scan3A_17  : i32 {
        %mul3A_108 = arith.constant 18432 : i32
        %mul3A_109 = arith.muli %scan3A_107, %mul3A_108 : i32
        %add3A_110 = arith.addi %mul3A_12, %mul3A_109 : i32
        "tpu.region"() ({
          %run_scoped3A = tpu.sem_alloc : memref<!tpu.dma_semaphore, #tpu.memory_space<semaphore_mem>>
          %dma_start3A = tpu.memref_slice %arg8[%add3A_110] : memref<1179648xf32, #tpu.memory_space<vmem_shared>> -> memref<18432xf32, #tpu.memory_space<vmem_shared>>
          %dma_start3A_111 = tpu.memref_slice %arg8[%add3A_110] : memref<1179648xf32, #tpu.memory_space<vmem_shared>> -> memref<18432xf32, #tpu.memory_space<vmem_shared>>
          tpu.enqueue_dma source(%arg7 : memref<18432xf32, #tpu.memory_space<vmem>>) target(%dma_start3A_111 : memref<18432xf32, #tpu.memory_space<vmem_shared>>) target_semaphore(%run_scoped3A : memref<!tpu.dma_semaphore, #tpu.memory_space<semaphore_mem>>)
          %dma_wait3A = tpu.memref_slice %arg8[%add3A_110] : memref<1179648xf32, #tpu.memory_space<vmem_shared>> -> memref<18432xf32, #tpu.memory_space<vmem_shared>>
          %dma_wait3A_112 = tpu.memref_slice %arg8[%add3A_110] : memref<1179648xf32, #tpu.memory_space<vmem_shared>> -> memref<18432xf32, #tpu.memory_space<vmem_shared>>
          tpu.wait_dma2 semaphore(%run_scoped3A : memref<!tpu.dma_semaphore, #tpu.memory_space<semaphore_mem>>) src(%arg7 : memref<18432xf32, #tpu.memory_space<vmem>>) dst(%dma_wait3A_112 : memref<18432xf32, #tpu.memory_space<vmem_shared>>)
          tpu.yield
        }) : () -> ()
      }
      %scan3A_18 = arith.constant 4 : i32
      %barrier3A = arith.constant 0 : index
      tpu.barrier barrier_id(%barrier3A)
      %mul3A_19 = arith.constant 16 : i32
      %mul3A_20 = arith.muli %scan3A_11, %mul3A_19 : i32
      %mul3A_21 = arith.constant 8 : i32
      %mul3A_22 = arith.muli %arg0, %mul3A_21 : i32
      %add3A = arith.addi %mul3A_20, %mul3A_22 : i32
      %jit3A = arith.constant 2 : i32
      %div3A = arith.divsi %arg1, %jit3A : i32
      %sign3A = arith.constant 0 : i32
      %sign3A_23 = arith.cmpi sgt, %arg1, %sign3A : i32
      %sign3A_24 = arith.extui %sign3A_23 : i1 to i32
      %sign3A_25 = arith.constant 0 : i32
      %sign3A_26 = arith.cmpi slt, %arg1, %sign3A_25 : i32
      %sign3A_27 = arith.extui %sign3A_26 : i1 to i32
      %sign3A_28 = arith.subi %sign3A_24, %sign3A_27 : i32
      %sign3A_29 = arith.constant 0 : i32
      %sign3A_30 = arith.cmpi sgt, %jit3A, %sign3A_29 : i32
      %sign3A_31 = arith.extui %sign3A_30 : i1 to i32
      %sign3A_32 = arith.constant 0 : i32
      %sign3A_33 = arith.cmpi slt, %jit3A, %sign3A_32 : i32
      %sign3A_34 = arith.extui %sign3A_33 : i1 to i32
      %sign3A_35 = arith.subi %sign3A_31, %sign3A_34 : i32
      %ne3A = arith.cmpi ne, %sign3A_28, %sign3A_35 : i32
      %rem3A = arith.remsi %arg1, %jit3A : i32
      %ne3A_36 = arith.constant 0 : i32
      %ne3A_37 = arith.cmpi ne, %rem3A, %ne3A_36 : i32
      %and3A = arith.andi %ne3A, %ne3A_37 : i1
      %sub3A = arith.constant 1 : i32
      %sub3A_38 = arith.subi %div3A, %sub3A : i32
      %select_n3A = arith.select %and3A, %sub3A_38, %div3A : i32
      %add3A_39 = arith.addi %add3A, %select_n3A : i32
      %jit3A_40 = arith.constant 2 : i32
      %eq3A = arith.constant 0 : i32
      %eq3A_41 = arith.cmpi eq, %jit3A_40, %eq3A : i32
      %jit3A_42 = arith.constant 1 : i32
      %select_n3A_43 = arith.select %eq3A_41, %jit3A_42, %jit3A_40 : i32
      %rem3A_44 = arith.remsi %arg1, %select_n3A_43 : i32
      %ne3A_45 = arith.constant 0 : i32
      %ne3A_46 = arith.cmpi ne, %rem3A_44, %ne3A_45 : i32
      %lt3A = arith.constant 0 : i32
      %lt3A_47 = arith.cmpi slt, %rem3A_44, %lt3A : i32
      %lt3A_48 = arith.constant 0 : i32
      %lt3A_49 = arith.cmpi slt, %select_n3A_43, %lt3A_48 : i32
      %ne3A_50 = arith.xori %lt3A_47, %lt3A_49 : i1
      %and3A_51 = arith.andi %ne3A_50, %ne3A_46 : i1
      %add3A_52 = arith.addi %rem3A_44, %select_n3A_43 : i32
      %select_n3A_53 = arith.select %and3A_51, %add3A_52, %rem3A_44 : i32
      %mul3A_54 = arith.constant 18432 : i32
      %mul3A_55 = arith.muli %select_n3A_53, %mul3A_54 : i32
      "tpu.region"() ({
        %run_scoped3A = tpu.sem_alloc : memref<!tpu.dma_semaphore, #tpu.memory_space<semaphore_mem>>
        %dma_start3A = tpu.memref_slice %arg2[%add3A_39, %mul3A_55] : memref<96x36864xi32, #tpu.memory_space<hbm>> -> memref<1x18432xi32, #tpu.memory_space<hbm>>
        %dma_start3A_107 = tpu.memref_squeeze %dma_start3A : memref<1x18432xi32, #tpu.memory_space<hbm>> -> memref<18432xi32, #tpu.memory_space<hbm>>
        %dma_start3A_108 = tpu.memref_slice %arg2[%add3A_39, %mul3A_55] : memref<96x36864xi32, #tpu.memory_space<hbm>> -> memref<1x18432xi32, #tpu.memory_space<hbm>>
        %dma_start3A_109 = tpu.memref_squeeze %dma_start3A_108 : memref<1x18432xi32, #tpu.memory_space<hbm>> -> memref<18432xi32, #tpu.memory_space<hbm>>
        tpu.enqueue_dma source(%dma_start3A_109 : memref<18432xi32, #tpu.memory_space<hbm>>) target(%arg5 : memref<18432xi32, #tpu.memory_space<vmem>>) target_semaphore(%run_scoped3A : memref<!tpu.dma_semaphore, #tpu.memory_space<semaphore_mem>>)
        %dma_wait3A = tpu.memref_slice %arg2[%add3A_39, %mul3A_55] : memref<96x36864xi32, #tpu.memory_space<hbm>> -> memref<1x18432xi32, #tpu.memory_space<hbm>>
        %dma_wait3A_110 = tpu.memref_squeeze %dma_wait3A : memref<1x18432xi32, #tpu.memory_space<hbm>> -> memref<18432xi32, #tpu.memory_space<hbm>>
        %dma_wait3A_111 = tpu.memref_slice %arg2[%add3A_39, %mul3A_55] : memref<96x36864xi32, #tpu.memory_space<hbm>> -> memref<1x18432xi32, #tpu.memory_space<hbm>>
        %dma_wait3A_112 = tpu.memref_squeeze %dma_wait3A_111 : memref<1x18432xi32, #tpu.memory_space<hbm>> -> memref<18432xi32, #tpu.memory_space<hbm>>
        tpu.wait_dma2 semaphore(%run_scoped3A : memref<!tpu.dma_semaphore, #tpu.memory_space<semaphore_mem>>) src(%dma_wait3A_112 : memref<18432xi32, #tpu.memory_space<hbm>>) dst(%arg5 : memref<18432xi32, #tpu.memory_space<vmem>>)
        tpu.yield
      }) : () -> ()
      "tpu.region"() ({
        %run_scoped3A = tpu.sem_alloc : memref<!tpu.dma_semaphore, #tpu.memory_space<semaphore_mem>>
        %dma_start3A = tpu.memref_slice %arg3[%add3A_39, %mul3A_55] : memref<96x36864xf32, #tpu.memory_space<hbm>> -> memref<1x18432xf32, #tpu.memory_space<hbm>>
        %dma_start3A_107 = tpu.memref_squeeze %dma_start3A : memref<1x18432xf32, #tpu.memory_space<hbm>> -> memref<18432xf32, #tpu.memory_space<hbm>>
        %dma_start3A_108 = tpu.memref_slice %arg3[%add3A_39, %mul3A_55] : memref<96x36864xf32, #tpu.memory_space<hbm>> -> memref<1x18432xf32, #tpu.memory_space<hbm>>
        %dma_start3A_109 = tpu.memref_squeeze %dma_start3A_108 : memref<1x18432xf32, #tpu.memory_space<hbm>> -> memref<18432xf32, #tpu.memory_space<hbm>>
        tpu.enqueue_dma source(%dma_start3A_109 : memref<18432xf32, #tpu.memory_space<hbm>>) target(%arg6 : memref<18432xf32, #tpu.memory_space<vmem>>) target_semaphore(%run_scoped3A : memref<!tpu.dma_semaphore, #tpu.memory_space<semaphore_mem>>)
        %dma_wait3A = tpu.memref_slice %arg3[%add3A_39, %mul3A_55] : memref<96x36864xf32, #tpu.memory_space<hbm>> -> memref<1x18432xf32, #tpu.memory_space<hbm>>
        %dma_wait3A_110 = tpu.memref_squeeze %dma_wait3A : memref<1x18432xf32, #tpu.memory_space<hbm>> -> memref<18432xf32, #tpu.memory_space<hbm>>
        %dma_wait3A_111 = tpu.memref_slice %arg3[%add3A_39, %mul3A_55] : memref<96x36864xf32, #tpu.memory_space<hbm>> -> memref<1x18432xf32, #tpu.memory_space<hbm>>
        %dma_wait3A_112 = tpu.memref_squeeze %dma_wait3A_111 : memref<1x18432xf32, #tpu.memory_space<hbm>> -> memref<18432xf32, #tpu.memory_space<hbm>>
        tpu.wait_dma2 semaphore(%run_scoped3A : memref<!tpu.dma_semaphore, #tpu.memory_space<semaphore_mem>>) src(%dma_wait3A_112 : memref<18432xf32, #tpu.memory_space<hbm>>) dst(%arg6 : memref<18432xf32, #tpu.memory_space<vmem>>)
        tpu.yield
      }) : () -> ()
      "tpu.region"() ({
        %run_scoped3A = tpu.sem_alloc : memref<!tpu.dma_semaphore, #tpu.memory_space<semaphore_mem>>
        %dma_start3A = arith.constant 0 : i32
        %dma_start3A_107 = tpu.memref_slice %arg8[%dma_start3A] : memref<1179648xf32, #tpu.memory_space<vmem_shared>> -> memref<1179648xf32, #tpu.memory_space<vmem_shared>>
        tpu.enqueue_indirect_dma source(%arg6 : memref<18432xf32, #tpu.memory_space<vmem>>) target(%dma_start3A_107 : memref<1179648xf32, #tpu.memory_space<vmem_shared>>) offsets(%arg5 : memref<18432xi32, #tpu.memory_space<vmem>>) semaphore(%run_scoped3A : memref<!tpu.dma_semaphore, #tpu.memory_space<semaphore_mem>>) {add = true}
        %dma_wait3A = arith.constant 0 : i32
        %dma_wait3A_108 = tpu.memref_slice %arg8[%dma_wait3A] : memref<1179648xf32, #tpu.memory_space<vmem_shared>> -> memref<1179648xf32, #tpu.memory_space<vmem_shared>>
        tpu.wait_indirect_dma semaphore(%run_scoped3A : memref<!tpu.dma_semaphore, #tpu.memory_space<semaphore_mem>>) src(%arg6 : memref<18432xf32, #tpu.memory_space<vmem>>) dst(%dma_wait3A_108 : memref<1179648xf32, #tpu.memory_space<vmem_shared>>)
        tpu.yield
      }) : () -> ()
      %barrier3A_56 = arith.constant 0 : index
      tpu.barrier barrier_id(%barrier3A_56)
      %mul3A_57 = arith.constant 16 : i32
      %mul3A_58 = arith.muli %scan3A_11, %mul3A_57 : i32
      %mul3A_59 = arith.constant 8 : i32
      %mul3A_60 = arith.muli %arg0, %mul3A_59 : i32
      %add3A_61 = arith.addi %mul3A_58, %mul3A_60 : i32
      %jit3A_62 = arith.constant 2 : i32
      %div3A_63 = arith.divsi %arg1, %jit3A_62 : i32
      %sign3A_64 = arith.constant 0 : i32
      %sign3A_65 = arith.cmpi sgt, %arg1, %sign3A_64 : i32
      %sign3A_66 = arith.extui %sign3A_65 : i1 to i32
      %sign3A_67 = arith.constant 0 : i32
      %sign3A_68 = arith.cmpi slt, %arg1, %sign3A_67 : i32
      %sign3A_69 = arith.extui %sign3A_68 : i1 to i32
      %sign3A_70 = arith.subi %sign3A_66, %sign3A_69 : i32
      %sign3A_71 = arith.constant 0 : i32
      %sign3A_72 = arith.cmpi sgt, %jit3A_62, %sign3A_71 : i32
      %sign3A_73 = arith.extui %sign3A_72 : i1 to i32
      %sign3A_74 = arith.constant 0 : i32
      %sign3A_75 = arith.cmpi slt, %jit3A_62, %sign3A_74 : i32
      %sign3A_76 = arith.extui %sign3A_75 : i1 to i32
      %sign3A_77 = arith.subi %sign3A_73, %sign3A_76 : i32
      %ne3A_78 = arith.cmpi ne, %sign3A_70, %sign3A_77 : i32
      %rem3A_79 = arith.remsi %arg1, %jit3A_62 : i32
      %ne3A_80 = arith.constant 0 : i32
      %ne3A_81 = arith.cmpi ne, %rem3A_79, %ne3A_80 : i32
      %and3A_82 = arith.andi %ne3A_78, %ne3A_81 : i1
      %sub3A_83 = arith.constant 1 : i32
      %sub3A_84 = arith.subi %div3A_63, %sub3A_83 : i32
      %select_n3A_85 = arith.select %and3A_82, %sub3A_84, %div3A_63 : i32
      %add3A_86 = arith.addi %add3A_61, %select_n3A_85 : i32
      %jit3A_87 = arith.constant 2 : i32
      %eq3A_88 = arith.constant 0 : i32
      %eq3A_89 = arith.cmpi eq, %jit3A_87, %eq3A_88 : i32
      %jit3A_90 = arith.constant 1 : i32
      %select_n3A_91 = arith.select %eq3A_89, %jit3A_90, %jit3A_87 : i32
      %rem3A_92 = arith.remsi %arg1, %select_n3A_91 : i32
      %ne3A_93 = arith.constant 0 : i32
      %ne3A_94 = arith.cmpi ne, %rem3A_92, %ne3A_93 : i32
      %lt3A_95 = arith.constant 0 : i32
      %lt3A_96 = arith.cmpi slt, %rem3A_92, %lt3A_95 : i32
      %lt3A_97 = arith.constant 0 : i32
      %lt3A_98 = arith.cmpi slt, %select_n3A_91, %lt3A_97 : i32
      %ne3A_99 = arith.xori %lt3A_96, %lt3A_98 : i1
      %and3A_100 = arith.andi %ne3A_99, %ne3A_94 : i1
      %add3A_101 = arith.addi %rem3A_92, %select_n3A_91 : i32
      %select_n3A_102 = arith.select %and3A_100, %add3A_101, %rem3A_92 : i32
      %mul3A_103 = arith.constant 73728 : i32
      %mul3A_104 = arith.muli %select_n3A_102, %mul3A_103 : i32
      %mul3A_105 = arith.constant 73728 : i32
      %mul3A_106 = arith.muli %arg1, %mul3A_105 : i32
      "tpu.region"() ({
        %run_scoped3A = tpu.sem_alloc : memref<!tpu.dma_semaphore, #tpu.memory_space<semaphore_mem>>
        %dma_start3A = tpu.memref_slice %arg4[%add3A_86, %mul3A_104] : memref<96x147456xf32, #tpu.memory_space<hbm>> -> memref<1x73728xf32, #tpu.memory_space<hbm>>
        %dma_start3A_107 = tpu.memref_squeeze %dma_start3A : memref<1x73728xf32, #tpu.memory_space<hbm>> -> memref<73728xf32, #tpu.memory_space<hbm>>
        %dma_start3A_108 = tpu.memref_slice %arg8[%mul3A_106] : memref<1179648xf32, #tpu.memory_space<vmem_shared>> -> memref<73728xf32, #tpu.memory_space<vmem_shared>>
        tpu.enqueue_dma source(%dma_start3A_108 : memref<73728xf32, #tpu.memory_space<vmem_shared>>) target(%dma_start3A_107 : memref<73728xf32, #tpu.memory_space<hbm>>) target_semaphore(%run_scoped3A : memref<!tpu.dma_semaphore, #tpu.memory_space<semaphore_mem>>)
        %dma_wait3A = tpu.memref_slice %arg4[%add3A_86, %mul3A_104] : memref<96x147456xf32, #tpu.memory_space<hbm>> -> memref<1x73728xf32, #tpu.memory_space<hbm>>
        %dma_wait3A_109 = tpu.memref_squeeze %dma_wait3A : memref<1x73728xf32, #tpu.memory_space<hbm>> -> memref<73728xf32, #tpu.memory_space<hbm>>
        %dma_wait3A_110 = tpu.memref_slice %arg8[%mul3A_106] : memref<1179648xf32, #tpu.memory_space<vmem_shared>> -> memref<73728xf32, #tpu.memory_space<vmem_shared>>
        tpu.wait_dma2 semaphore(%run_scoped3A : memref<!tpu.dma_semaphore, #tpu.memory_space<semaphore_mem>>) src(%dma_wait3A_110 : memref<73728xf32, #tpu.memory_space<vmem_shared>>) dst(%dma_wait3A_109 : memref<73728xf32, #tpu.memory_space<hbm>>)
        tpu.yield
      }) : () -> ()
    }
    %scan3A_10 = arith.constant 6 : i32
    return
  }
}

#map = affine_map<(d0, d1) -> (0, 0)>
module attributes {stable_mosaic.version = 14 : i64} {
  func.func @_sc_body(%arg0: i32, %arg1: i32, %arg2: memref<96x36864xi32, #tpu.memory_space<hbm>>, %arg3: memref<96x36864xf32, #tpu.memory_space<hbm>>, %arg4: memref<96x147456xf32, #tpu.memory_space<hbm>>, %arg5: memref<18432xi32, #tpu.memory_space<vmem>>, %arg6: memref<18432xf32, #tpu.memory_space<vmem>>, %arg7: memref<18432xf32, #tpu.memory_space<vmem>>, %arg8: memref<1179648xf32, #tpu.memory_space<vmem_shared>>) attributes {dimension_semantics = [#tpu.dimension_semantics<core_parallel>, #tpu.dimension_semantics<subcore_parallel>], iteration_bounds = array<i64: 2, 16>, scalar_prefetch = 0 : i64, scratch_operands = 4 : i64, tpu.core_type = #tpu.core_type<sc_vector_subcore>, window_params = [{transform_indices = #map}, {transform_indices = #map}, {transform_indices = #map}]} {
    %scan3A = arith.constant 0 : i32
    %scan3A_0 = arith.constant 0 : i32
    %scan3A_1 = arith.constant 1152 : i32
    %scan3A_2 = arith.addi %scan3A_0, %scan3A_1 : i32
    %scan3A_3 = arith.constant 1 : i32
    scf.for %scan3A_11 = %scan3A_0 to %scan3A_2 step %scan3A_3  : i32 {
      %broadcast_in_dim3A = arith.constant 0.000000e+00 : f32
      %broadcast_in_dim3A_12 = vector.broadcast %broadcast_in_dim3A : f32 to vector<16xf32>
      %mul3A = arith.constant 16 : i32
      %mul3A_13 = arith.muli %scan3A_11, %mul3A : i32
      %swap3A = arith.index_cast %mul3A_13 : i32 to index
      %swap3A_14 = tpu.vector_load %arg7[%swap3A] {strides = array<i32>} : memref<18432xf32, #tpu.memory_space<vmem>>, vector<16xf32>,
      %swap3A_15 = vector.shape_cast %swap3A_14 : vector<16xf32> to vector<16xf32>
      %swap3A_16 = vector.shape_cast %broadcast_in_dim3A_12 : vector<16xf32> to vector<16xf32>
      tpu.vector_store %arg7[%swap3A], %swap3A_16 {strides = array<i32>} : memref<18432xf32, #tpu.memory_space<vmem>>, vector<16xf32>,
    }
    %scan3A_4 = arith.constant 1152 : i32
    %scan3A_5 = arith.constant 0 : i32
    %scan3A_6 = arith.constant 0 : i32
    %scan3A_7 = arith.constant 6 : i32
    %scan3A_8 = arith.addi %scan3A_6, %scan3A_7 : i32
    %scan3A_9 = arith.constant 1 : i32
    scf.for %scan3A_11 = %scan3A_6 to %scan3A_8 step %scan3A_9  : i32 {
      %mul3A = arith.constant 73728 : i32
      %mul3A_12 = arith.muli %arg1, %mul3A : i32
      %scan3A_13 = arith.constant 0 : i32
      %scan3A_14 = arith.constant 0 : i32
      %scan3A_15 = arith.constant 4 : i32
      %scan3A_16 = arith.addi %scan3A_14, %scan3A_15 : i32
      %scan3A_17 = arith.constant 1 : i32
      scf.for %scan3A_107 = %scan3A_14 to %scan3A_16 step %scan3A_17  : i32 {
        %mul3A_108 = arith.constant 18432 : i32
        %mul3A_109 = arith.muli %scan3A_107, %mul3A_108 : i32
        %add3A_110 = arith.addi %mul3A_12, %mul3A_109 : i32
        "tpu.region"() ({
          %run_scoped3A = tpu.sem_alloc : memref<!tpu.dma_semaphore, #tpu.memory_space<semaphore_mem>>
          %dma_start3A = tpu.memref_slice %arg8[%add3A_110] : memref<1179648xf32, #tpu.memory_space<vmem_shared>> -> memref<18432xf32, #tpu.memory_space<vmem_shared>>
          %dma_start3A_111 = tpu.memref_slice %arg8[%add3A_110] : memref<1179648xf32, #tpu.memory_space<vmem_shared>> -> memref<18432xf32, #tpu.memory_space<vmem_shared>>
          tpu.enqueue_dma source(%arg7 : memref<18432xf32, #tpu.memory_space<vmem>>) target(%dma_start3A_111 : memref<18432xf32, #tpu.memory_space<vmem_shared>>) target_semaphore(%run_scoped3A : memref<!tpu.dma_semaphore, #tpu.memory_space<semaphore_mem>>)
          %dma_wait3A = tpu.memref_slice %arg8[%add3A_110] : memref<1179648xf32, #tpu.memory_space<vmem_shared>> -> memref<18432xf32, #tpu.memory_space<vmem_shared>>
          %dma_wait3A_112 = tpu.memref_slice %arg8[%add3A_110] : memref<1179648xf32, #tpu.memory_space<vmem_shared>> -> memref<18432xf32, #tpu.memory_space<vmem_shared>>
          tpu.wait_dma2 semaphore(%run_scoped3A : memref<!tpu.dma_semaphore, #tpu.memory_space<semaphore_mem>>) src(%arg7 : memref<18432xf32, #tpu.memory_space<vmem>>) dst(%dma_wait3A_112 : memref<18432xf32, #tpu.memory_space<vmem_shared>>)
          tpu.yield
        }) : () -> ()
      }
      %scan3A_18 = arith.constant 4 : i32
      %barrier3A = arith.constant 0 : index
      tpu.barrier barrier_id(%barrier3A)
      %mul3A_19 = arith.constant 16 : i32
      %mul3A_20 = arith.muli %scan3A_11, %mul3A_19 : i32
      %mul3A_21 = arith.constant 8 : i32
      %mul3A_22 = arith.muli %arg0, %mul3A_21 : i32
      %add3A = arith.addi %mul3A_20, %mul3A_22 : i32
      %jit3A = arith.constant 2 : i32
      %div3A = arith.divsi %arg1, %jit3A : i32
      %sign3A = arith.constant 0 : i32
      %sign3A_23 = arith.cmpi sgt, %arg1, %sign3A : i32
      %sign3A_24 = arith.extui %sign3A_23 : i1 to i32
      %sign3A_25 = arith.constant 0 : i32
      %sign3A_26 = arith.cmpi slt, %arg1, %sign3A_25 : i32
      %sign3A_27 = arith.extui %sign3A_26 : i1 to i32
      %sign3A_28 = arith.subi %sign3A_24, %sign3A_27 : i32
      %sign3A_29 = arith.constant 0 : i32
      %sign3A_30 = arith.cmpi sgt, %jit3A, %sign3A_29 : i32
      %sign3A_31 = arith.extui %sign3A_30 : i1 to i32
      %sign3A_32 = arith.constant 0 : i32
      %sign3A_33 = arith.cmpi slt, %jit3A, %sign3A_32 : i32
      %sign3A_34 = arith.extui %sign3A_33 : i1 to i32
      %sign3A_35 = arith.subi %sign3A_31, %sign3A_34 : i32
      %ne3A = arith.cmpi ne, %sign3A_28, %sign3A_35 : i32
      %rem3A = arith.remsi %arg1, %jit3A : i32
      %ne3A_36 = arith.constant 0 : i32
      %ne3A_37 = arith.cmpi ne, %rem3A, %ne3A_36 : i32
      %and3A = arith.andi %ne3A, %ne3A_37 : i1
      %sub3A = arith.constant 1 : i32
      %sub3A_38 = arith.subi %div3A, %sub3A : i32
      %select_n3A = arith.select %and3A, %sub3A_38, %div3A : i32
      %add3A_39 = arith.addi %add3A, %select_n3A : i32
      %jit3A_40 = arith.constant 2 : i32
      %eq3A = arith.constant 0 : i32
      %eq3A_41 = arith.cmpi eq, %jit3A_40, %eq3A : i32
      %jit3A_42 = arith.constant 1 : i32
      %select_n3A_43 = arith.select %eq3A_41, %jit3A_42, %jit3A_40 : i32
      %rem3A_44 = arith.remsi %arg1, %select_n3A_43 : i32
      %ne3A_45 = arith.constant 0 : i32
      %ne3A_46 = arith.cmpi ne, %rem3A_44, %ne3A_45 : i32
      %lt3A = arith.constant 0 : i32
      %lt3A_47 = arith.cmpi slt, %rem3A_44, %lt3A : i32
      %lt3A_48 = arith.constant 0 : i32
      %lt3A_49 = arith.cmpi slt, %select_n3A_43, %lt3A_48 : i32
      %ne3A_50 = arith.xori %lt3A_47, %lt3A_49 : i1
      %and3A_51 = arith.andi %ne3A_50, %ne3A_46 : i1
      %add3A_52 = arith.addi %rem3A_44, %select_n3A_43 : i32
      %select_n3A_53 = arith.select %and3A_51, %add3A_52, %rem3A_44 : i32
      %mul3A_54 = arith.constant 18432 : i32
      %mul3A_55 = arith.muli %select_n3A_53, %mul3A_54 : i32
      "tpu.region"() ({
        %run_scoped3A = tpu.sem_alloc : memref<!tpu.dma_semaphore, #tpu.memory_space<semaphore_mem>>
        %dma_start3A = tpu.memref_slice %arg2[%add3A_39, %mul3A_55] : memref<96x36864xi32, #tpu.memory_space<hbm>> -> memref<1x18432xi32, #tpu.memory_space<hbm>>
        %dma_start3A_107 = tpu.memref_squeeze %dma_start3A : memref<1x18432xi32, #tpu.memory_space<hbm>> -> memref<18432xi32, #tpu.memory_space<hbm>>
        %dma_start3A_108 = tpu.memref_slice %arg2[%add3A_39, %mul3A_55] : memref<96x36864xi32, #tpu.memory_space<hbm>> -> memref<1x18432xi32, #tpu.memory_space<hbm>>
        %dma_start3A_109 = tpu.memref_squeeze %dma_start3A_108 : memref<1x18432xi32, #tpu.memory_space<hbm>> -> memref<18432xi32, #tpu.memory_space<hbm>>
        tpu.enqueue_dma source(%dma_start3A_109 : memref<18432xi32, #tpu.memory_space<hbm>>) target(%arg5 : memref<18432xi32, #tpu.memory_space<vmem>>) target_semaphore(%run_scoped3A : memref<!tpu.dma_semaphore, #tpu.memory_space<semaphore_mem>>)
        %dma_wait3A = tpu.memref_slice %arg2[%add3A_39, %mul3A_55] : memref<96x36864xi32, #tpu.memory_space<hbm>> -> memref<1x18432xi32, #tpu.memory_space<hbm>>
        %dma_wait3A_110 = tpu.memref_squeeze %dma_wait3A : memref<1x18432xi32, #tpu.memory_space<hbm>> -> memref<18432xi32, #tpu.memory_space<hbm>>
        %dma_wait3A_111 = tpu.memref_slice %arg2[%add3A_39, %mul3A_55] : memref<96x36864xi32, #tpu.memory_space<hbm>> -> memref<1x18432xi32, #tpu.memory_space<hbm>>
        %dma_wait3A_112 = tpu.memref_squeeze %dma_wait3A_111 : memref<1x18432xi32, #tpu.memory_space<hbm>> -> memref<18432xi32, #tpu.memory_space<hbm>>
        tpu.wait_dma2 semaphore(%run_scoped3A : memref<!tpu.dma_semaphore, #tpu.memory_space<semaphore_mem>>) src(%dma_wait3A_112 : memref<18432xi32, #tpu.memory_space<hbm>>) dst(%arg5 : memref<18432xi32, #tpu.memory_space<vmem>>)
        tpu.yield
      }) : () -> ()
      "tpu.region"() ({
        %run_scoped3A = tpu.sem_alloc : memref<!tpu.dma_semaphore, #tpu.memory_space<semaphore_mem>>
        %dma_start3A = tpu.memref_slice %arg3[%add3A_39, %mul3A_55] : memref<96x36864xf32, #tpu.memory_space<hbm>> -> memref<1x18432xf32, #tpu.memory_space<hbm>>
        %dma_start3A_107 = tpu.memref_squeeze %dma_start3A : memref<1x18432xf32, #tpu.memory_space<hbm>> -> memref<18432xf32, #tpu.memory_space<hbm>>
        %dma_start3A_108 = tpu.memref_slice %arg3[%add3A_39, %mul3A_55] : memref<96x36864xf32, #tpu.memory_space<hbm>> -> memref<1x18432xf32, #tpu.memory_space<hbm>>
        %dma_start3A_109 = tpu.memref_squeeze %dma_start3A_108 : memref<1x18432xf32, #tpu.memory_space<hbm>> -> memref<18432xf32, #tpu.memory_space<hbm>>
        tpu.enqueue_dma source(%dma_start3A_109 : memref<18432xf32, #tpu.memory_space<hbm>>) target(%arg6 : memref<18432xf32, #tpu.memory_space<vmem>>) target_semaphore(%run_scoped3A : memref<!tpu.dma_semaphore, #tpu.memory_space<semaphore_mem>>)
        %dma_wait3A = tpu.memref_slice %arg3[%add3A_39, %mul3A_55] : memref<96x36864xf32, #tpu.memory_space<hbm>> -> memref<1x18432xf32, #tpu.memory_space<hbm>>
        %dma_wait3A_110 = tpu.memref_squeeze %dma_wait3A : memref<1x18432xf32, #tpu.memory_space<hbm>> -> memref<18432xf32, #tpu.memory_space<hbm>>
        %dma_wait3A_111 = tpu.memref_slice %arg3[%add3A_39, %mul3A_55] : memref<96x36864xf32, #tpu.memory_space<hbm>> -> memref<1x18432xf32, #tpu.memory_space<hbm>>
        %dma_wait3A_112 = tpu.memref_squeeze %dma_wait3A_111 : memref<1x18432xf32, #tpu.memory_space<hbm>> -> memref<18432xf32, #tpu.memory_space<hbm>>
        tpu.wait_dma2 semaphore(%run_scoped3A : memref<!tpu.dma_semaphore, #tpu.memory_space<semaphore_mem>>) src(%dma_wait3A_112 : memref<18432xf32, #tpu.memory_space<hbm>>) dst(%arg6 : memref<18432xf32, #tpu.memory_space<vmem>>)
        tpu.yield
      }) : () -> ()
      "tpu.region"() ({
        %run_scoped3A = tpu.sem_alloc : memref<!tpu.dma_semaphore, #tpu.memory_space<semaphore_mem>>
        %dma_start3A = arith.constant 0 : i32
        %dma_start3A_107 = tpu.memref_slice %arg8[%dma_start3A] : memref<1179648xf32, #tpu.memory_space<vmem_shared>> -> memref<1179648xf32, #tpu.memory_space<vmem_shared>>
        tpu.enqueue_indirect_dma source(%arg6 : memref<18432xf32, #tpu.memory_space<vmem>>) target(%dma_start3A_107 : memref<1179648xf32, #tpu.memory_space<vmem_shared>>) offsets(%arg5 : memref<18432xi32, #tpu.memory_space<vmem>>) semaphore(%run_scoped3A : memref<!tpu.dma_semaphore, #tpu.memory_space<semaphore_mem>>) {add = true}
        %dma_wait3A = arith.constant 0 : i32
        %dma_wait3A_108 = tpu.memref_slice %arg8[%dma_wait3A] : memref<1179648xf32, #tpu.memory_space<vmem_shared>> -> memref<1179648xf32, #tpu.memory_space<vmem_shared>>
        tpu.wait_indirect_dma semaphore(%run_scoped3A : memref<!tpu.dma_semaphore, #tpu.memory_space<semaphore_mem>>) src(%arg6 : memref<18432xf32, #tpu.memory_space<vmem>>) dst(%dma_wait3A_108 : memref<1179648xf32, #tpu.memory_space<vmem_shared>>)
        tpu.yield
      }) : () -> ()
      %barrier3A_56 = arith.constant 0 : index
      tpu.barrier barrier_id(%barrier3A_56)
      %mul3A_57 = arith.constant 16 : i32
      %mul3A_58 = arith.muli %scan3A_11, %mul3A_57 : i32
      %mul3A_59 = arith.constant 8 : i32
      %mul3A_60 = arith.muli %arg0, %mul3A_59 : i32
      %add3A_61 = arith.addi %mul3A_58, %mul3A_60 : i32
      %jit3A_62 = arith.constant 2 : i32
      %div3A_63 = arith.divsi %arg1, %jit3A_62 : i32
      %sign3A_64 = arith.constant 0 : i32
      %sign3A_65 = arith.cmpi sgt, %arg1, %sign3A_64 : i32
      %sign3A_66 = arith.extui %sign3A_65 : i1 to i32
      %sign3A_67 = arith.constant 0 : i32
      %sign3A_68 = arith.cmpi slt, %arg1, %sign3A_67 : i32
      %sign3A_69 = arith.extui %sign3A_68 : i1 to i32
      %sign3A_70 = arith.subi %sign3A_66, %sign3A_69 : i32
      %sign3A_71 = arith.constant 0 : i32
      %sign3A_72 = arith.cmpi sgt, %jit3A_62, %sign3A_71 : i32
      %sign3A_73 = arith.extui %sign3A_72 : i1 to i32
      %sign3A_74 = arith.constant 0 : i32
      %sign3A_75 = arith.cmpi slt, %jit3A_62, %sign3A_74 : i32
      %sign3A_76 = arith.extui %sign3A_75 : i1 to i32
      %sign3A_77 = arith.subi %sign3A_73, %sign3A_76 : i32
      %ne3A_78 = arith.cmpi ne, %sign3A_70, %sign3A_77 : i32
      %rem3A_79 = arith.remsi %arg1, %jit3A_62 : i32
      %ne3A_80 = arith.constant 0 : i32
      %ne3A_81 = arith.cmpi ne, %rem3A_79, %ne3A_80 : i32
      %and3A_82 = arith.andi %ne3A_78, %ne3A_81 : i1
      %sub3A_83 = arith.constant 1 : i32
      %sub3A_84 = arith.subi %div3A_63, %sub3A_83 : i32
      %select_n3A_85 = arith.select %and3A_82, %sub3A_84, %div3A_63 : i32
      %add3A_86 = arith.addi %add3A_61, %select_n3A_85 : i32
      %jit3A_87 = arith.constant 2 : i32
      %eq3A_88 = arith.constant 0 : i32
      %eq3A_89 = arith.cmpi eq, %jit3A_87, %eq3A_88 : i32
      %jit3A_90 = arith.constant 1 : i32
      %select_n3A_91 = arith.select %eq3A_89, %jit3A_90, %jit3A_87 : i32
      %rem3A_92 = arith.remsi %arg1, %select_n3A_91 : i32
      %ne3A_93 = arith.constant 0 : i32
      %ne3A_94 = arith.cmpi ne, %rem3A_92, %ne3A_93 : i32
      %lt3A_95 = arith.constant 0 : i32
      %lt3A_96 = arith.cmpi slt, %rem3A_92, %lt3A_95 : i32
      %lt3A_97 = arith.constant 0 : i32
      %lt3A_98 = arith.cmpi slt, %select_n3A_91, %lt3A_97 : i32
      %ne3A_99 = arith.xori %lt3A_96, %lt3A_98 : i1
      %and3A_100 = arith.andi %ne3A_99, %ne3A_94 : i1
      %add3A_101 = arith.addi %rem3A_92, %select_n3A_91 : i32
      %select_n3A_102 = arith.select %and3A_100, %add3A_101, %rem3A_92 : i32
      %mul3A_103 = arith.constant 73728 : i32
      %mul3A_104 = arith.muli %select_n3A_102, %mul3A_103 : i32
      %mul3A_105 = arith.constant 73728 : i32
      %mul3A_106 = arith.muli %arg1, %mul3A_105 : i32
      "tpu.region"() ({
        %run_scoped3A = tpu.sem_alloc : memref<!tpu.dma_semaphore, #tpu.memory_space<semaphore_mem>>
        %dma_start3A = tpu.memref_slice %arg4[%add3A_86, %mul3A_104] : memref<96x147456xf32, #tpu.memory_space<hbm>> -> memref<1x73728xf32, #tpu.memory_space<hbm>>
        %dma_start3A_107 = tpu.memref_squeeze %dma_start3A : memref<1x73728xf32, #tpu.memory_space<hbm>> -> memref<73728xf32, #tpu.memory_space<hbm>>
        %dma_start3A_108 = tpu.memref_slice %arg8[%mul3A_106] : memref<1179648xf32, #tpu.memory_space<vmem_shared>> -> memref<73728xf32, #tpu.memory_space<vmem_shared>>
        tpu.enqueue_dma source(%dma_start3A_108 : memref<73728xf32, #tpu.memory_space<vmem_shared>>) target(%dma_start3A_107 : memref<73728xf32, #tpu.memory_space<hbm>>) target_semaphore(%run_scoped3A : memref<!tpu.dma_semaphore, #tpu.memory_space<semaphore_mem>>)
        %dma_wait3A = tpu.memref_slice %arg4[%add3A_86, %mul3A_104] : memref<96x147456xf32, #tpu.memory_space<hbm>> -> memref<1x73728xf32, #tpu.memory_space<hbm>>
        %dma_wait3A_109 = tpu.memref_squeeze %dma_wait3A : memref<1x73728xf32, #tpu.memory_space<hbm>> -> memref<73728xf32, #tpu.memory_space<hbm>>
        %dma_wait3A_110 = tpu.memref_slice %arg8[%mul3A_106] : memref<1179648xf32, #tpu.memory_space<vmem_shared>> -> memref<73728xf32, #tpu.memory_space<vmem_shared>>
        tpu.wait_dma2 semaphore(%run_scoped3A : memref<!tpu.dma_semaphore, #tpu.memory_space<semaphore_mem>>) src(%dma_wait3A_110 : memref<73728xf32, #tpu.memory_space<vmem_shared>>) dst(%dma_wait3A_109 : memref<73728xf32, #tpu.memory_space<hbm>>)
        tpu.yield
      }) : () -> ()
    }
    %scan3A_10 = arith.constant 6 : i32
    return
  }
}

module attributes {stable_mosaic.version = 14 : i64} {
  func.func @_decode_body(%arg0: i32, %arg1: memref<1536x96xi32, #tpu.memory_space<vmem>>, %arg2: memref<1536x96xf32, #tpu.memory_space<vmem>>, %arg3: memref<96x1536xi32, #tpu.memory_space<vmem>>, %arg4: memref<96x1536xf32, #tpu.memory_space<vmem>>) attributes {dimension_semantics = [#tpu.dimension_semantics<arbitrary>], iteration_bounds = array<i64: 24>, scalar_prefetch = 0 : i64, scratch_operands = 0 : i64, tpu.core_type = #tpu.core_type<tc>, window_params = [{transform_indices = @transform_0, window_bounds = array<i64: 1536, 96>}, {transform_indices = @transform_1, window_bounds = array<i64: 1536, 96>}, {transform_indices = @transform_2, window_bounds = array<i64: 96, 1536>}, {transform_indices = @transform_3, window_bounds = array<i64: 96, 1536>}]} {
    %get3A = arith.constant 0 : index
    %get3A_0 = arith.constant 0 : index
    %get3A_1 = vector.load %arg1[%get3A, %get3A_0] : memref<1536x96xi32, #tpu.memory_space<vmem>>, vector<1536x96xi32>
    %iota3A = tpu.iota {dimensions = array<i32: 1>} : vector<1536x96xi32>
    %jit3A = arith.constant 8 : i32
    %eq3A = arith.constant 0 : i32
    %eq3A_2 = arith.cmpi eq, %jit3A, %eq3A : i32
    %jit3A_3 = arith.constant 1 : i32
    %select_n3A = arith.select %eq3A_2, %jit3A_3, %jit3A : i32
    %rem3A = vector.broadcast %select_n3A : i32 to vector<1536x96xi32>
    %rem3A_4 = arith.remsi %iota3A, %rem3A : vector<1536x96xi32>
    %ne3A = arith.constant 0 : i32
    %ne3A_5 = vector.broadcast %ne3A : i32 to vector<1536x96xi32>
    %ne3A_6 = arith.cmpi ne, %rem3A_4, %ne3A_5 : vector<1536x96xi32>
    %lt3A = arith.constant 0 : i32
    %lt3A_7 = vector.broadcast %lt3A : i32 to vector<1536x96xi32>
    %lt3A_8 = arith.cmpi slt, %rem3A_4, %lt3A_7 : vector<1536x96xi32>
    %lt3A_9 = arith.constant 0 : i32
    %lt3A_10 = arith.cmpi slt, %select_n3A, %lt3A_9 : i32
    %ne3A_11 = vector.broadcast %lt3A_10 : i1 to vector<1536x96xi1>
    %ne3A_12 = vector.broadcast %ne3A_11 : vector<1536x96xi1> to vector<1536x96xi1>
    %ne3A_13 = arith.xori %lt3A_8, %ne3A_12 : vector<1536x96xi1>
    %and3A = arith.andi %ne3A_13, %ne3A_6 : vector<1536x96xi1>
    %add3A = vector.broadcast %select_n3A : i32 to vector<1536x96xi32>
    %add3A_14 = arith.addi %rem3A_4, %add3A : vector<1536x96xi32>
    %select_n3A_15 = arith.select %and3A, %add3A_14, %rem3A_4 : vector<1536x96xi1>, vector<1536x96xi32>
    %mul3A = arith.constant 147456 : i32
    %mul3A_16 = vector.broadcast %mul3A : i32 to vector<1536x96xi32>
    %mul3A_17 = arith.muli %select_n3A_15, %mul3A_16 : vector<1536x96xi32>
    %jit3A_18 = arith.constant 96 : i32
    %div3A = vector.broadcast %jit3A_18 : i32 to vector<1536x96xi32>
    %div3A_19 = arith.divsi %get3A_1, %div3A : vector<1536x96xi32>
    %sign3A = arith.constant 0 : i32
    %sign3A_20 = vector.broadcast %sign3A : i32 to vector<1536x96xi32>
    %sign3A_21 = arith.cmpi sgt, %get3A_1, %sign3A_20 : vector<1536x96xi32>
    %sign3A_22 = arith.extui %sign3A_21 : vector<1536x96xi1> to vector<1536x96xi32>
    %sign3A_23 = arith.constant 0 : i32
    %sign3A_24 = vector.broadcast %sign3A_23 : i32 to vector<1536x96xi32>
    %sign3A_25 = arith.cmpi slt, %get3A_1, %sign3A_24 : vector<1536x96xi32>
    %sign3A_26 = arith.extui %sign3A_25 : vector<1536x96xi1> to vector<1536x96xi32>
    %sign3A_27 = arith.subi %sign3A_22, %sign3A_26 : vector<1536x96xi32>
    %sign3A_28 = arith.constant 0 : i32
    %sign3A_29 = arith.cmpi sgt, %jit3A_18, %sign3A_28 : i32
    %sign3A_30 = arith.extui %sign3A_29 : i1 to i32
    %sign3A_31 = arith.constant 0 : i32
    %sign3A_32 = arith.cmpi slt, %jit3A_18, %sign3A_31 : i32
    %sign3A_33 = arith.extui %sign3A_32 : i1 to i32
    %sign3A_34 = arith.subi %sign3A_30, %sign3A_33 : i32
    %ne3A_35 = vector.broadcast %sign3A_34 : i32 to vector<1536x96xi32>
    %ne3A_36 = arith.cmpi ne, %sign3A_27, %ne3A_35 : vector<1536x96xi32>
    %rem3A_37 = vector.broadcast %jit3A_18 : i32 to vector<1536x96xi32>
    %rem3A_38 = arith.remsi %get3A_1, %rem3A_37 : vector<1536x96xi32>
    %ne3A_39 = arith.constant 0 : i32
    %ne3A_40 = vector.broadcast %ne3A_39 : i32 to vector<1536x96xi32>
    %ne3A_41 = arith.cmpi ne, %rem3A_38, %ne3A_40 : vector<1536x96xi32>
    %and3A_42 = arith.andi %ne3A_36, %ne3A_41 : vector<1536x96xi1>
    %sub3A = arith.constant 1 : i32
    %sub3A_43 = vector.broadcast %sub3A : i32 to vector<1536x96xi32>
    %sub3A_44 = arith.subi %div3A_19, %sub3A_43 : vector<1536x96xi32>
    %select_n3A_45 = arith.select %and3A_42, %sub3A_44, %div3A_19 : vector<1536x96xi1>, vector<1536x96xi32>
    %add3A_46 = arith.addi %mul3A_17, %select_n3A_45 : vector<1536x96xi32>
    %broadcast_in_dim3A = arith.constant 0 : i32
    %broadcast_in_dim3A_47 = vector.broadcast %broadcast_in_dim3A : i32 to vector<1536x32xi32>
    %concatenate3A = tpu.concatenate %add3A_46, %broadcast_in_dim3A_47 in 1 : vector<1536x96xi32>, vector<1536x32xi32> -> vector<1536x128xi32>
    %transpose3A = tpu.transpose %concatenate3A, [1, 0] : vector<1536x128xi32> -> vector<128x1536xi32>
    %get3A_48 = arith.constant 0 : index
    %get3A_49 = arith.constant 0 : index
    %get3A_50 = vector.load %arg2[%get3A_48, %get3A_49] : memref<1536x96xf32, #tpu.memory_space<vmem>>, vector<1536x96xf32>
    %convert_element_type3A = arith.sitofp %broadcast_in_dim3A_47 : vector<1536x32xi32> to vector<1536x32xf32>
    %concatenate3A_51 = tpu.concatenate %get3A_50, %convert_element_type3A in 1 : vector<1536x96xf32>, vector<1536x32xf32> -> vector<1536x128xf32>
    %transpose3A_52 = tpu.transpose %concatenate3A_51, [1, 0] : vector<1536x128xf32> -> vector<128x1536xf32>
    %slice3A = vector.extract_strided_slice %transpose3A {offsets = [0, 0], sizes = [96, 1536], strides = [1, 1]} : vector<128x1536xi32> to vector<96x1536xi32>
    %swap3A = arith.constant 0 : index
    %swap3A_53 = arith.constant 0 : index
    %swap3A_54 = vector.load %arg3[%swap3A, %swap3A_53] : memref<96x1536xi32, #tpu.memory_space<vmem>>, vector<96x1536xi32>
    tpu.vector_store %arg3[%swap3A, %swap3A_53], %slice3A {strides = array<i32>} : memref<96x1536xi32, #tpu.memory_space<vmem>>, vector<96x1536xi32>,
    %slice3A_55 = vector.extract_strided_slice %transpose3A_52 {offsets = [0, 0], sizes = [96, 1536], strides = [1, 1]} : vector<128x1536xf32> to vector<96x1536xf32>
    %swap3A_56 = arith.constant 0 : index
    %swap3A_57 = arith.constant 0 : index
    %swap3A_58 = vector.load %arg4[%swap3A_56, %swap3A_57] : memref<96x1536xf32, #tpu.memory_space<vmem>>, vector<96x1536xf32>
    tpu.vector_store %arg4[%swap3A_56, %swap3A_57], %slice3A_55 {strides = array<i32>} : memref<96x1536xf32, #tpu.memory_space<vmem>>, vector<96x1536xf32>,
    return
  }
  func.func @transform_0(%arg0: i32) -> (i32, i32) {
    %add3A = arith.constant 48 : i32
    %add3A_0 = arith.addi %add3A, %arg0 : i32
    %c0_i32 = arith.constant 0 : i32
    %c0_i32_1 = arith.constant 0 : i32
    return %add3A_0, %c0_i32 : i32, i32
  }
  func.func @transform_1(%arg0: i32) -> (i32, i32) {
    %add3A = arith.constant 48 : i32
    %add3A_0 = arith.addi %add3A, %arg0 : i32
    %c0_i32 = arith.constant 0 : i32
    %c0_i32_1 = arith.constant 0 : i32
    return %add3A_0, %c0_i32 : i32, i32
  }
  func.func @transform_2(%arg0: i32) -> (i32, i32) {
    %c0_i32 = arith.constant 0 : i32
    %c0_i32_0 = arith.constant 0 : i32
    return %c0_i32, %arg0 : i32, i32
  }
  func.func @transform_3(%arg0: i32) -> (i32, i32) {
    %c0_i32 = arith.constant 0 : i32
    %c0_i32_0 = arith.constant 0 : i32
    return %c0_i32, %arg0 : i32, i32
  }
}

module attributes {stable_mosaic.version = 14 : i64} {
  func.func @_decode_body(%arg0: i32, %arg1: memref<1536x96xi32, #tpu.memory_space<vmem>>, %arg2: memref<1536x96xf32, #tpu.memory_space<vmem>>, %arg3: memref<96x1536xi32, #tpu.memory_space<vmem>>, %arg4: memref<96x1536xf32, #tpu.memory_space<vmem>>) attributes {dimension_semantics = [#tpu.dimension_semantics<arbitrary>], iteration_bounds = array<i64: 24>, scalar_prefetch = 0 : i64, scratch_operands = 0 : i64, tpu.core_type = #tpu.core_type<tc>, window_params = [{transform_indices = @transform_0, window_bounds = array<i64: 1536, 96>}, {transform_indices = @transform_1, window_bounds = array<i64: 1536, 96>}, {transform_indices = @transform_2, window_bounds = array<i64: 96, 1536>}, {transform_indices = @transform_3, window_bounds = array<i64: 96, 1536>}]} {
    %get3A = arith.constant 0 : index
    %get3A_0 = arith.constant 0 : index
    %get3A_1 = vector.load %arg1[%get3A, %get3A_0] : memref<1536x96xi32, #tpu.memory_space<vmem>>, vector<1536x96xi32>
    %iota3A = tpu.iota {dimensions = array<i32: 1>} : vector<1536x96xi32>
    %jit3A = arith.constant 8 : i32
    %eq3A = arith.constant 0 : i32
    %eq3A_2 = arith.cmpi eq, %jit3A, %eq3A : i32
    %jit3A_3 = arith.constant 1 : i32
    %select_n3A = arith.select %eq3A_2, %jit3A_3, %jit3A : i32
    %rem3A = vector.broadcast %select_n3A : i32 to vector<1536x96xi32>
    %rem3A_4 = arith.remsi %iota3A, %rem3A : vector<1536x96xi32>
    %ne3A = arith.constant 0 : i32
    %ne3A_5 = vector.broadcast %ne3A : i32 to vector<1536x96xi32>
    %ne3A_6 = arith.cmpi ne, %rem3A_4, %ne3A_5 : vector<1536x96xi32>
    %lt3A = arith.constant 0 : i32
    %lt3A_7 = vector.broadcast %lt3A : i32 to vector<1536x96xi32>
    %lt3A_8 = arith.cmpi slt, %rem3A_4, %lt3A_7 : vector<1536x96xi32>
    %lt3A_9 = arith.constant 0 : i32
    %lt3A_10 = arith.cmpi slt, %select_n3A, %lt3A_9 : i32
    %ne3A_11 = vector.broadcast %lt3A_10 : i1 to vector<1536x96xi1>
    %ne3A_12 = vector.broadcast %ne3A_11 : vector<1536x96xi1> to vector<1536x96xi1>
    %ne3A_13 = arith.xori %lt3A_8, %ne3A_12 : vector<1536x96xi1>
    %and3A = arith.andi %ne3A_13, %ne3A_6 : vector<1536x96xi1>
    %add3A = vector.broadcast %select_n3A : i32 to vector<1536x96xi32>
    %add3A_14 = arith.addi %rem3A_4, %add3A : vector<1536x96xi32>
    %select_n3A_15 = arith.select %and3A, %add3A_14, %rem3A_4 : vector<1536x96xi1>, vector<1536x96xi32>
    %mul3A = arith.constant 147456 : i32
    %mul3A_16 = vector.broadcast %mul3A : i32 to vector<1536x96xi32>
    %mul3A_17 = arith.muli %select_n3A_15, %mul3A_16 : vector<1536x96xi32>
    %jit3A_18 = arith.constant 96 : i32
    %div3A = vector.broadcast %jit3A_18 : i32 to vector<1536x96xi32>
    %div3A_19 = arith.divsi %get3A_1, %div3A : vector<1536x96xi32>
    %sign3A = arith.constant 0 : i32
    %sign3A_20 = vector.broadcast %sign3A : i32 to vector<1536x96xi32>
    %sign3A_21 = arith.cmpi sgt, %get3A_1, %sign3A_20 : vector<1536x96xi32>
    %sign3A_22 = arith.extui %sign3A_21 : vector<1536x96xi1> to vector<1536x96xi32>
    %sign3A_23 = arith.constant 0 : i32
    %sign3A_24 = vector.broadcast %sign3A_23 : i32 to vector<1536x96xi32>
    %sign3A_25 = arith.cmpi slt, %get3A_1, %sign3A_24 : vector<1536x96xi32>
    %sign3A_26 = arith.extui %sign3A_25 : vector<1536x96xi1> to vector<1536x96xi32>
    %sign3A_27 = arith.subi %sign3A_22, %sign3A_26 : vector<1536x96xi32>
    %sign3A_28 = arith.constant 0 : i32
    %sign3A_29 = arith.cmpi sgt, %jit3A_18, %sign3A_28 : i32
    %sign3A_30 = arith.extui %sign3A_29 : i1 to i32
    %sign3A_31 = arith.constant 0 : i32
    %sign3A_32 = arith.cmpi slt, %jit3A_18, %sign3A_31 : i32
    %sign3A_33 = arith.extui %sign3A_32 : i1 to i32
    %sign3A_34 = arith.subi %sign3A_30, %sign3A_33 : i32
    %ne3A_35 = vector.broadcast %sign3A_34 : i32 to vector<1536x96xi32>
    %ne3A_36 = arith.cmpi ne, %sign3A_27, %ne3A_35 : vector<1536x96xi32>
    %rem3A_37 = vector.broadcast %jit3A_18 : i32 to vector<1536x96xi32>
    %rem3A_38 = arith.remsi %get3A_1, %rem3A_37 : vector<1536x96xi32>
    %ne3A_39 = arith.constant 0 : i32
    %ne3A_40 = vector.broadcast %ne3A_39 : i32 to vector<1536x96xi32>
    %ne3A_41 = arith.cmpi ne, %rem3A_38, %ne3A_40 : vector<1536x96xi32>
    %and3A_42 = arith.andi %ne3A_36, %ne3A_41 : vector<1536x96xi1>
    %sub3A = arith.constant 1 : i32
    %sub3A_43 = vector.broadcast %sub3A : i32 to vector<1536x96xi32>
    %sub3A_44 = arith.subi %div3A_19, %sub3A_43 : vector<1536x96xi32>
    %select_n3A_45 = arith.select %and3A_42, %sub3A_44, %div3A_19 : vector<1536x96xi1>, vector<1536x96xi32>
    %add3A_46 = arith.addi %mul3A_17, %select_n3A_45 : vector<1536x96xi32>
    %broadcast_in_dim3A = arith.constant 0 : i32
    %broadcast_in_dim3A_47 = vector.broadcast %broadcast_in_dim3A : i32 to vector<1536x32xi32>
    %concatenate3A = tpu.concatenate %add3A_46, %broadcast_in_dim3A_47 in 1 : vector<1536x96xi32>, vector<1536x32xi32> -> vector<1536x128xi32>
    %transpose3A = tpu.transpose %concatenate3A, [1, 0] : vector<1536x128xi32> -> vector<128x1536xi32>
    %get3A_48 = arith.constant 0 : index
    %get3A_49 = arith.constant 0 : index
    %get3A_50 = vector.load %arg2[%get3A_48, %get3A_49] : memref<1536x96xf32, #tpu.memory_space<vmem>>, vector<1536x96xf32>
    %convert_element_type3A = arith.sitofp %broadcast_in_dim3A_47 : vector<1536x32xi32> to vector<1536x32xf32>
    %concatenate3A_51 = tpu.concatenate %get3A_50, %convert_element_type3A in 1 : vector<1536x96xf32>, vector<1536x32xf32> -> vector<1536x128xf32>
    %transpose3A_52 = tpu.transpose %concatenate3A_51, [1, 0] : vector<1536x128xf32> -> vector<128x1536xf32>
    %slice3A = vector.extract_strided_slice %transpose3A {offsets = [0, 0], sizes = [96, 1536], strides = [1, 1]} : vector<128x1536xi32> to vector<96x1536xi32>
    %swap3A = arith.constant 0 : index
    %swap3A_53 = arith.constant 0 : index
    %swap3A_54 = vector.load %arg3[%swap3A, %swap3A_53] : memref<96x1536xi32, #tpu.memory_space<vmem>>, vector<96x1536xi32>
    tpu.vector_store %arg3[%swap3A, %swap3A_53], %slice3A {strides = array<i32>} : memref<96x1536xi32, #tpu.memory_space<vmem>>, vector<96x1536xi32>,
    %slice3A_55 = vector.extract_strided_slice %transpose3A_52 {offsets = [0, 0], sizes = [96, 1536], strides = [1, 1]} : vector<128x1536xf32> to vector<96x1536xf32>
    %swap3A_56 = arith.constant 0 : index
    %swap3A_57 = arith.constant 0 : index
    %swap3A_58 = vector.load %arg4[%swap3A_56, %swap3A_57] : memref<96x1536xf32, #tpu.memory_space<vmem>>, vector<96x1536xf32>
    tpu.vector_store %arg4[%swap3A_56, %swap3A_57], %slice3A_55 {strides = array<i32>} : memref<96x1536xf32, #tpu.memory_space<vmem>>, vector<96x1536xf32>,
    return
  }
  func.func @transform_0(%arg0: i32) -> (i32, i32) {
    %add3A = arith.constant 72 : i32
    %add3A_0 = arith.addi %add3A, %arg0 : i32
    %c0_i32 = arith.constant 0 : i32
    %c0_i32_1 = arith.constant 0 : i32
    return %add3A_0, %c0_i32 : i32, i32
  }
  func.func @transform_1(%arg0: i32) -> (i32, i32) {
    %add3A = arith.constant 72 : i32
    %add3A_0 = arith.addi %add3A, %arg0 : i32
    %c0_i32 = arith.constant 0 : i32
    %c0_i32_1 = arith.constant 0 : i32
    return %add3A_0, %c0_i32 : i32, i32
  }
  func.func @transform_2(%arg0: i32) -> (i32, i32) {
    %c0_i32 = arith.constant 0 : i32
    %c0_i32_0 = arith.constant 0 : i32
    return %c0_i32, %arg0 : i32, i32
  }
  func.func @transform_3(%arg0: i32) -> (i32, i32) {
    %c0_i32 = arith.constant 0 : i32
    %c0_i32_0 = arith.constant 0 : i32
    return %c0_i32, %arg0 : i32, i32
  }
}

module attributes {stable_mosaic.version = 14 : i64} {
  func.func @_decode_body(%arg0: i32, %arg1: memref<1536x96xi32, #tpu.memory_space<vmem>>, %arg2: memref<1536x96xf32, #tpu.memory_space<vmem>>, %arg3: memref<96x1536xi32, #tpu.memory_space<vmem>>, %arg4: memref<96x1536xf32, #tpu.memory_space<vmem>>) attributes {dimension_semantics = [#tpu.dimension_semantics<arbitrary>], iteration_bounds = array<i64: 24>, scalar_prefetch = 0 : i64, scratch_operands = 0 : i64, tpu.core_type = #tpu.core_type<tc>, window_params = [{transform_indices = @transform_0, window_bounds = array<i64: 1536, 96>}, {transform_indices = @transform_1, window_bounds = array<i64: 1536, 96>}, {transform_indices = @transform_2, window_bounds = array<i64: 96, 1536>}, {transform_indices = @transform_3, window_bounds = array<i64: 96, 1536>}]} {
    %get3A = arith.constant 0 : index
    %get3A_0 = arith.constant 0 : index
    %get3A_1 = vector.load %arg1[%get3A, %get3A_0] : memref<1536x96xi32, #tpu.memory_space<vmem>>, vector<1536x96xi32>
    %iota3A = tpu.iota {dimensions = array<i32: 1>} : vector<1536x96xi32>
    %jit3A = arith.constant 8 : i32
    %eq3A = arith.constant 0 : i32
    %eq3A_2 = arith.cmpi eq, %jit3A, %eq3A : i32
    %jit3A_3 = arith.constant 1 : i32
    %select_n3A = arith.select %eq3A_2, %jit3A_3, %jit3A : i32
    %rem3A = vector.broadcast %select_n3A : i32 to vector<1536x96xi32>
    %rem3A_4 = arith.remsi %iota3A, %rem3A : vector<1536x96xi32>
    %ne3A = arith.constant 0 : i32
    %ne3A_5 = vector.broadcast %ne3A : i32 to vector<1536x96xi32>
    %ne3A_6 = arith.cmpi ne, %rem3A_4, %ne3A_5 : vector<1536x96xi32>
    %lt3A = arith.constant 0 : i32
    %lt3A_7 = vector.broadcast %lt3A : i32 to vector<1536x96xi32>
    %lt3A_8 = arith.cmpi slt, %rem3A_4, %lt3A_7 : vector<1536x96xi32>
    %lt3A_9 = arith.constant 0 : i32
    %lt3A_10 = arith.cmpi slt, %select_n3A, %lt3A_9 : i32
    %ne3A_11 = vector.broadcast %lt3A_10 : i1 to vector<1536x96xi1>
    %ne3A_12 = vector.broadcast %ne3A_11 : vector<1536x96xi1> to vector<1536x96xi1>
    %ne3A_13 = arith.xori %lt3A_8, %ne3A_12 : vector<1536x96xi1>
    %and3A = arith.andi %ne3A_13, %ne3A_6 : vector<1536x96xi1>
    %add3A = vector.broadcast %select_n3A : i32 to vector<1536x96xi32>
    %add3A_14 = arith.addi %rem3A_4, %add3A : vector<1536x96xi32>
    %select_n3A_15 = arith.select %and3A, %add3A_14, %rem3A_4 : vector<1536x96xi1>, vector<1536x96xi32>
    %mul3A = arith.constant 147456 : i32
    %mul3A_16 = vector.broadcast %mul3A : i32 to vector<1536x96xi32>
    %mul3A_17 = arith.muli %select_n3A_15, %mul3A_16 : vector<1536x96xi32>
    %jit3A_18 = arith.constant 96 : i32
    %div3A = vector.broadcast %jit3A_18 : i32 to vector<1536x96xi32>
    %div3A_19 = arith.divsi %get3A_1, %div3A : vector<1536x96xi32>
    %sign3A = arith.constant 0 : i32
    %sign3A_20 = vector.broadcast %sign3A : i32 to vector<1536x96xi32>
    %sign3A_21 = arith.cmpi sgt, %get3A_1, %sign3A_20 : vector<1536x96xi32>
    %sign3A_22 = arith.extui %sign3A_21 : vector<1536x96xi1> to vector<1536x96xi32>
    %sign3A_23 = arith.constant 0 : i32
    %sign3A_24 = vector.broadcast %sign3A_23 : i32 to vector<1536x96xi32>
    %sign3A_25 = arith.cmpi slt, %get3A_1, %sign3A_24 : vector<1536x96xi32>
    %sign3A_26 = arith.extui %sign3A_25 : vector<1536x96xi1> to vector<1536x96xi32>
    %sign3A_27 = arith.subi %sign3A_22, %sign3A_26 : vector<1536x96xi32>
    %sign3A_28 = arith.constant 0 : i32
    %sign3A_29 = arith.cmpi sgt, %jit3A_18, %sign3A_28 : i32
    %sign3A_30 = arith.extui %sign3A_29 : i1 to i32
    %sign3A_31 = arith.constant 0 : i32
    %sign3A_32 = arith.cmpi slt, %jit3A_18, %sign3A_31 : i32
    %sign3A_33 = arith.extui %sign3A_32 : i1 to i32
    %sign3A_34 = arith.subi %sign3A_30, %sign3A_33 : i32
    %ne3A_35 = vector.broadcast %sign3A_34 : i32 to vector<1536x96xi32>
    %ne3A_36 = arith.cmpi ne, %sign3A_27, %ne3A_35 : vector<1536x96xi32>
    %rem3A_37 = vector.broadcast %jit3A_18 : i32 to vector<1536x96xi32>
    %rem3A_38 = arith.remsi %get3A_1, %rem3A_37 : vector<1536x96xi32>
    %ne3A_39 = arith.constant 0 : i32
    %ne3A_40 = vector.broadcast %ne3A_39 : i32 to vector<1536x96xi32>
    %ne3A_41 = arith.cmpi ne, %rem3A_38, %ne3A_40 : vector<1536x96xi32>
    %and3A_42 = arith.andi %ne3A_36, %ne3A_41 : vector<1536x96xi1>
    %sub3A = arith.constant 1 : i32
    %sub3A_43 = vector.broadcast %sub3A : i32 to vector<1536x96xi32>
    %sub3A_44 = arith.subi %div3A_19, %sub3A_43 : vector<1536x96xi32>
    %select_n3A_45 = arith.select %and3A_42, %sub3A_44, %div3A_19 : vector<1536x96xi1>, vector<1536x96xi32>
    %add3A_46 = arith.addi %mul3A_17, %select_n3A_45 : vector<1536x96xi32>
    %broadcast_in_dim3A = arith.constant 0 : i32
    %broadcast_in_dim3A_47 = vector.broadcast %broadcast_in_dim3A : i32 to vector<1536x32xi32>
    %concatenate3A = tpu.concatenate %add3A_46, %broadcast_in_dim3A_47 in 1 : vector<1536x96xi32>, vector<1536x32xi32> -> vector<1536x128xi32>
    %transpose3A = tpu.transpose %concatenate3A, [1, 0] : vector<1536x128xi32> -> vector<128x1536xi32>
    %get3A_48 = arith.constant 0 : index
    %get3A_49 = arith.constant 0 : index
    %get3A_50 = vector.load %arg2[%get3A_48, %get3A_49] : memref<1536x96xf32, #tpu.memory_space<vmem>>, vector<1536x96xf32>
    %convert_element_type3A = arith.sitofp %broadcast_in_dim3A_47 : vector<1536x32xi32> to vector<1536x32xf32>
    %concatenate3A_51 = tpu.concatenate %get3A_50, %convert_element_type3A in 1 : vector<1536x96xf32>, vector<1536x32xf32> -> vector<1536x128xf32>
    %transpose3A_52 = tpu.transpose %concatenate3A_51, [1, 0] : vector<1536x128xf32> -> vector<128x1536xf32>
    %slice3A = vector.extract_strided_slice %transpose3A {offsets = [0, 0], sizes = [96, 1536], strides = [1, 1]} : vector<128x1536xi32> to vector<96x1536xi32>
    %swap3A = arith.constant 0 : index
    %swap3A_53 = arith.constant 0 : index
    %swap3A_54 = vector.load %arg3[%swap3A, %swap3A_53] : memref<96x1536xi32, #tpu.memory_space<vmem>>, vector<96x1536xi32>
    tpu.vector_store %arg3[%swap3A, %swap3A_53], %slice3A {strides = array<i32>} : memref<96x1536xi32, #tpu.memory_space<vmem>>, vector<96x1536xi32>,
    %slice3A_55 = vector.extract_strided_slice %transpose3A_52 {offsets = [0, 0], sizes = [96, 1536], strides = [1, 1]} : vector<128x1536xf32> to vector<96x1536xf32>
    %swap3A_56 = arith.constant 0 : index
    %swap3A_57 = arith.constant 0 : index
    %swap3A_58 = vector.load %arg4[%swap3A_56, %swap3A_57] : memref<96x1536xf32, #tpu.memory_space<vmem>>, vector<96x1536xf32>
    tpu.vector_store %arg4[%swap3A_56, %swap3A_57], %slice3A_55 {strides = array<i32>} : memref<96x1536xf32, #tpu.memory_space<vmem>>, vector<96x1536xf32>,
    return
  }
  func.func @transform_0(%arg0: i32) -> (i32, i32) {
    %add3A = arith.constant 24 : i32
    %add3A_0 = arith.addi %add3A, %arg0 : i32
    %c0_i32 = arith.constant 0 : i32
    %c0_i32_1 = arith.constant 0 : i32
    return %add3A_0, %c0_i32 : i32, i32
  }
  func.func @transform_1(%arg0: i32) -> (i32, i32) {
    %add3A = arith.constant 24 : i32
    %add3A_0 = arith.addi %add3A, %arg0 : i32
    %c0_i32 = arith.constant 0 : i32
    %c0_i32_1 = arith.constant 0 : i32
    return %add3A_0, %c0_i32 : i32, i32
  }
  func.func @transform_2(%arg0: i32) -> (i32, i32) {
    %c0_i32 = arith.constant 0 : i32
    %c0_i32_0 = arith.constant 0 : i32
    return %c0_i32, %arg0 : i32, i32
  }
  func.func @transform_3(%arg0: i32) -> (i32, i32) {
    %c0_i32 = arith.constant 0 : i32
    %c0_i32_0 = arith.constant 0 : i32
    return %c0_i32, %arg0 : i32, i32
  }
}

module attributes {stable_mosaic.version = 14 : i64} {
  func.func @_decode_body(%arg0: i32, %arg1: memref<1536x96xi32, #tpu.memory_space<vmem>>, %arg2: memref<1536x96xf32, #tpu.memory_space<vmem>>, %arg3: memref<96x1536xi32, #tpu.memory_space<vmem>>, %arg4: memref<96x1536xf32, #tpu.memory_space<vmem>>) attributes {dimension_semantics = [#tpu.dimension_semantics<arbitrary>], iteration_bounds = array<i64: 24>, scalar_prefetch = 0 : i64, scratch_operands = 0 : i64, tpu.core_type = #tpu.core_type<tc>, window_params = [{transform_indices = @transform_0, window_bounds = array<i64: 1536, 96>}, {transform_indices = @transform_1, window_bounds = array<i64: 1536, 96>}, {transform_indices = @transform_2, window_bounds = array<i64: 96, 1536>}, {transform_indices = @transform_3, window_bounds = array<i64: 96, 1536>}]} {
    %get3A = arith.constant 0 : index
    %get3A_0 = arith.constant 0 : index
    %get3A_1 = vector.load %arg1[%get3A, %get3A_0] : memref<1536x96xi32, #tpu.memory_space<vmem>>, vector<1536x96xi32>
    %iota3A = tpu.iota {dimensions = array<i32: 1>} : vector<1536x96xi32>
    %jit3A = arith.constant 8 : i32
    %eq3A = arith.constant 0 : i32
    %eq3A_2 = arith.cmpi eq, %jit3A, %eq3A : i32
    %jit3A_3 = arith.constant 1 : i32
    %select_n3A = arith.select %eq3A_2, %jit3A_3, %jit3A : i32
    %rem3A = vector.broadcast %select_n3A : i32 to vector<1536x96xi32>
    %rem3A_4 = arith.remsi %iota3A, %rem3A : vector<1536x96xi32>
    %ne3A = arith.constant 0 : i32
    %ne3A_5 = vector.broadcast %ne3A : i32 to vector<1536x96xi32>
    %ne3A_6 = arith.cmpi ne, %rem3A_4, %ne3A_5 : vector<1536x96xi32>
    %lt3A = arith.constant 0 : i32
    %lt3A_7 = vector.broadcast %lt3A : i32 to vector<1536x96xi32>
    %lt3A_8 = arith.cmpi slt, %rem3A_4, %lt3A_7 : vector<1536x96xi32>
    %lt3A_9 = arith.constant 0 : i32
    %lt3A_10 = arith.cmpi slt, %select_n3A, %lt3A_9 : i32
    %ne3A_11 = vector.broadcast %lt3A_10 : i1 to vector<1536x96xi1>
    %ne3A_12 = vector.broadcast %ne3A_11 : vector<1536x96xi1> to vector<1536x96xi1>
    %ne3A_13 = arith.xori %lt3A_8, %ne3A_12 : vector<1536x96xi1>
    %and3A = arith.andi %ne3A_13, %ne3A_6 : vector<1536x96xi1>
    %add3A = vector.broadcast %select_n3A : i32 to vector<1536x96xi32>
    %add3A_14 = arith.addi %rem3A_4, %add3A : vector<1536x96xi32>
    %select_n3A_15 = arith.select %and3A, %add3A_14, %rem3A_4 : vector<1536x96xi1>, vector<1536x96xi32>
    %mul3A = arith.constant 147456 : i32
    %mul3A_16 = vector.broadcast %mul3A : i32 to vector<1536x96xi32>
    %mul3A_17 = arith.muli %select_n3A_15, %mul3A_16 : vector<1536x96xi32>
    %jit3A_18 = arith.constant 96 : i32
    %div3A = vector.broadcast %jit3A_18 : i32 to vector<1536x96xi32>
    %div3A_19 = arith.divsi %get3A_1, %div3A : vector<1536x96xi32>
    %sign3A = arith.constant 0 : i32
    %sign3A_20 = vector.broadcast %sign3A : i32 to vector<1536x96xi32>
    %sign3A_21 = arith.cmpi sgt, %get3A_1, %sign3A_20 : vector<1536x96xi32>
    %sign3A_22 = arith.extui %sign3A_21 : vector<1536x96xi1> to vector<1536x96xi32>
    %sign3A_23 = arith.constant 0 : i32
    %sign3A_24 = vector.broadcast %sign3A_23 : i32 to vector<1536x96xi32>
    %sign3A_25 = arith.cmpi slt, %get3A_1, %sign3A_24 : vector<1536x96xi32>
    %sign3A_26 = arith.extui %sign3A_25 : vector<1536x96xi1> to vector<1536x96xi32>
    %sign3A_27 = arith.subi %sign3A_22, %sign3A_26 : vector<1536x96xi32>
    %sign3A_28 = arith.constant 0 : i32
    %sign3A_29 = arith.cmpi sgt, %jit3A_18, %sign3A_28 : i32
    %sign3A_30 = arith.extui %sign3A_29 : i1 to i32
    %sign3A_31 = arith.constant 0 : i32
    %sign3A_32 = arith.cmpi slt, %jit3A_18, %sign3A_31 : i32
    %sign3A_33 = arith.extui %sign3A_32 : i1 to i32
    %sign3A_34 = arith.subi %sign3A_30, %sign3A_33 : i32
    %ne3A_35 = vector.broadcast %sign3A_34 : i32 to vector<1536x96xi32>
    %ne3A_36 = arith.cmpi ne, %sign3A_27, %ne3A_35 : vector<1536x96xi32>
    %rem3A_37 = vector.broadcast %jit3A_18 : i32 to vector<1536x96xi32>
    %rem3A_38 = arith.remsi %get3A_1, %rem3A_37 : vector<1536x96xi32>
    %ne3A_39 = arith.constant 0 : i32
    %ne3A_40 = vector.broadcast %ne3A_39 : i32 to vector<1536x96xi32>
    %ne3A_41 = arith.cmpi ne, %rem3A_38, %ne3A_40 : vector<1536x96xi32>
    %and3A_42 = arith.andi %ne3A_36, %ne3A_41 : vector<1536x96xi1>
    %sub3A = arith.constant 1 : i32
    %sub3A_43 = vector.broadcast %sub3A : i32 to vector<1536x96xi32>
    %sub3A_44 = arith.subi %div3A_19, %sub3A_43 : vector<1536x96xi32>
    %select_n3A_45 = arith.select %and3A_42, %sub3A_44, %div3A_19 : vector<1536x96xi1>, vector<1536x96xi32>
    %add3A_46 = arith.addi %mul3A_17, %select_n3A_45 : vector<1536x96xi32>
    %broadcast_in_dim3A = arith.constant 0 : i32
    %broadcast_in_dim3A_47 = vector.broadcast %broadcast_in_dim3A : i32 to vector<1536x32xi32>
    %concatenate3A = tpu.concatenate %add3A_46, %broadcast_in_dim3A_47 in 1 : vector<1536x96xi32>, vector<1536x32xi32> -> vector<1536x128xi32>
    %transpose3A = tpu.transpose %concatenate3A, [1, 0] : vector<1536x128xi32> -> vector<128x1536xi32>
    %get3A_48 = arith.constant 0 : index
    %get3A_49 = arith.constant 0 : index
    %get3A_50 = vector.load %arg2[%get3A_48, %get3A_49] : memref<1536x96xf32, #tpu.memory_space<vmem>>, vector<1536x96xf32>
    %convert_element_type3A = arith.sitofp %broadcast_in_dim3A_47 : vector<1536x32xi32> to vector<1536x32xf32>
    %concatenate3A_51 = tpu.concatenate %get3A_50, %convert_element_type3A in 1 : vector<1536x96xf32>, vector<1536x32xf32> -> vector<1536x128xf32>
    %transpose3A_52 = tpu.transpose %concatenate3A_51, [1, 0] : vector<1536x128xf32> -> vector<128x1536xf32>
    %slice3A = vector.extract_strided_slice %transpose3A {offsets = [0, 0], sizes = [96, 1536], strides = [1, 1]} : vector<128x1536xi32> to vector<96x1536xi32>
    %swap3A = arith.constant 0 : index
    %swap3A_53 = arith.constant 0 : index
    %swap3A_54 = vector.load %arg3[%swap3A, %swap3A_53] : memref<96x1536xi32, #tpu.memory_space<vmem>>, vector<96x1536xi32>
    tpu.vector_store %arg3[%swap3A, %swap3A_53], %slice3A {strides = array<i32>} : memref<96x1536xi32, #tpu.memory_space<vmem>>, vector<96x1536xi32>,
    %slice3A_55 = vector.extract_strided_slice %transpose3A_52 {offsets = [0, 0], sizes = [96, 1536], strides = [1, 1]} : vector<128x1536xf32> to vector<96x1536xf32>
    %swap3A_56 = arith.constant 0 : index
    %swap3A_57 = arith.constant 0 : index
    %swap3A_58 = vector.load %arg4[%swap3A_56, %swap3A_57] : memref<96x1536xf32, #tpu.memory_space<vmem>>, vector<96x1536xf32>
    tpu.vector_store %arg4[%swap3A_56, %swap3A_57], %slice3A_55 {strides = array<i32>} : memref<96x1536xf32, #tpu.memory_space<vmem>>, vector<96x1536xf32>,
    return
  }
  func.func @transform_0(%arg0: i32) -> (i32, i32) {
    %add3A = arith.constant 0 : i32
    %add3A_0 = arith.addi %add3A, %arg0 : i32
    %c0_i32 = arith.constant 0 : i32
    %c0_i32_1 = arith.constant 0 : i32
    return %add3A_0, %c0_i32 : i32, i32
  }
  func.func @transform_1(%arg0: i32) -> (i32, i32) {
    %add3A = arith.constant 0 : i32
    %add3A_0 = arith.addi %add3A, %arg0 : i32
    %c0_i32 = arith.constant 0 : i32
    %c0_i32_1 = arith.constant 0 : i32
    return %add3A_0, %c0_i32 : i32, i32
  }
  func.func @transform_2(%arg0: i32) -> (i32, i32) {
    %c0_i32 = arith.constant 0 : i32
    %c0_i32_0 = arith.constant 0 : i32
    return %c0_i32, %arg0 : i32, i32
  }
  func.func @transform_3(%arg0: i32) -> (i32, i32) {
    %c0_i32 = arith.constant 0 : i32
    %c0_i32_0 = arith.constant 0 : i32
    return %c0_i32, %arg0 : i32, i32
  }
}

module attributes {stable_mosaic.version = 14 : i64} {
  func.func @_untranspose_body(%arg0: i32, %arg1: memref<96x4608xf32, #tpu.memory_space<vmem>>, %arg2: memref<4608x96xf32, #tpu.memory_space<vmem>>) attributes {dimension_semantics = [#tpu.dimension_semantics<arbitrary>], iteration_bounds = array<i64: 32>, scalar_prefetch = 0 : i64, scratch_operands = 0 : i64, tpu.core_type = #tpu.core_type<tc>, window_params = [{transform_indices = @transform_0, window_bounds = array<i64: 96, 4608>}, {transform_indices = @transform_1, window_bounds = array<i64: 4608, 96>}]} {
    %get3A = arith.constant 0 : index
    %get3A_0 = arith.constant 0 : index
    %get3A_1 = vector.load %arg1[%get3A, %get3A_0] : memref<96x4608xf32, #tpu.memory_space<vmem>>, vector<96x4608xf32>
    %broadcast_in_dim3A = arith.constant 0.000000e+00 : f32
    %broadcast_in_dim3A_2 = vector.broadcast %broadcast_in_dim3A : f32 to vector<32x4608xf32>
    %concatenate3A = tpu.concatenate %get3A_1, %broadcast_in_dim3A_2 in 0 : vector<96x4608xf32>, vector<32x4608xf32> -> vector<128x4608xf32>
    %transpose3A = tpu.transpose %concatenate3A, [1, 0] : vector<128x4608xf32> -> vector<4608x128xf32>
    %slice3A = vector.extract_strided_slice %transpose3A {offsets = [0, 0], sizes = [4608, 96], strides = [1, 1]} : vector<4608x128xf32> to vector<4608x96xf32>
    %swap3A = arith.constant 0 : index
    %swap3A_3 = arith.constant 0 : index
    %swap3A_4 = vector.load %arg2[%swap3A, %swap3A_3] : memref<4608x96xf32, #tpu.memory_space<vmem>>, vector<4608x96xf32>
    tpu.vector_store %arg2[%swap3A, %swap3A_3], %slice3A {strides = array<i32>} : memref<4608x96xf32, #tpu.memory_space<vmem>>, vector<4608x96xf32>,
    return
  }
  func.func @transform_0(%arg0: i32) -> (i32, i32) {
    %c0_i32 = arith.constant 0 : i32
    %c0_i32_0 = arith.constant 0 : i32
    return %c0_i32, %arg0 : i32, i32
  }
  func.func @transform_1(%arg0: i32) -> (i32, i32) {
    %c0_i32 = arith.constant 0 : i32
    %c0_i32_0 = arith.constant 0 : i32
    return %arg0, %c0_i32 : i32, i32
  }
}

</mosaic_0001>

<sc_bundles>
// kernel: kernel.14.cloned.1.call-start
scs
__scs_entry_jumppad:
0x0: {  	(pc) =	sbr.rel $0x88, $3  }
0x1: {  	(tag) =	ssettag $0x0;
	lr =	simm.s32 $0x1  }
0x2: {  	[smem:$0x3F9F] =	sst lr;
	_ =	strace $0xD0000000  }
0x3: {  	_ = 	snop  }
0x4: {  	_ = 	snop  }
0x5: {  	_ = 	snop  }
0x6: {  	_ = 	snop  }
0x7: {  	_ = 	snop  }
__scs_overlays_trampoline_lowered:
0x8: {  	[smem:$0x3FAE] =	sst s0  }
0x9: {  	[smem:$0x3FAF] =	sst s1  }
0xa: {  	[smem:$0x3FB0] =	sst s2  }
0xb: {  	[smem:$0x3FB1] =	sst s3  }
0xc: {  	[smem:$0x3FB2] =	sst s4  }
0xd: {  	[smem:$0x3FB3] =	sst s5  }
0xe: {  	[smem:$0x3FB4] =	sst s6  }
0xf: {  	[smem:$0x3FB5] =	sst s7  }
0x10: {  	[smem:$0x3FB6] =	sst s8  }
0x11: {  	[smem:$0x3FB7] =	sst s9;
	s0 =	simm.s32 @!p0 $0x0  }
0x12: {  	s1 =	sld [smem:$0x3F9D];
	s0 =	simm.s32 @p0 $0x1  }
0x13: {  	[smem:$0x3FB8] =	sst s0;
	s0 =	simm.s32 @!p1 $0x0  }
0x14: {  	s2 =	sld [smem:$0x3F9C];
	s0 =	simm.s32 @p1 $0x1  }
0x15: {  	[smem:$0x3FB9] =	sst s0;
	s0 =	simm.s32 @!p2 $0x0  }
0x16: {  	s3 =	sld [smem:$0x3FDB];
	s0 =	simm.s32 @p2 $0x1  }
0x17: {  	s4 =	simm.s32 $0x1BF5;
	[smem:$0x3FBB] =	sst s0  }
0x18: {  	s0 =	sld [smem:$0x3F9E];
	_ =	swait.ge [sflag:s4], $0x0  }
0x19: {  	s7 =	sld [smem:$0x3F9F]  }
0x1a: {  	s8 =	sadd.s32 $0xFFFFE003, lr  }
0x1b: {  	s9 =	sadd.s32 $0xFFFFFEF7, lr;
	s5 =	simm.s32 $0xFFFFFFFF;
	p2 =	slt.u32 s8, $0xFFFFF086  }
0x1c: {  	p1 =	slt.u32 s9, $0xF7A;
	s5 =	simm.s32 @!p2 $0x0  }
0x1d: {  	s5 =	simm.s32 @p1 $0x1;
	p0 =	seq.s32 s7, s2  }
0x1e: {  	s7 =	smul.u32 @!p0 $0xF7A, s2;
	p2 =	seq.s32 @!p0 s5, $0x0  }
0x1f: {  	s9 =	smul.u32 $0xF7A, s1;
	s8 =	simm.s32 @!p0 $0x1BF5;
	p2 =	por !p2, p0  }
0x20: {  	[sflag:s8] =	ssyncset.s32 @!p0 $0xFFFFF086;
	s6 =	sadd.s32 @!p0 s3, s7;
	s7 =	simm.s32 @!p0 $0x108  }
0x21: {  	s3 =	sadd.s32 s3, s9;
	s6 =	sadd.s32 @!p0 $0x88, s6;
	s7 =	simm.s32 @p2 $0x1082  }
0x22: {  	[simem:s7], [sflag:s8] =	dma.local @!p0 [hbm:s6], $0xF7A  }
0x23: {  	s9 =	sor.u32 $0xD0000000, s2;
	s6 =	simm.s32 $0x108;
	_ =	swait.ge @!p0 [sflag:s8], $0x0  }
0x24: {  	s3 =	sadd.s32 $0x88, s3;
	s6 =	simm.s32 @!p1 $0x1082;
	[sflag:s4] =	ssyncset.s32 $0xFFFFF086  }
0x25: {  	[simem:s6], [sflag:s4] =	dma.local [hbm:s3], $0xF7A  }
0x26: {  	[smem:$0x3F9F] =	sst s1;
	(tag) =	ssettag s2;
	_ =	strace s9  }
0x27: {  	s1 =	sld [smem:$0x3FAF]  }
0x28: {  	s2 =	sld [smem:$0x3FB0]  }
0x29: {  	s4 =	sld [smem:$0x3FB2]  }
0x2a: {  	p0 =	seq.s32 s5, $0x0;
	s5 =	sld [smem:$0x3FB3]  }
0x2b: {  	s6 =	sld [smem:$0x3FB4]  }
0x2c: {  	s7 =	sld [smem:$0x3FB5]  }
0x2d: {  	s3 =	simm.s32 $0x108;
	s8 =	sld [smem:$0x3FB6]  }
0x2e: {  	s3 =	simm.s32 @!p0 $0x1082;
	s9 =	sld [smem:$0x3FB7]  }
0x2f: {  	lr =	sadd.s32 s0, s3;
	s0 =	sld [smem:$0x3FAE]  }
0x30: {  	s3 =	sld [smem:$0x3FB1]  }
0x31: {  	[smem:$0x3FBA] =	sst s10  }
0x32: {  	s10 =	sld [smem:$0x3FB8];
	_ =	sdelay $0x3  }
0x33: {  	p0 =	seq.s32 s10, $0x1;
	s10 =	sld [smem:$0x3FBA];
	_ =	sdelay $0x3  }
0x34: {  	[smem:$0x3FBA] =	sst s10  }
0x35: {  	s10 =	sld [smem:$0x3FB9];
	_ =	sdelay $0x3  }
0x36: {  	p1 =	seq.s32 s10, $0x1;
	s10 =	sld [smem:$0x3FBA];
	_ =	sdelay $0x3  }
0x37: {  	[smem:$0x3FBA] =	sst s10  }
0x38: {  	s10 =	sld [smem:$0x3FBB]  }
0x39: {  	_ = 	snop;
	(pc) =	sbr.ind lr, $3  }
0x3a: {  	_ = 	snop  }
0x3b: {  	_ = 	snop  }
0x3c: {  	p2 =	seq.s32 s10, $0x1;
	s10 =	sld [smem:$0x3FBA]  }
0x3d: {  	_ =	shalt  }
0x3e: {  	_ =	shalt  }
0x3f: {  	_ =	shalt  }
0x40: {  	_ =	shalt  }
0x41: {  	_ =	shalt  }
0x42: {  	_ =	shalt  }
0x43: {  	_ =	shalt  }
0x44: {  	_ =	shalt  }
0x45: {  	_ =	shalt  }
0x46: {  	_ =	shalt  }
0x47: {  	_ =	shalt  }
0x48: {  	_ =	shalt  }
0x49: {  	_ =	shalt  }
0x4a: {  	_ =	shalt  }
0x4b: {  	_ =	shalt  }
0x4c: {  	_ =	shalt  }
0x4d: {  	_ =	shalt  }
0x4e: {  	_ =	shalt  }
0x4f: {  	_ =	shalt  }
0x50: {  	_ =	shalt  }
0x51: {  	_ =	shalt  }
0x52: {  	_ =	shalt  }
0x53: {  	_ =	shalt  }
0x54: {  	_ =	shalt  }
0x55: {  	_ =	shalt  }
0x56: {  	_ =	shalt  }
0x57: {  	_ =	shalt  }
0x58: {  	_ =	shalt  }
0x59: {  	_ =	shalt  }
0x5a: {  	_ =	shalt  }
0x5b: {  	_ =	shalt  }
0x5c: {  	_ =	shalt  }
0x5d: {  	_ =	shalt  }
0x5e: {  	_ =	shalt  }
0x5f: {  	_ =	shalt  }
0x60: {  	_ =	shalt  }
0x61: {  	_ =	shalt  }
0x62: {  	_ =	shalt  }
0x63: {  	_ =	shalt  }
0x64: {  	_ =	shalt  }
0x65: {  	_ =	shalt  }
0x66: {  	_ =	shalt  }
0x67: {  	_ =	shalt  }
0x68: {  	_ =	shalt  }
0x69: {  	_ =	shalt  }
0x6a: {  	_ =	shalt  }
0x6b: {  	_ =	shalt  }
0x6c: {  	_ =	shalt  }
0x6d: {  	_ =	shalt  }
0x6e: {  	_ =	shalt  }
0x6f: {  	_ =	shalt  }
0x70: {  	_ =	shalt  }
0x71: {  	_ =	shalt  }
0x72: {  	_ =	shalt  }
0x73: {  	_ =	shalt  }
0x74: {  	_ =	shalt  }
0x75: {  	_ =	shalt  }
0x76: {  	_ =	shalt  }
0x77: {  	_ =	shalt  }
0x78: {  	_ =	shalt  }
0x79: {  	_ =	shalt  }
0x7a: {  	_ =	shalt  }
0x7b: {  	_ =	shalt  }
0x7c: {  	_ =	shalt  }
0x7d: {  	_ =	shalt  }
0x7e: {  	_ =	shalt  }
0x7f: {  	_ =	shalt  }
0x80: {  	_ =	shalt  }
0x81: {  	_ =	shalt  }
0x82: {  	_ =	shalt  }
0x83: {  	_ =	shalt  }
0x84: {  	_ =	shalt  }
0x85: {  	_ =	shalt  }
0x86: {  	_ =	shalt  }
0x87: {  	_ =	shalt  }
.Lfunc_end0:
.L_simem_size_0:
called_computation.4_lowered:
.L_overlay_start_0:
0x88: {  	s2 =	sld [smem:$0x3FD9]  }
0x89: {  	s3 =	sld [smem:$0x3FFE];
	_ =	sdelay $0x1  }
0x8a: {  	s1 =	srdreg.scid  }
0x8b: {  	s0 =	sand.u32 $0x1, s1  }
0x8c: {  	s16 =	sshll.u32 s0, $0xA;
	s2 =	sadd.s32 s3, s2  }
0x8d: {  	s2 =	sadd.s32 s2, s16  }
0x8e: {  	[smem:$0x3FC6] =	sst s2  }
0x8f: {  	_ = 	snop  }
0x90: {  	(tm) =	ssettm $0x1  }
0x91: {  	s17 =	sld [smem:$0x3FFB];
	_ =	sdelay $0x3  }
0x92: {  	_ =	strace s17  }
0x93: {  	s2 =	sld [smem:$0x3FFC];
	_ =	sdelay $0x3  }
0x94: {  	_ =	strace s2  }
0x95: {  	s2 =	sld [smem:$0x3FFD];
	_ =	sdelay $0x3  }
0x96: {  	_ =	strace s2  }
0x97: {  	_ =	strace $0x8FFFFFFF  }
0x98: {  	s18 =	sld [smem:$0x3FDB];
	_ =	sdelay $0x1  }
0x99: {  	s19 =	simm.s32 $_scs_section_size  }
0x9a: {  	s4 =	simm.s32 $_size__tile_overlayer_lowered;
	s5 =	simm.s32 $_tile_overlayer_lowered  }
0x9b: {  	s22 =	simm.s32 $0x1BFF;
	s21 =	sshll.u32 s5, $0x1;
	s2 =	sadd.s32 s19, s18  }
0x9c: {  	s6 =	simm.s32 $0x0;
	s20 =	sshll.u32 s4, $0x1;
	s4 =	sadd.s32 s21, s2  }
0x9d: {  	[timem:s6], [sflag:s22] =	dma.local [hbm:s4], s20  }
0x9e: {  	_ =	swait.ge [sflag:s22], s20  }
0x9f: {  	s3 =	ssub.s32 $0x0, s20;
	[sflag:s22] =	ssyncset.done $0x0  }
0xa0: {  	[sflag:s22] =	ssyncadd.s32 s3;
	_ =	sdelay $0x1  }
0xa1: {  	s23 =	simm.s32 $0x1B8B  }
0xa2: {  	_ =	swait.ge [sflag:s23], $0x1  }
0xa3: {  	[sflag:s23] =	ssyncset.done $0x0  }
0xa4: {  	s25 =	simm.s32 $0x1B8E;
	s24 =	sld [smem:$0x3FFE];
	[sflag:s23] =	ssyncadd.s32 $0xFFFFFFFF  }
0xa5: {  	s26 =	simm.s32 $execute0_lowered;
	[smem:$0x3FD2] =	sst s25  }
0xa6: {  	s4 =	sshll.u32 s26, $0x1;
	_ =	strace $0x80000046;
	[dreg:$0x1] =	wrdreg $0xFFFFFFFF  }
0xa7: {  	s28 =	simm.s32 $_size_execute0_lowered;
	s2 =	sadd.s32 s2, s4;
	[dreg:$0x0] =	wrdreg $0x0  }
0xa8: {  	s4 =	sshll.u32 s28, $0x1;
	[dreg:$0x2] =	wrdreg s2  }
0xa9: {  	[dreg:$0x3] =	wrdreg s4  }
0xaa: {  	[dreg:$0x4] =	wrdreg $0xC0  }
0xab: {  	_ =	task [dreg:s6], $0x5FFFF  }
0xac: {  	[dreg:$0x1] =	wrdreg $0xFFFFFFFF  }
0xad: {  	[dreg:$0x0] =	wrdreg $0x60  }
0xae: {  	[dreg:$0x2] =	wrdreg s24  }
0xaf: {  	[dreg:$0x3] =	wrdreg $0xD8000  }
0xb0: {  	[dreg:$0x4] =	wrdreg $0x9  }
0xb1: {  	_ =	task.clear_ibuf [dreg:s6], $0x5FFFF;
	_ =	strace $0x90000046  }
0xb2: {  	s29 =	simm.s32 $0x9;
	_ =	strace $0x80000048  }
0xb3: {  	_ =	swait.ge [sflag:s29], $0x1  }
0xb4: {  	[sflag:s29] =	ssyncadd.s32 $0xFFFFFFFF  }
0xb5: {  	_ =	strace $0x90000048  }
0xb6: {  	_ =	sfence  }
0xb7: {  	s30 =	sld [smem:$0x0];
	_ =	sdelay $0x2  }
0xb8: {  	s31 =	sshll.u32 s1, $0xD;
	s1 =	sshrl.u32 s1, $0x2  }
0xb9: {  	s3 =	sand.u32 $0x4000, s31;
	s1 =	sadd.s32 s1, s30  }
0xba: {  	s0 =	sor.u32 s3, s0;
	s1 =	sshll.u32 s1, $0x11  }
0xbb: {  	s0 =	sor.u32 s1, s0  }
0xbc: {  	s0 =	sadd.s32 $0x8F2B, s0  }
0xbd: {  	[sflag:s0] =	ssyncadd.remote.s32 $0x1  }
0xbe: {  	_ =	sfence.sel $0xFFFF  }
0xbf: {  	[dreg:$0x0] =	wrdreg $0xFFFFFFFF;
	(pc) =	sbr.abs _section_cstart, $3  }
0xc0: {  	[dreg:$0x1] =	wrdreg $0xFFFFFFFF  }
0xc1: {  	_ =	task.clear_ibuf [dreg:s6], $0x2FFFF;
	_ =	strace $0x9FFFFFFF  }
0xc2: {  	(tm) =	ssettm $0x7FFFFFFF  }
0xc3: {  	_ =	shalt  }
tec
execute0_lowered:
.L_overlay_start_1:
0x0: {  	(tag) =	ssettag $0x1  }
0x1: {  	s0 =	stileid.u32;
	s5 =	rddreg [dreg:$0x0]  }
0x2: {  	s1 =	srdreg.scid;
	s2 =	rddreg [dreg:$0x1]  }
0x3: {  	s3 =	simm.s32 $0x0;
	s12 =	simm.s32 $0x9000;
	s13 =	simm.s32 $0x1  }
0x4: {  	s14 =	simm.s32 $0x80;
	s4 =	sand.u32 $0x1, s0;
	s28 =	smul.u32 $0x48000, s0  }
0x5: {  	s15 =	simm.s32 $0x400;
	s6 =	sand.u32 $0x1, s1;
	s7 =	smul.u32 $0x24000, s4  }
0x6: {  	s16 =	simm.s32 $0x4800;
	s19 =	simm.s32 $0x10;
	s8 =	smul.u32 $0x48000, s6  }
0x7: {  	s20 =	simm.s32 $0x0;
	s1 =	rddreg [dreg:$0x2];
	s4 =	smul.u32 $0x90000, s4  }
0x8: {  	s17 =	sshll.u32 s0, $0x6;
	[smem:$0x7FF] =	sst s3;
	s26 =	smul.u32 $0x120000, s6  }
0x9: {  	s9 =	sand.u32 $0x380, s17;
	_ =	strace $0x80000047;
	s6 =	ssub.s32 $0x2, s6  }
0xa: {  	s17 =	sor.u32 $0x1C01, s17;
	s29 =	sshrl.u32 s6, $0x1;
	s4 =	sadd.s32 s4, s26  }
0xb: {  	s30 =	sshrl.u32 s28, $0x2;
	s7 =	sadd.s32 s7, s8;
	s4 =	sor.u32 s9, s4  }
0xc: {  	s6 =	ssub.s32 s6, s29;
	s7 =	sor.u32 s9, s7;
	s4 =	sshrl.u32 s4, $0x3  }
0xd: {  	s7 =	sshrl.u32 s7, $0x3;
	s31 =	sadd.s32 s4, s5;
	s4 =	sadd.s32 s30, s2  }
0xe: {  	s11 =	sadd.s32 s7, s5;
	s5 =	smax.u32 s6, $0x1;
	s6 =	sadd.s32 $0x4800, s4  }
0xf: {  	s7 =	sadd.s32 $0x9000, s4;
	s8 =	sadd.s32 $0xD800, s4;
	s9 =	sadd.s32 $0xDB000, s31  }
0x10: {  	v0 =	vimm.f32 $0.0e+00;
	s10 =	sadd.s32 $0x3000, s11;
	s11 =	sadd.s32 $0x6F000, s11;
	s18 =	sshrl.u32 s4, $0x3  }
.LBB2_1:
0x11: {  	s21 =	simm.s32 $0x0  }
.LBB2_2:
0x12: {  	p0 =	sne.s32 s21, $0x11FC0  }
.Ltmp0:
0x13: {  	_ = 	snop;
	(pc) =	sbr.rel @p0 .LBB2_2-.Ltmp0, $3  }
0x14: {  	_ =	sdelay $0x1  }
0x15: {  	s22 =	sshra.s32 s21, $0x2  }
0x16: {  	s21 =	sadd.s32 $0x40, s21;
	[tilespmem:s22+$0x9000] =	vst v0  }
0x17: {  	[spmem:s4] =	stream.linear.scatter [tilespmem:s12], [sflag:$0x1], $0x4800, $0x38;
	[tilespmem:$0x1F800] =	vst v63  }
0x18: {  	_ =	swait.ge [sflag:s13], $0x4800  }
0x19: {  	[sflag:s13] =	ssyncset.done $0x0  }
0x1a: {  	[sflag:s13] =	ssyncadd.s32 $0xFFFFB800  }
0x1b: {  	[spmem:s6] =	stream.linear.scatter [tilespmem:s12], [sflag:$0x1], $0x4800, $0x38;
	[tilespmem:$0x1F800] =	vst v63  }
0x1c: {  	_ =	swait.ge [sflag:s13], $0x4800  }
0x1d: {  	[sflag:s13] =	ssyncset.done $0x0  }
0x1e: {  	[sflag:s13] =	ssyncadd.s32 $0xFFFFB800  }
0x1f: {  	[spmem:s7] =	stream.linear.scatter [tilespmem:s12], [sflag:$0x1], $0x4800, $0x38;
	[tilespmem:$0x1F800] =	vst v63  }
0x20: {  	_ =	swait.ge [sflag:s13], $0x4800  }
0x21: {  	[sflag:s13] =	ssyncset.done $0x0  }
0x22: {  	[sflag:s13] =	ssyncadd.s32 $0xFFFFB800  }
0x23: {  	[spmem:s8] =	stream.linear.scatter [tilespmem:s12], [sflag:$0x1], $0x4800, $0x38;
	[tilespmem:$0x1F800] =	vst v63  }
0x24: {  	_ =	swait.ge [sflag:s13], $0x4800  }
0x25: {  	[sflag:s13] =	ssyncset.done $0x0  }
0x26: {  	[sflag:s13] =	ssyncadd.s32 $0xFFFFB800  }
0x27: {  	s21 =	sadd.s32 $0x0, s11;
	[bflag:$0x0] =	sbarrier.arrive $0xFFFF  }
0x28: {  	[tilespmem:s3], [sflag:$0x1] =	stream.strided.gather [hbm4b:s21+s14], $0x4800, s15, s14, $0x38;
	[tilespmem:$0x1F800] =	vst v63  }
0x29: {  	_ =	swait.ge [sflag:s13], $0x4800  }
0x2a: {  	[sflag:s13] =	ssyncset.done $0x0  }
0x2b: {  	s31 =	sadd.s32 $0x0, s10;
	[sflag:s13] =	ssyncadd.s32 $0xFFFFB800  }
0x2c: {  	[tilespmem:s16], [sflag:$0x1] =	stream.strided.gather [hbm4b:s31+s14], $0x4800, s15, s14, $0x38;
	[tilespmem:$0x1F800] =	vst v63  }
0x2d: {  	_ =	swait.ge [sflag:s13], $0x4800  }
0x2e: {  	[sflag:s13] =	ssyncset.done $0x0  }
0x2f: {  	[sflag:s13] =	ssyncadd.s32 $0xFFFFB800  }
0x30: {  	[spmem:s2] =	stream.indirect.scatter.add.f32 [tilespmem:s16], [sflag:$0x1], $0x1, s3, s16, $0xb8;
	[tilespmem:$0x1F800] =	vst v63  }
0x31: {  	_ =	swait.ge [sflag:s13], $0x4800  }
0x32: {  	[sflag:s13] =	ssyncset.done $0x0  }
0x33: {  	[sflag:s13] =	ssyncadd.s32 $0xFFFFB800  }
0x34: {  	[bflag:$0x0] =	sbarrier.arrive $0xFFFF  }
0x35: {  	[hbm:s9@s14], [sflag:s17] =	dma.strided [spmem:s18@s19], $0x2400, s13, $0x10   }
0x36: {  	_ =	swait.ge [sflag:s13], $0x2400  }
0x37: {  	s22 =	smov.u32 s9;
	s21 =	simm.s32 $0x12000;
	[sflag:s13] =	ssyncset.done $0x0  }
.LBB2_4:
0x38: {  	p0 =	sne.s32 s21, $0x5A000;
	[sflag:s13] =	ssyncadd.s32 $0xFFFFDC00;
	s22 =	sadd.s32 $0x48000, s22  }
0x39: {  	[spmem:s4] =	stream.linear.scatter [tilespmem:s12], [sflag:$0x1], $0x4800, $0x38;
	[tilespmem:$0x1F800] =	vst v63  }
0x3a: {  	s23 =	smov.u32 s21;
	s21 =	sadd.s32 $0x12000, s21;
	_ =	swait.ge [sflag:s13], $0x4800  }
0x3b: {  	[sflag:s13] =	ssyncset.done $0x0  }
0x3c: {  	[sflag:s13] =	ssyncadd.s32 $0xFFFFB800  }
0x3d: {  	[spmem:s6] =	stream.linear.scatter [tilespmem:s12], [sflag:$0x1], $0x4800, $0x38;
	[tilespmem:$0x1F800] =	vst v63  }
0x3e: {  	_ =	swait.ge [sflag:s13], $0x4800  }
0x3f: {  	[sflag:s13] =	ssyncset.done $0x0  }
0x40: {  	[sflag:s13] =	ssyncadd.s32 $0xFFFFB800  }
0x41: {  	[spmem:s7] =	stream.linear.scatter [tilespmem:s12], [sflag:$0x1], $0x4800, $0x38;
	[tilespmem:$0x1F800] =	vst v63  }
0x42: {  	_ =	swait.ge [sflag:s13], $0x4800  }
0x43: {  	[sflag:s13] =	ssyncset.done $0x0  }
0x44: {  	[sflag:s13] =	ssyncadd.s32 $0xFFFFB800  }
0x45: {  	[spmem:s8] =	stream.linear.scatter [tilespmem:s12], [sflag:$0x1], $0x4800, $0x38;
	[tilespmem:$0x1F800] =	vst v63  }
0x46: {  	_ =	swait.ge [sflag:s13], $0x4800  }
0x47: {  	[sflag:s13] =	ssyncset.done $0x0  }
0x48: {  	[sflag:s13] =	ssyncadd.s32 $0xFFFFB800  }
0x49: {  	s24 =	sadd.s32 s23, s11;
	[bflag:$0x0] =	sbarrier.arrive $0xFFFF  }
0x4a: {  	[tilespmem:s3], [sflag:$0x1] =	stream.strided.gather [hbm4b:s24+s14], $0x4800, s15, s14, $0x38;
	[tilespmem:$0x1F800] =	vst v63  }
0x4b: {  	_ =	swait.ge [sflag:s13], $0x4800  }
0x4c: {  	[sflag:s13] =	ssyncset.done $0x0  }
0x4d: {  	s23 =	sadd.s32 s23, s10;
	[sflag:s13] =	ssyncadd.s32 $0xFFFFB800  }
0x4e: {  	[tilespmem:s16], [sflag:$0x1] =	stream.strided.gather [hbm4b:s23+s14], $0x4800, s15, s14, $0x38;
	[tilespmem:$0x1F800] =	vst v63  }
0x4f: {  	_ =	swait.ge [sflag:s13], $0x4800  }
0x50: {  	[sflag:s13] =	ssyncset.done $0x0  }
0x51: {  	[sflag:s13] =	ssyncadd.s32 $0xFFFFB800  }
0x52: {  	[spmem:s2] =	stream.indirect.scatter.add.f32 [tilespmem:s16], [sflag:$0x1], $0x1, s3, s16, $0xb8;
	[tilespmem:$0x1F800] =	vst v63  }
0x53: {  	_ =	swait.ge [sflag:s13], $0x4800  }
0x54: {  	[sflag:s13] =	ssyncset.done $0x0  }
.Ltmp1:
0x55: {  	[sflag:s13] =	ssyncadd.s32 $0xFFFFB800;
	(pc) =	sbr.rel @p0 .LBB2_4-.Ltmp1, $4  }
0x56: {  	[bflag:$0x0] =	sbarrier.arrive $0xFFFF  }
0x57: {  	[hbm:s22@s14], [sflag:s17] =	dma.strided [spmem:s18@s19], $0x2400, s13, $0x10   }
0x58: {  	_ =	swait.ge [sflag:s13], $0x2400  }
0x59: {  	[sflag:s13] =	ssyncset.done $0x0  }
0x5a: {  	s20 =	sadd.s32 $0x1, s20  }
0x5b: {  	p0 =	sne.s32 s20, s5  }
.Ltmp2:
0x5c: {  	_ = 	snop;
	(pc) =	sbr.rel @p0 .LBB2_1-.Ltmp2, $2  }
0x5d: {  	_ =	sdelay $0x2  }
0x5e: {  	[sflag:s13] =	ssyncadd.s32 $0xFFFFDC00  }
0x5f: {  	_ =	sfence.sel $0x180000  }
0x60: {  	[bflag:$0x0] =	sbarrier.arrive $0xFFFF  }
0x61: {  	p0 =	sne.s32 s0, $0x0;
	_ =	strace $0x90000047  }
0x62: {  	s0 =	sadd.s32 @!p0 $0x100000, s1;
	[bflag:$0x2] =	sbarrier.arrive $0xFFFF  }
0x63: {  	[sflag:s0] =	ssyncadd.tile.s32 @!p0 $0x1;
	_ =	shalt  }
.Lfunc_end2:
_tile_overlayer_lowered:
.L_overlay_start_2:
0x64: {  	(tag) =	ssettag $0x2  }
0x65: {  	s0 =	rddreg [dreg:$0x0];
	s2 =	stileid.u32  }
0x66: {  	s1 =	rddreg [dreg:$0x1];
	p0 =	sne.s32 s2, $0x0  }
0x67: {  	s3 =	rddreg [dreg:$0x2];
	[bflag:$0x3] =	sbarrier.arrive $0xFFFF;
	s2 =	simm.s32 @!p0 $0x1C01  }
0x68: {  	[timem:s3], [sflag:s2] =	dma.local @!p0 [hbm:s0], s1  }
0x69: {  	s0 =	simm.s32 @!p0 $0x1  }
0x6a: {  	_ =	swait.ge @!p0 [sflag:s0], s1  }
0x6b: {  	s1 =	ssub.s32 @!p0 $0x0, s1;
	[sflag:s0] =	ssyncset.done @!p0 $0x0  }
0x6c: {  	[sflag:s0] =	ssyncadd.s32 @!p0 s1  }
0x6d: {  	[bflag:$0x3] =	sbarrier.arrive $0xFFFF  }
0x6e: {  	_ =	shalt  }

// kernel: kernel.17.cloned.1.call-start
scs
__scs_entry_jumppad:
0x0: {  	(pc) =	sbr.rel $0x88, $3  }
0x1: {  	(tag) =	ssettag $0x0;
	lr =	simm.s32 $0x1  }
0x2: {  	[smem:$0x3F9F] =	sst lr;
	_ =	strace $0xD0000000  }
0x3: {  	_ = 	snop  }
0x4: {  	_ = 	snop  }
0x5: {  	_ = 	snop  }
0x6: {  	_ = 	snop  }
0x7: {  	_ = 	snop  }
__scs_overlays_trampoline_lowered:
0x8: {  	[smem:$0x3FAE] =	sst s0  }
0x9: {  	[smem:$0x3FAF] =	sst s1  }
0xa: {  	[smem:$0x3FB0] =	sst s2  }
0xb: {  	[smem:$0x3FB1] =	sst s3  }
0xc: {  	[smem:$0x3FB2] =	sst s4  }
0xd: {  	[smem:$0x3FB3] =	sst s5  }
0xe: {  	[smem:$0x3FB4] =	sst s6  }
0xf: {  	[smem:$0x3FB5] =	sst s7  }
0x10: {  	[smem:$0x3FB6] =	sst s8  }
0x11: {  	[smem:$0x3FB7] =	sst s9;
	s0 =	simm.s32 @!p0 $0x0  }
0x12: {  	s1 =	sld [smem:$0x3F9D];
	s0 =	simm.s32 @p0 $0x1  }
0x13: {  	[smem:$0x3FB8] =	sst s0;
	s0 =	simm.s32 @!p1 $0x0  }
0x14: {  	s2 =	sld [smem:$0x3F9C];
	s0 =	simm.s32 @p1 $0x1  }
0x15: {  	[smem:$0x3FB9] =	sst s0;
	s0 =	simm.s32 @!p2 $0x0  }
0x16: {  	s3 =	sld [smem:$0x3FDB];
	s0 =	simm.s32 @p2 $0x1  }
0x17: {  	s4 =	simm.s32 $0x1BF5;
	[smem:$0x3FBB] =	sst s0  }
0x18: {  	s0 =	sld [smem:$0x3F9E];
	_ =	swait.ge [sflag:s4], $0x0  }
0x19: {  	s7 =	sld [smem:$0x3F9F]  }
0x1a: {  	s8 =	sadd.s32 $0xFFFFE003, lr  }
0x1b: {  	s9 =	sadd.s32 $0xFFFFFEF7, lr;
	s5 =	simm.s32 $0xFFFFFFFF;
	p2 =	slt.u32 s8, $0xFFFFF086  }
0x1c: {  	p1 =	slt.u32 s9, $0xF7A;
	s5 =	simm.s32 @!p2 $0x0  }
0x1d: {  	s5 =	simm.s32 @p1 $0x1;
	p0 =	seq.s32 s7, s2  }
0x1e: {  	s7 =	smul.u32 @!p0 $0xF7A, s2;
	p2 =	seq.s32 @!p0 s5, $0x0  }
0x1f: {  	s9 =	smul.u32 $0xF7A, s1;
	s8 =	simm.s32 @!p0 $0x1BF5;
	p2 =	por !p2, p0  }
0x20: {  	[sflag:s8] =	ssyncset.s32 @!p0 $0xFFFFF086;
	s6 =	sadd.s32 @!p0 s3, s7;
	s7 =	simm.s32 @!p0 $0x108  }
0x21: {  	s3 =	sadd.s32 s3, s9;
	s6 =	sadd.s32 @!p0 $0x88, s6;
	s7 =	simm.s32 @p2 $0x1082  }
0x22: {  	[simem:s7], [sflag:s8] =	dma.local @!p0 [hbm:s6], $0xF7A  }
0x23: {  	s9 =	sor.u32 $0xD0000000, s2;
	s6 =	simm.s32 $0x108;
	_ =	swait.ge @!p0 [sflag:s8], $0x0  }
0x24: {  	s3 =	sadd.s32 $0x88, s3;
	s6 =	simm.s32 @!p1 $0x1082;
	[sflag:s4] =	ssyncset.s32 $0xFFFFF086  }
0x25: {  	[simem:s6], [sflag:s4] =	dma.local [hbm:s3], $0xF7A  }
0x26: {  	[smem:$0x3F9F] =	sst s1;
	(tag) =	ssettag s2;
	_ =	strace s9  }
0x27: {  	s1 =	sld [smem:$0x3FAF]  }
0x28: {  	s2 =	sld [smem:$0x3FB0]  }
0x29: {  	s4 =	sld [smem:$0x3FB2]  }
0x2a: {  	p0 =	seq.s32 s5, $0x0;
	s5 =	sld [smem:$0x3FB3]  }
0x2b: {  	s6 =	sld [smem:$0x3FB4]  }
0x2c: {  	s7 =	sld [smem:$0x3FB5]  }
0x2d: {  	s3 =	simm.s32 $0x108;
	s8 =	sld [smem:$0x3FB6]  }
0x2e: {  	s3 =	simm.s32 @!p0 $0x1082;
	s9 =	sld [smem:$0x3FB7]  }
0x2f: {  	lr =	sadd.s32 s0, s3;
	s0 =	sld [smem:$0x3FAE]  }
0x30: {  	s3 =	sld [smem:$0x3FB1]  }
0x31: {  	[smem:$0x3FBA] =	sst s10  }
0x32: {  	s10 =	sld [smem:$0x3FB8];
	_ =	sdelay $0x3  }
0x33: {  	p0 =	seq.s32 s10, $0x1;
	s10 =	sld [smem:$0x3FBA];
	_ =	sdelay $0x3  }
0x34: {  	[smem:$0x3FBA] =	sst s10  }
0x35: {  	s10 =	sld [smem:$0x3FB9];
	_ =	sdelay $0x3  }
0x36: {  	p1 =	seq.s32 s10, $0x1;
	s10 =	sld [smem:$0x3FBA];
	_ =	sdelay $0x3  }
0x37: {  	[smem:$0x3FBA] =	sst s10  }
0x38: {  	s10 =	sld [smem:$0x3FBB]  }
0x39: {  	_ = 	snop;
	(pc) =	sbr.ind lr, $3  }
0x3a: {  	_ = 	snop  }
0x3b: {  	_ = 	snop  }
0x3c: {  	p2 =	seq.s32 s10, $0x1;
	s10 =	sld [smem:$0x3FBA]  }
0x3d: {  	_ =	shalt  }
0x3e: {  	_ =	shalt  }
0x3f: {  	_ =	shalt  }
0x40: {  	_ =	shalt  }
0x41: {  	_ =	shalt  }
0x42: {  	_ =	shalt  }
0x43: {  	_ =	shalt  }
0x44: {  	_ =	shalt  }
0x45: {  	_ =	shalt  }
0x46: {  	_ =	shalt  }
0x47: {  	_ =	shalt  }
0x48: {  	_ =	shalt  }
0x49: {  	_ =	shalt  }
0x4a: {  	_ =	shalt  }
0x4b: {  	_ =	shalt  }
0x4c: {  	_ =	shalt  }
0x4d: {  	_ =	shalt  }
0x4e: {  	_ =	shalt  }
0x4f: {  	_ =	shalt  }
0x50: {  	_ =	shalt  }
0x51: {  	_ =	shalt  }
0x52: {  	_ =	shalt  }
0x53: {  	_ =	shalt  }
0x54: {  	_ =	shalt  }
0x55: {  	_ =	shalt  }
0x56: {  	_ =	shalt  }
0x57: {  	_ =	shalt  }
0x58: {  	_ =	shalt  }
0x59: {  	_ =	shalt  }
0x5a: {  	_ =	shalt  }
0x5b: {  	_ =	shalt  }
0x5c: {  	_ =	shalt  }
0x5d: {  	_ =	shalt  }
0x5e: {  	_ =	shalt  }
0x5f: {  	_ =	shalt  }
0x60: {  	_ =	shalt  }
0x61: {  	_ =	shalt  }
0x62: {  	_ =	shalt  }
0x63: {  	_ =	shalt  }
0x64: {  	_ =	shalt  }
0x65: {  	_ =	shalt  }
0x66: {  	_ =	shalt  }
0x67: {  	_ =	shalt  }
0x68: {  	_ =	shalt  }
0x69: {  	_ =	shalt  }
0x6a: {  	_ =	shalt  }
0x6b: {  	_ =	shalt  }
0x6c: {  	_ =	shalt  }
0x6d: {  	_ =	shalt  }
0x6e: {  	_ =	shalt  }
0x6f: {  	_ =	shalt  }
0x70: {  	_ =	shalt  }
0x71: {  	_ =	shalt  }
0x72: {  	_ =	shalt  }
0x73: {  	_ =	shalt  }
0x74: {  	_ =	shalt  }
0x75: {  	_ =	shalt  }
0x76: {  	_ =	shalt  }
0x77: {  	_ =	shalt  }
0x78: {  	_ =	shalt  }
0x79: {  	_ =	shalt  }
0x7a: {  	_ =	shalt  }
0x7b: {  	_ =	shalt  }
0x7c: {  	_ =	shalt  }
0x7d: {  	_ =	shalt  }
0x7e: {  	_ =	shalt  }
0x7f: {  	_ =	shalt  }
0x80: {  	_ =	shalt  }
0x81: {  	_ =	shalt  }
0x82: {  	_ =	shalt  }
0x83: {  	_ =	shalt  }
0x84: {  	_ =	shalt  }
0x85: {  	_ =	shalt  }
0x86: {  	_ =	shalt  }
0x87: {  	_ =	shalt  }
.Lfunc_end0:
.L_simem_size_0:
called_computation.5_lowered:
.L_overlay_start_0:
0x88: {  	s2 =	sld [smem:$0x3FD9]  }
0x89: {  	s3 =	sld [smem:$0x3FFE];
	_ =	sdelay $0x1  }
0x8a: {  	s1 =	srdreg.scid  }
0x8b: {  	s0 =	sand.u32 $0x1, s1  }
0x8c: {  	s17 =	sshll.u32 s0, $0xA;
	s2 =	sadd.s32 s3, s2  }
0x8d: {  	s2 =	sadd.s32 s2, s17  }
0x8e: {  	[smem:$0x3FC6] =	sst s2  }
0x8f: {  	_ = 	snop  }
0x90: {  	(tm) =	ssettm $0x1  }
0x91: {  	s18 =	sld [smem:$0x3FFB];
	_ =	sdelay $0x3  }
0x92: {  	_ =	strace s18  }
0x93: {  	s2 =	sld [smem:$0x3FFC];
	_ =	sdelay $0x3  }
0x94: {  	_ =	strace s2  }
0x95: {  	s2 =	sld [smem:$0x3FFD];
	_ =	sdelay $0x3  }
0x96: {  	_ =	strace s2  }
0x97: {  	_ =	strace $0x8FFFFFFF  }
0x98: {  	s19 =	sld [smem:$0x3FDB];
	_ =	sdelay $0x1  }
0x99: {  	s20 =	simm.s32 $_scs_section_size  }
0x9a: {  	s4 =	simm.s32 $_size__tile_overlayer_lowered;
	s5 =	simm.s32 $_tile_overlayer_lowered  }
0x9b: {  	s6 =	simm.s32 $0x1BFF;
	s21 =	sshll.u32 s5, $0x1;
	s3 =	sadd.s32 s20, s19  }
0x9c: {  	s22 =	simm.s32 $0x0;
	s4 =	sshll.u32 s4, $0x1;
	s5 =	sadd.s32 s21, s3  }
0x9d: {  	[timem:s22], [sflag:s6] =	dma.local [hbm:s5], s4  }
0x9e: {  	_ =	swait.ge [sflag:s6], s4  }
0x9f: {  	s4 =	ssub.s32 $0x0, s4;
	[sflag:s6] =	ssyncset.done $0x0  }
0xa0: {  	[sflag:s6] =	ssyncadd.s32 s4;
	_ =	sdelay $0x1  }
0xa1: {  	s23 =	simm.s32 $0x1B8B  }
0xa2: {  	_ =	swait.ge [sflag:s23], $0x1  }
0xa3: {  	[sflag:s23] =	ssyncset.done $0x0  }
0xa4: {  	[sflag:s23] =	ssyncadd.s32 $0xFFFFFFFF  }
0xa5: {  	s4 =	sld [smem:$0x0]  }
0xa6: {  	s5 =	sand.u32 $0xFFFFFFFE, s1  }
0xa7: {  	p0 =	sne.s32 s1, s5  }
0xa8: {  	s5 =	sshll.u32 @p0 s5, $0xE  }
0xa9: {  	s5 =	sadd.s32 @p0 $0x11B8D, s5;
	s6 =	sshll.u32 @p0 s4, $0x11  }
0xaa: {  	s5 =	sor.u32 @p0 s6, s5  }
0xab: {  	[sflag:s5] =	ssyncadd.remote.s32 @p0 $0x1;
	_ =	sdelay $0x1  }
0xac: {  	s5 =	simm.s32 @p0 $0x1B8D  }
0xad: {  	_ =	swait.eq @p0 [sflag:s5], $0x1  }
0xae: {  	[sflag:s5] =	ssyncadd.s32 @p0 $0xFFFFFFFF  }
0xaf: {  	s6 =	sshll.u32 @!p0 s1, $0xE  }
0xb0: {  	s6 =	sor.u32 @!p0 $0x4000, s6;
	s5 =	simm.s32 @!p0 $0x1B8D  }
0xb1: {  	s4 =	sshll.u32 @!p0 s4, $0x11;
	s6 =	sadd.s32 @!p0 $0x11B8D, s6;
	_ =	swait.eq @!p0 [sflag:s5], $0x1  }
0xb2: {  	s4 =	sor.u32 @!p0 s4, s6;
	[sflag:s5] =	ssyncadd.s32 @!p0 $0xFFFFFFFF  }
0xb3: {  	s25 =	simm.s32 $0x1B8E;
	s24 =	sld [smem:$0x3FFE];
	[sflag:s4] =	ssyncadd.remote.s32 @!p0 $0x1  }
0xb4: {  	s26 =	simm.s32 $execute0_lowered;
	[smem:$0x3FD2] =	sst s25  }
0xb5: {  	s5 =	sshll.u32 s26, $0x1;
	_ =	strace $0x80000049;
	[dreg:$0x1] =	wrdreg $0xFFFFFFFF  }
0xb6: {  	s28 =	simm.s32 $_size_execute0_lowered;
	s3 =	sadd.s32 s3, s5;
	[dreg:$0x0] =	wrdreg $0x0  }
0xb7: {  	s5 =	sshll.u32 s28, $0x1;
	[dreg:$0x2] =	wrdreg s3  }
0xb8: {  	[dreg:$0x3] =	wrdreg s5  }
0xb9: {  	[dreg:$0x4] =	wrdreg $0xC0  }
0xba: {  	_ =	task [dreg:s22], $0x5FFFF  }
0xbb: {  	[dreg:$0x1] =	wrdreg $0xFFFFFFFF  }
0xbc: {  	[dreg:$0x0] =	wrdreg $0x60  }
0xbd: {  	[dreg:$0x2] =	wrdreg s24  }
0xbe: {  	[dreg:$0x3] =	wrdreg $0xD8000  }
0xbf: {  	[dreg:$0x4] =	wrdreg $0xB  }
0xc0: {  	_ =	task.clear_ibuf [dreg:s22], $0x5FFFF;
	_ =	strace $0x90000049  }
0xc1: {  	s29 =	simm.s32 $0xB;
	_ =	strace $0x8000004B  }
0xc2: {  	_ =	swait.ge [sflag:s29], $0x1  }
0xc3: {  	[sflag:s29] =	ssyncadd.s32 $0xFFFFFFFF  }
0xc4: {  	_ =	strace $0x9000004B  }
0xc5: {  	_ =	sfence  }
0xc6: {  	s30 =	sld [smem:$0x0];
	_ =	sdelay $0x2  }
0xc7: {  	s31 =	sshll.u32 s1, $0xD;
	s1 =	sshrl.u32 s1, $0x2  }
0xc8: {  	s4 =	sand.u32 $0x4000, s31;
	s1 =	sadd.s32 s1, s30  }
0xc9: {  	s0 =	sor.u32 s4, s0;
	s1 =	sshll.u32 s1, $0x11  }
0xca: {  	s0 =	sor.u32 s1, s0  }
0xcb: {  	s0 =	sadd.s32 $0x8F2B, s0  }
0xcc: {  	[sflag:s0] =	ssyncadd.remote.s32 $0x1  }
0xcd: {  	_ =	sfence.sel $0xFFFF  }
0xce: {  	[dreg:$0x0] =	wrdreg $0xFFFFFFFF;
	(pc) =	sbr.abs _section_cstart, $3  }
0xcf: {  	[dreg:$0x1] =	wrdreg $0xFFFFFFFF  }
0xd0: {  	_ =	task.clear_ibuf [dreg:s22], $0x2FFFF;
	_ =	strace $0x9FFFFFFF  }
0xd1: {  	(tm) =	ssettm $0x7FFFFFFF  }
tec
execute0_lowered:
.L_overlay_start_1:
0x0: {  	(tag) =	ssettag $0x1  }
0x1: {  	s0 =	stileid.u32;
	s5 =	rddreg [dreg:$0x0]  }
0x2: {  	s1 =	srdreg.scid;
	s2 =	rddreg [dreg:$0x1]  }
0x3: {  	s3 =	simm.s32 $0x0;
	s12 =	simm.s32 $0x9000;
	s13 =	simm.s32 $0x1  }
0x4: {  	s14 =	simm.s32 $0x80;
	s4 =	sand.u32 $0x1, s0;
	s28 =	smul.u32 $0x48000, s0  }
0x5: {  	s15 =	simm.s32 $0x400;
	s6 =	sand.u32 $0x1, s1;
	s7 =	smul.u32 $0x24000, s4  }
0x6: {  	s16 =	simm.s32 $0x4800;
	s19 =	simm.s32 $0x10;
	s8 =	smul.u32 $0x48000, s6  }
0x7: {  	s20 =	simm.s32 $0x0;
	s1 =	rddreg [dreg:$0x2];
	s4 =	smul.u32 $0x90000, s4  }
0x8: {  	s17 =	sshll.u32 s0, $0x6;
	[smem:$0x7FF] =	sst s3;
	s26 =	smul.u32 $0x120000, s6  }
0x9: {  	s9 =	sand.u32 $0x380, s17;
	_ =	strace $0x8000004A;
	s6 =	ssub.s32 $0x2, s6  }
0xa: {  	s17 =	sor.u32 $0x1C01, s17;
	s29 =	sshrl.u32 s6, $0x1;
	s4 =	sadd.s32 s4, s26  }
0xb: {  	s30 =	sshrl.u32 s28, $0x2;
	s7 =	sadd.s32 s7, s8;
	s4 =	sor.u32 s9, s4  }
0xc: {  	s6 =	ssub.s32 s6, s29;
	s7 =	sor.u32 s9, s7;
	s4 =	sshrl.u32 s4, $0x3  }
0xd: {  	s7 =	sshrl.u32 s7, $0x3;
	s31 =	sadd.s32 s4, s5;
	s4 =	sadd.s32 s30, s2  }
0xe: {  	s11 =	sadd.s32 s7, s5;
	s5 =	smax.u32 s6, $0x1;
	s6 =	sadd.s32 $0x4800, s4  }
0xf: {  	s7 =	sadd.s32 $0x9000, s4;
	s8 =	sadd.s32 $0xD800, s4;
	s9 =	sadd.s32 $0x363000, s31  }
0x10: {  	v0 =	vimm.f32 $0.0e+00;
	s10 =	sadd.s32 $0x28B000, s11;
	s11 =	sadd.s32 $0x2F7000, s11;
	s18 =	sshrl.u32 s4, $0x3  }
.LBB2_1:
0x11: {  	s21 =	simm.s32 $0x0  }
.LBB2_2:
0x12: {  	p0 =	sne.s32 s21, $0x11FC0  }
.Ltmp0:
0x13: {  	_ = 	snop;
	(pc) =	sbr.rel @p0 .LBB2_2-.Ltmp0, $3  }
0x14: {  	_ =	sdelay $0x1  }
0x15: {  	s22 =	sshra.s32 s21, $0x2  }
0x16: {  	s21 =	sadd.s32 $0x40, s21;
	[tilespmem:s22+$0x9000] =	vst v0  }
0x17: {  	[spmem:s4] =	stream.linear.scatter [tilespmem:s12], [sflag:$0x1], $0x4800, $0x38;
	[tilespmem:$0x1F800] =	vst v63  }
0x18: {  	_ =	swait.ge [sflag:s13], $0x4800  }
0x19: {  	[sflag:s13] =	ssyncset.done $0x0  }
0x1a: {  	[sflag:s13] =	ssyncadd.s32 $0xFFFFB800  }
0x1b: {  	[spmem:s6] =	stream.linear.scatter [tilespmem:s12], [sflag:$0x1], $0x4800, $0x38;
	[tilespmem:$0x1F800] =	vst v63  }
0x1c: {  	_ =	swait.ge [sflag:s13], $0x4800  }
0x1d: {  	[sflag:s13] =	ssyncset.done $0x0  }
0x1e: {  	[sflag:s13] =	ssyncadd.s32 $0xFFFFB800  }
0x1f: {  	[spmem:s7] =	stream.linear.scatter [tilespmem:s12], [sflag:$0x1], $0x4800, $0x38;
	[tilespmem:$0x1F800] =	vst v63  }
0x20: {  	_ =	swait.ge [sflag:s13], $0x4800  }
0x21: {  	[sflag:s13] =	ssyncset.done $0x0  }
0x22: {  	[sflag:s13] =	ssyncadd.s32 $0xFFFFB800  }
0x23: {  	[spmem:s8] =	stream.linear.scatter [tilespmem:s12], [sflag:$0x1], $0x4800, $0x38;
	[tilespmem:$0x1F800] =	vst v63  }
0x24: {  	_ =	swait.ge [sflag:s13], $0x4800  }
0x25: {  	[sflag:s13] =	ssyncset.done $0x0  }
0x26: {  	[sflag:s13] =	ssyncadd.s32 $0xFFFFB800  }
0x27: {  	s21 =	sadd.s32 $0x0, s11;
	[bflag:$0x0] =	sbarrier.arrive $0xFFFF  }
0x28: {  	[tilespmem:s3], [sflag:$0x1] =	stream.strided.gather [hbm4b:s21+s14], $0x4800, s15, s14, $0x38;
	[tilespmem:$0x1F800] =	vst v63  }
0x29: {  	_ =	swait.ge [sflag:s13], $0x4800  }
0x2a: {  	[sflag:s13] =	ssyncset.done $0x0  }
0x2b: {  	s31 =	sadd.s32 $0x0, s10;
	[sflag:s13] =	ssyncadd.s32 $0xFFFFB800  }
0x2c: {  	[tilespmem:s16], [sflag:$0x1] =	stream.strided.gather [hbm4b:s31+s14], $0x4800, s15, s14, $0x38;
	[tilespmem:$0x1F800] =	vst v63  }
0x2d: {  	_ =	swait.ge [sflag:s13], $0x4800  }
0x2e: {  	[sflag:s13] =	ssyncset.done $0x0  }
0x2f: {  	[sflag:s13] =	ssyncadd.s32 $0xFFFFB800  }
0x30: {  	[spmem:s2] =	stream.indirect.scatter.add.f32 [tilespmem:s16], [sflag:$0x1], $0x1, s3, s16, $0xb8;
	[tilespmem:$0x1F800] =	vst v63  }
0x31: {  	_ =	swait.ge [sflag:s13], $0x4800  }
0x32: {  	[sflag:s13] =	ssyncset.done $0x0  }
0x33: {  	[sflag:s13] =	ssyncadd.s32 $0xFFFFB800  }
0x34: {  	[bflag:$0x0] =	sbarrier.arrive $0xFFFF  }
0x35: {  	[hbm:s9@s14], [sflag:s17] =	dma.strided [spmem:s18@s19], $0x2400, s13, $0x10   }
0x36: {  	_ =	swait.ge [sflag:s13], $0x2400  }
0x37: {  	s22 =	smov.u32 s9;
	s21 =	simm.s32 $0x12000;
	[sflag:s13] =	ssyncset.done $0x0  }
.LBB2_4:
0x38: {  	p0 =	sne.s32 s21, $0x5A000;
	[sflag:s13] =	ssyncadd.s32 $0xFFFFDC00;
	s22 =	sadd.s32 $0x48000, s22  }
0x39: {  	[spmem:s4] =	stream.linear.scatter [tilespmem:s12], [sflag:$0x1], $0x4800, $0x38;
	[tilespmem:$0x1F800] =	vst v63  }
0x3a: {  	s23 =	smov.u32 s21;
	s21 =	sadd.s32 $0x12000, s21;
	_ =	swait.ge [sflag:s13], $0x4800  }
0x3b: {  	[sflag:s13] =	ssyncset.done $0x0  }
0x3c: {  	[sflag:s13] =	ssyncadd.s32 $0xFFFFB800  }
0x3d: {  	[spmem:s6] =	stream.linear.scatter [tilespmem:s12], [sflag:$0x1], $0x4800, $0x38;
	[tilespmem:$0x1F800] =	vst v63  }
0x3e: {  	_ =	swait.ge [sflag:s13], $0x4800  }
0x3f: {  	[sflag:s13] =	ssyncset.done $0x0  }
0x40: {  	[sflag:s13] =	ssyncadd.s32 $0xFFFFB800  }
0x41: {  	[spmem:s7] =	stream.linear.scatter [tilespmem:s12], [sflag:$0x1], $0x4800, $0x38;
	[tilespmem:$0x1F800] =	vst v63  }
0x42: {  	_ =	swait.ge [sflag:s13], $0x4800  }
0x43: {  	[sflag:s13] =	ssyncset.done $0x0  }
0x44: {  	[sflag:s13] =	ssyncadd.s32 $0xFFFFB800  }
0x45: {  	[spmem:s8] =	stream.linear.scatter [tilespmem:s12], [sflag:$0x1], $0x4800, $0x38;
	[tilespmem:$0x1F800] =	vst v63  }
0x46: {  	_ =	swait.ge [sflag:s13], $0x4800  }
0x47: {  	[sflag:s13] =	ssyncset.done $0x0  }
0x48: {  	[sflag:s13] =	ssyncadd.s32 $0xFFFFB800  }
0x49: {  	s24 =	sadd.s32 s23, s11;
	[bflag:$0x0] =	sbarrier.arrive $0xFFFF  }
0x4a: {  	[tilespmem:s3], [sflag:$0x1] =	stream.strided.gather [hbm4b:s24+s14], $0x4800, s15, s14, $0x38;
	[tilespmem:$0x1F800] =	vst v63  }
0x4b: {  	_ =	swait.ge [sflag:s13], $0x4800  }
0x4c: {  	[sflag:s13] =	ssyncset.done $0x0  }
0x4d: {  	s23 =	sadd.s32 s23, s10;
	[sflag:s13] =	ssyncadd.s32 $0xFFFFB800  }
0x4e: {  	[tilespmem:s16], [sflag:$0x1] =	stream.strided.gather [hbm4b:s23+s14], $0x4800, s15, s14, $0x38;
	[tilespmem:$0x1F800] =	vst v63  }
0x4f: {  	_ =	swait.ge [sflag:s13], $0x4800  }
0x50: {  	[sflag:s13] =	ssyncset.done $0x0  }
0x51: {  	[sflag:s13] =	ssyncadd.s32 $0xFFFFB800  }
0x52: {  	[spmem:s2] =	stream.indirect.scatter.add.f32 [tilespmem:s16], [sflag:$0x1], $0x1, s3, s16, $0xb8;
	[tilespmem:$0x1F800] =	vst v63  }
0x53: {  	_ =	swait.ge [sflag:s13], $0x4800  }
0x54: {  	[sflag:s13] =	ssyncset.done $0x0  }
.Ltmp1:
0x55: {  	[sflag:s13] =	ssyncadd.s32 $0xFFFFB800;
	(pc) =	sbr.rel @p0 .LBB2_4-.Ltmp1, $4  }
0x56: {  	[bflag:$0x0] =	sbarrier.arrive $0xFFFF  }
0x57: {  	[hbm:s22@s14], [sflag:s17] =	dma.strided [spmem:s18@s19], $0x2400, s13, $0x10   }
0x58: {  	_ =	swait.ge [sflag:s13], $0x2400  }
0x59: {  	[sflag:s13] =	ssyncset.done $0x0  }
0x5a: {  	s20 =	sadd.s32 $0x1, s20  }
0x5b: {  	p0 =	sne.s32 s20, s5  }
.Ltmp2:
0x5c: {  	_ = 	snop;
	(pc) =	sbr.rel @p0 .LBB2_1-.Ltmp2, $2  }
0x5d: {  	_ =	sdelay $0x2  }
0x5e: {  	[sflag:s13] =	ssyncadd.s32 $0xFFFFDC00  }
0x5f: {  	_ =	sfence.sel $0x180000  }
0x60: {  	[bflag:$0x0] =	sbarrier.arrive $0xFFFF  }
0x61: {  	p0 =	sne.s32 s0, $0x0;
	_ =	strace $0x9000004A  }
0x62: {  	s0 =	sadd.s32 @!p0 $0x100000, s1;
	[bflag:$0x2] =	sbarrier.arrive $0xFFFF  }
0x63: {  	[sflag:s0] =	ssyncadd.tile.s32 @!p0 $0x1;
	_ =	shalt  }
.Lfunc_end2:
_tile_overlayer_lowered:
.L_overlay_start_2:
0x64: {  	(tag) =	ssettag $0x2  }
0x65: {  	s0 =	rddreg [dreg:$0x0];
	s2 =	stileid.u32  }
0x66: {  	s1 =	rddreg [dreg:$0x1];
	p0 =	sne.s32 s2, $0x0  }
0x67: {  	s3 =	rddreg [dreg:$0x2];
	[bflag:$0x3] =	sbarrier.arrive $0xFFFF;
	s2 =	simm.s32 @!p0 $0x1C01  }
0x68: {  	[timem:s3], [sflag:s2] =	dma.local @!p0 [hbm:s0], s1  }
0x69: {  	s0 =	simm.s32 @!p0 $0x1  }
0x6a: {  	_ =	swait.ge @!p0 [sflag:s0], s1  }
0x6b: {  	s1 =	ssub.s32 @!p0 $0x0, s1;
	[sflag:s0] =	ssyncset.done @!p0 $0x0  }
0x6c: {  	[sflag:s0] =	ssyncadd.s32 @!p0 s1  }
0x6d: {  	[bflag:$0x3] =	sbarrier.arrive $0xFFFF  }
0x6e: {  	_ =	shalt  }

// kernel: kernel.20.cloned.1.call-start
scs
__scs_entry_jumppad:
0x0: {  	(pc) =	sbr.rel $0x88, $3  }
0x1: {  	(tag) =	ssettag $0x0;
	lr =	simm.s32 $0x1  }
0x2: {  	[smem:$0x3F9F] =	sst lr;
	_ =	strace $0xD0000000  }
0x3: {  	_ = 	snop  }
0x4: {  	_ = 	snop  }
0x5: {  	_ = 	snop  }
0x6: {  	_ = 	snop  }
0x7: {  	_ = 	snop  }
__scs_overlays_trampoline_lowered:
0x8: {  	[smem:$0x3FAE] =	sst s0  }
0x9: {  	[smem:$0x3FAF] =	sst s1  }
0xa: {  	[smem:$0x3FB0] =	sst s2  }
0xb: {  	[smem:$0x3FB1] =	sst s3  }
0xc: {  	[smem:$0x3FB2] =	sst s4  }
0xd: {  	[smem:$0x3FB3] =	sst s5  }
0xe: {  	[smem:$0x3FB4] =	sst s6  }
0xf: {  	[smem:$0x3FB5] =	sst s7  }
0x10: {  	[smem:$0x3FB6] =	sst s8  }
0x11: {  	[smem:$0x3FB7] =	sst s9;
	s0 =	simm.s32 @!p0 $0x0  }
0x12: {  	s1 =	sld [smem:$0x3F9D];
	s0 =	simm.s32 @p0 $0x1  }
0x13: {  	[smem:$0x3FB8] =	sst s0;
	s0 =	simm.s32 @!p1 $0x0  }
0x14: {  	s2 =	sld [smem:$0x3F9C];
	s0 =	simm.s32 @p1 $0x1  }
0x15: {  	[smem:$0x3FB9] =	sst s0;
	s0 =	simm.s32 @!p2 $0x0  }
0x16: {  	s3 =	sld [smem:$0x3FDB];
	s0 =	simm.s32 @p2 $0x1  }
0x17: {  	s4 =	simm.s32 $0x1BF5;
	[smem:$0x3FBB] =	sst s0  }
0x18: {  	s0 =	sld [smem:$0x3F9E];
	_ =	swait.ge [sflag:s4], $0x0  }
0x19: {  	s7 =	sld [smem:$0x3F9F]  }
0x1a: {  	s8 =	sadd.s32 $0xFFFFE003, lr  }
0x1b: {  	s9 =	sadd.s32 $0xFFFFFEF7, lr;
	s5 =	simm.s32 $0xFFFFFFFF;
	p2 =	slt.u32 s8, $0xFFFFF086  }
0x1c: {  	p1 =	slt.u32 s9, $0xF7A;
	s5 =	simm.s32 @!p2 $0x0  }
0x1d: {  	s5 =	simm.s32 @p1 $0x1;
	p0 =	seq.s32 s7, s2  }
0x1e: {  	s7 =	smul.u32 @!p0 $0xF7A, s2;
	p2 =	seq.s32 @!p0 s5, $0x0  }
0x1f: {  	s9 =	smul.u32 $0xF7A, s1;
	s8 =	simm.s32 @!p0 $0x1BF5;
	p2 =	por !p2, p0  }
0x20: {  	[sflag:s8] =	ssyncset.s32 @!p0 $0xFFFFF086;
	s6 =	sadd.s32 @!p0 s3, s7;
	s7 =	simm.s32 @!p0 $0x108  }
0x21: {  	s3 =	sadd.s32 s3, s9;
	s6 =	sadd.s32 @!p0 $0x88, s6;
	s7 =	simm.s32 @p2 $0x1082  }
0x22: {  	[simem:s7], [sflag:s8] =	dma.local @!p0 [hbm:s6], $0xF7A  }
0x23: {  	s9 =	sor.u32 $0xD0000000, s2;
	s6 =	simm.s32 $0x108;
	_ =	swait.ge @!p0 [sflag:s8], $0x0  }
0x24: {  	s3 =	sadd.s32 $0x88, s3;
	s6 =	simm.s32 @!p1 $0x1082;
	[sflag:s4] =	ssyncset.s32 $0xFFFFF086  }
0x25: {  	[simem:s6], [sflag:s4] =	dma.local [hbm:s3], $0xF7A  }
0x26: {  	[smem:$0x3F9F] =	sst s1;
	(tag) =	ssettag s2;
	_ =	strace s9  }
0x27: {  	s1 =	sld [smem:$0x3FAF]  }
0x28: {  	s2 =	sld [smem:$0x3FB0]  }
0x29: {  	s4 =	sld [smem:$0x3FB2]  }
0x2a: {  	p0 =	seq.s32 s5, $0x0;
	s5 =	sld [smem:$0x3FB3]  }
0x2b: {  	s6 =	sld [smem:$0x3FB4]  }
0x2c: {  	s7 =	sld [smem:$0x3FB5]  }
0x2d: {  	s3 =	simm.s32 $0x108;
	s8 =	sld [smem:$0x3FB6]  }
0x2e: {  	s3 =	simm.s32 @!p0 $0x1082;
	s9 =	sld [smem:$0x3FB7]  }
0x2f: {  	lr =	sadd.s32 s0, s3;
	s0 =	sld [smem:$0x3FAE]  }
0x30: {  	s3 =	sld [smem:$0x3FB1]  }
0x31: {  	[smem:$0x3FBA] =	sst s10  }
0x32: {  	s10 =	sld [smem:$0x3FB8];
	_ =	sdelay $0x3  }
0x33: {  	p0 =	seq.s32 s10, $0x1;
	s10 =	sld [smem:$0x3FBA];
	_ =	sdelay $0x3  }
0x34: {  	[smem:$0x3FBA] =	sst s10  }
0x35: {  	s10 =	sld [smem:$0x3FB9];
	_ =	sdelay $0x3  }
0x36: {  	p1 =	seq.s32 s10, $0x1;
	s10 =	sld [smem:$0x3FBA];
	_ =	sdelay $0x3  }
0x37: {  	[smem:$0x3FBA] =	sst s10  }
0x38: {  	s10 =	sld [smem:$0x3FBB]  }
0x39: {  	_ = 	snop;
	(pc) =	sbr.ind lr, $3  }
0x3a: {  	_ = 	snop  }
0x3b: {  	_ = 	snop  }
0x3c: {  	p2 =	seq.s32 s10, $0x1;
	s10 =	sld [smem:$0x3FBA]  }
0x3d: {  	_ =	shalt  }
0x3e: {  	_ =	shalt  }
0x3f: {  	_ =	shalt  }
0x40: {  	_ =	shalt  }
0x41: {  	_ =	shalt  }
0x42: {  	_ =	shalt  }
0x43: {  	_ =	shalt  }
0x44: {  	_ =	shalt  }
0x45: {  	_ =	shalt  }
0x46: {  	_ =	shalt  }
0x47: {  	_ =	shalt  }
0x48: {  	_ =	shalt  }
0x49: {  	_ =	shalt  }
0x4a: {  	_ =	shalt  }
0x4b: {  	_ =	shalt  }
0x4c: {  	_ =	shalt  }
0x4d: {  	_ =	shalt  }
0x4e: {  	_ =	shalt  }
0x4f: {  	_ =	shalt  }
0x50: {  	_ =	shalt  }
0x51: {  	_ =	shalt  }
0x52: {  	_ =	shalt  }
0x53: {  	_ =	shalt  }
0x54: {  	_ =	shalt  }
0x55: {  	_ =	shalt  }
0x56: {  	_ =	shalt  }
0x57: {  	_ =	shalt  }
0x58: {  	_ =	shalt  }
0x59: {  	_ =	shalt  }
0x5a: {  	_ =	shalt  }
0x5b: {  	_ =	shalt  }
0x5c: {  	_ =	shalt  }
0x5d: {  	_ =	shalt  }
0x5e: {  	_ =	shalt  }
0x5f: {  	_ =	shalt  }
0x60: {  	_ =	shalt  }
0x61: {  	_ =	shalt  }
0x62: {  	_ =	shalt  }
0x63: {  	_ =	shalt  }
0x64: {  	_ =	shalt  }
0x65: {  	_ =	shalt  }
0x66: {  	_ =	shalt  }
0x67: {  	_ =	shalt  }
0x68: {  	_ =	shalt  }
0x69: {  	_ =	shalt  }
0x6a: {  	_ =	shalt  }
0x6b: {  	_ =	shalt  }
0x6c: {  	_ =	shalt  }
0x6d: {  	_ =	shalt  }
0x6e: {  	_ =	shalt  }
0x6f: {  	_ =	shalt  }
0x70: {  	_ =	shalt  }
0x71: {  	_ =	shalt  }
0x72: {  	_ =	shalt  }
0x73: {  	_ =	shalt  }
0x74: {  	_ =	shalt  }
0x75: {  	_ =	shalt  }
0x76: {  	_ =	shalt  }
0x77: {  	_ =	shalt  }
0x78: {  	_ =	shalt  }
0x79: {  	_ =	shalt  }
0x7a: {  	_ =	shalt  }
0x7b: {  	_ =	shalt  }
0x7c: {  	_ =	shalt  }
0x7d: {  	_ =	shalt  }
0x7e: {  	_ =	shalt  }
0x7f: {  	_ =	shalt  }
0x80: {  	_ =	shalt  }
0x81: {  	_ =	shalt  }
0x82: {  	_ =	shalt  }
0x83: {  	_ =	shalt  }
0x84: {  	_ =	shalt  }
0x85: {  	_ =	shalt  }
0x86: {  	_ =	shalt  }
0x87: {  	_ =	shalt  }
.Lfunc_end0:
.L_simem_size_0:
called_computation.6_lowered:
.L_overlay_start_0:
0x88: {  	s2 =	sld [smem:$0x3FD9]  }
0x89: {  	s3 =	sld [smem:$0x3FFE];
	_ =	sdelay $0x1  }
0x8a: {  	s1 =	srdreg.scid  }
0x8b: {  	s0 =	sand.u32 $0x1, s1  }
0x8c: {  	s17 =	sshll.u32 s0, $0xA;
	s2 =	sadd.s32 s3, s2  }
0x8d: {  	s2 =	sadd.s32 s2, s17  }
0x8e: {  	[smem:$0x3FC6] =	sst s2  }
0x8f: {  	_ = 	snop  }
0x90: {  	s18 =	sld [smem:$0x3FD0];
	(tm) =	ssettm $0x1  }
0x91: {  	s19 =	sld [smem:$0x3FFB];
	_ =	sdelay $0x3  }
0x92: {  	_ =	strace s19  }
0x93: {  	s2 =	sld [smem:$0x3FFC];
	_ =	sdelay $0x3  }
0x94: {  	_ =	strace s2  }
0x95: {  	s2 =	sld [smem:$0x3FFD];
	_ =	sdelay $0x3  }
0x96: {  	_ =	strace s2  }
0x97: {  	_ =	strace $0x8FFFFFFF  }
0x98: {  	s20 =	sld [smem:$0x3FDB];
	_ =	sdelay $0x1  }
0x99: {  	s4 =	simm.s32 $_scs_section_size  }
0x9a: {  	s5 =	simm.s32 $_size__tile_overlayer_lowered;
	s6 =	simm.s32 $_tile_overlayer_lowered  }
0x9b: {  	s7 =	simm.s32 $0x1BFF;
	s21 =	sshll.u32 s6, $0x1;
	s4 =	sadd.s32 s4, s20  }
0x9c: {  	s22 =	simm.s32 $0x0;
	s5 =	sshll.u32 s5, $0x1;
	s6 =	sadd.s32 s21, s4  }
0x9d: {  	[timem:s22], [sflag:s7] =	dma.local [hbm:s6], s5  }
0x9e: {  	_ =	swait.ge [sflag:s7], s5  }
0x9f: {  	s5 =	ssub.s32 $0x0, s5;
	[sflag:s7] =	ssyncset.done $0x0  }
0xa0: {  	[sflag:s7] =	ssyncadd.s32 s5;
	_ =	sdelay $0x1  }
0xa1: {  	s23 =	simm.s32 $0x1B8B  }
0xa2: {  	_ =	swait.ge [sflag:s23], $0x1  }
0xa3: {  	[sflag:s23] =	ssyncset.done $0x0  }
0xa4: {  	[sflag:s23] =	ssyncadd.s32 $0xFFFFFFFF  }
0xa5: {  	s5 =	sld [smem:$0x0]  }
0xa6: {  	s6 =	sand.u32 $0xFFFFFFFE, s1  }
0xa7: {  	p0 =	sne.s32 s1, s6  }
0xa8: {  	s6 =	sshll.u32 @p0 s6, $0xE  }
0xa9: {  	s6 =	sadd.s32 @p0 $0x11B8D, s6;
	s7 =	sshll.u32 @p0 s5, $0x11  }
0xaa: {  	s6 =	sor.u32 @p0 s7, s6  }
0xab: {  	[sflag:s6] =	ssyncadd.remote.s32 @p0 $0x1;
	_ =	sdelay $0x1  }
0xac: {  	s6 =	simm.s32 @p0 $0x1B8D  }
0xad: {  	_ =	swait.eq @p0 [sflag:s6], $0x1  }
0xae: {  	[sflag:s6] =	ssyncadd.s32 @p0 $0xFFFFFFFF  }
0xaf: {  	s7 =	sshll.u32 @!p0 s1, $0xE  }
0xb0: {  	s7 =	sor.u32 @!p0 $0x4000, s7;
	s6 =	simm.s32 @!p0 $0x1B8D  }
0xb1: {  	s5 =	sshll.u32 @!p0 s5, $0x11;
	s7 =	sadd.s32 @!p0 $0x11B8D, s7;
	_ =	swait.eq @!p0 [sflag:s6], $0x1  }
0xb2: {  	s5 =	sor.u32 @!p0 s5, s7;
	[sflag:s6] =	ssyncadd.s32 @!p0 $0xFFFFFFFF  }
0xb3: {  	s25 =	simm.s32 $0x1B8E;
	s24 =	sld [smem:$0x3FFE];
	[sflag:s5] =	ssyncadd.remote.s32 @!p0 $0x1  }
0xb4: {  	s26 =	simm.s32 $execute0_lowered;
	[smem:$0x3FD2] =	sst s25  }
0xb5: {  	s6 =	sshll.u32 s26, $0x1;
	_ =	strace $0x8000004C;
	[dreg:$0x1] =	wrdreg $0xFFFFFFFF  }
0xb6: {  	s28 =	simm.s32 $_size_execute0_lowered;
	s4 =	sadd.s32 s4, s6;
	[dreg:$0x0] =	wrdreg $0x0  }
0xb7: {  	s6 =	sshll.u32 s28, $0x1;
	[dreg:$0x2] =	wrdreg s4  }
0xb8: {  	[dreg:$0x3] =	wrdreg s6  }
0xb9: {  	[dreg:$0x4] =	wrdreg $0xC0  }
0xba: {  	_ =	task [dreg:s22], $0x5FFFF  }
0xbb: {  	[dreg:$0x1] =	wrdreg $0xFFFFFFFF  }
0xbc: {  	[dreg:$0x0] =	wrdreg $0x60  }
0xbd: {  	[dreg:$0x2] =	wrdreg s24  }
0xbe: {  	[dreg:$0x3] =	wrdreg s18  }
0xbf: {  	[dreg:$0x4] =	wrdreg $0xD8000  }
0xc0: {  	[dreg:$0x5] =	wrdreg $0xC  }
0xc1: {  	_ =	task.clear_ibuf [dreg:s22], $0x6FFFF;
	_ =	strace $0x9000004C  }
0xc2: {  	s29 =	simm.s32 $0xC;
	_ =	strace $0x8000004E  }
0xc3: {  	_ =	swait.ge [sflag:s29], $0x1  }
0xc4: {  	[sflag:s29] =	ssyncadd.s32 $0xFFFFFFFF  }
0xc5: {  	_ =	strace $0x9000004E  }
0xc6: {  	_ =	sfence  }
0xc7: {  	s30 =	sld [smem:$0x0];
	_ =	sdelay $0x2  }
0xc8: {  	s31 =	sshll.u32 s1, $0xD;
	s1 =	sshrl.u32 s1, $0x2  }
0xc9: {  	s4 =	sand.u32 $0x4000, s31;
	s1 =	sadd.s32 s1, s30  }
0xca: {  	s0 =	sor.u32 s4, s0;
	s1 =	sshll.u32 s1, $0x11  }
0xcb: {  	s0 =	sor.u32 s1, s0  }
0xcc: {  	s0 =	sadd.s32 $0x8F2B, s0  }
0xcd: {  	[sflag:s0] =	ssyncadd.remote.s32 $0x1  }
0xce: {  	_ =	sfence.sel $0xFFFF  }
0xcf: {  	[dreg:$0x0] =	wrdreg $0xFFFFFFFF;
	(pc) =	sbr.abs _section_cstart, $3  }
0xd0: {  	[dreg:$0x1] =	wrdreg $0xFFFFFFFF  }
0xd1: {  	_ =	task.clear_ibuf [dreg:s22], $0x2FFFF;
	_ =	strace $0x9FFFFFFF  }
0xd2: {  	(tm) =	ssettm $0x7FFFFFFF  }
0xd3: {  	_ =	shalt  }
tec
execute0_lowered:
.L_overlay_start_1:
0x0: {  	(tag) =	ssettag $0x1  }
0x1: {  	s4 =	rddreg [dreg:$0x0];
	s0 =	stileid.u32  }
0x2: {  	s9 =	rddreg [dreg:$0x1];
	s1 =	srdreg.scid  }
0x3: {  	s2 =	rddreg [dreg:$0x2];
	s3 =	simm.s32 $0x0;
	s13 =	simm.s32 $0x1  }
0x4: {  	s14 =	simm.s32 $0x80;
	s15 =	simm.s32 $0x400;
	s16 =	simm.s32 $0x4800  }
0x5: {  	s19 =	simm.s32 $0x10;
	s5 =	sand.u32 $0x1, s0;
	s26 =	smul.u32 $0x48000, s0  }
0x6: {  	s20 =	simm.s32 $0x0;
	s6 =	sand.u32 $0x1, s1;
	s7 =	smul.u32 $0x24000, s5  }
0x7: {  	s1 =	rddreg [dreg:$0x3];
	s17 =	sshll.u32 s0, $0x6;
	s8 =	smul.u32 $0x48000, s6  }
0x8: {  	[smem:$0x7FF] =	sst s3;
	s10 =	sand.u32 $0x380, s17;
	s5 =	smul.u32 $0x90000, s5  }
0x9: {  	_ =	strace $0x8000004D;
	s11 =	ssub.s32 $0x2, s6;
	s6 =	smul.u32 $0x120000, s6  }
0xa: {  	s17 =	sor.u32 $0x1C01, s17;
	s28 =	sshrl.u32 s11, $0x1;
	s7 =	sadd.s32 s7, s8  }
0xb: {  	s29 =	sshrl.u32 s26, $0x2;
	s31 =	sadd.s32 s5, s6;
	s7 =	sor.u32 s10, s7  }
0xc: {  	s30 =	ssub.s32 s11, s28;
	s10 =	sor.u32 s10, s31;
	s7 =	sshrl.u32 s7, $0x3  }
0xd: {  	s10 =	sshrl.u32 s10, $0x3;
	s12 =	sadd.s32 s7, s4;
	s4 =	sadd.s32 s29, s2  }
0xe: {  	s5 =	smax.u32 s30, $0x1;
	s9 =	sadd.s32 s10, s9;
	s6 =	sadd.s32 $0x4800, s4  }
0xf: {  	s7 =	sadd.s32 $0x9000, s4;
	s8 =	sadd.s32 $0xD800, s4;
	s10 =	sadd.s32 $0x513000, s12  }
0x10: {  	v0 =	vimm.f32 $0.0e+00;
	s11 =	sadd.s32 $0x57F000, s12;
	s12 =	simm.s32 $0x9000;
	s18 =	sshrl.u32 s4, $0x3  }
.LBB2_1:
0x11: {  	s21 =	simm.s32 $0x0  }
.LBB2_2:
0x12: {  	p0 =	sne.s32 s21, $0x11FC0  }
.Ltmp0:
0x13: {  	_ = 	snop;
	(pc) =	sbr.rel @p0 .LBB2_2-.Ltmp0, $3  }
0x14: {  	_ =	sdelay $0x1  }
0x15: {  	s22 =	sshra.s32 s21, $0x2  }
0x16: {  	s21 =	sadd.s32 $0x40, s21;
	[tilespmem:s22+$0x9000] =	vst v0  }
0x17: {  	[spmem:s4] =	stream.linear.scatter [tilespmem:s12], [sflag:$0x1], $0x4800, $0x38;
	[tilespmem:$0x1F800] =	vst v63  }
0x18: {  	_ =	swait.ge [sflag:s13], $0x4800  }
0x19: {  	[sflag:s13] =	ssyncset.done $0x0  }
0x1a: {  	[sflag:s13] =	ssyncadd.s32 $0xFFFFB800  }
0x1b: {  	[spmem:s6] =	stream.linear.scatter [tilespmem:s12], [sflag:$0x1], $0x4800, $0x38;
	[tilespmem:$0x1F800] =	vst v63  }
0x1c: {  	_ =	swait.ge [sflag:s13], $0x4800  }
0x1d: {  	[sflag:s13] =	ssyncset.done $0x0  }
0x1e: {  	[sflag:s13] =	ssyncadd.s32 $0xFFFFB800  }
0x1f: {  	[spmem:s7] =	stream.linear.scatter [tilespmem:s12], [sflag:$0x1], $0x4800, $0x38;
	[tilespmem:$0x1F800] =	vst v63  }
0x20: {  	_ =	swait.ge [sflag:s13], $0x4800  }
0x21: {  	[sflag:s13] =	ssyncset.done $0x0  }
0x22: {  	[sflag:s13] =	ssyncadd.s32 $0xFFFFB800  }
0x23: {  	[spmem:s8] =	stream.linear.scatter [tilespmem:s12], [sflag:$0x1], $0x4800, $0x38;
	[tilespmem:$0x1F800] =	vst v63  }
0x24: {  	_ =	swait.ge [sflag:s13], $0x4800  }
0x25: {  	[sflag:s13] =	ssyncset.done $0x0  }
0x26: {  	[sflag:s13] =	ssyncadd.s32 $0xFFFFB800  }
0x27: {  	s21 =	sadd.s32 $0x0, s11;
	[bflag:$0x0] =	sbarrier.arrive $0xFFFF  }
0x28: {  	[tilespmem:s3], [sflag:$0x1] =	stream.strided.gather [hbm4b:s21+s14], $0x4800, s15, s14, $0x38;
	[tilespmem:$0x1F800] =	vst v63  }
0x29: {  	_ =	swait.ge [sflag:s13], $0x4800  }
0x2a: {  	[sflag:s13] =	ssyncset.done $0x0  }
0x2b: {  	s31 =	sadd.s32 $0x0, s10;
	[sflag:s13] =	ssyncadd.s32 $0xFFFFB800  }
0x2c: {  	[tilespmem:s16], [sflag:$0x1] =	stream.strided.gather [hbm4b:s31+s14], $0x4800, s15, s14, $0x38;
	[tilespmem:$0x1F800] =	vst v63  }
0x2d: {  	_ =	swait.ge [sflag:s13], $0x4800  }
0x2e: {  	[sflag:s13] =	ssyncset.done $0x0  }
0x2f: {  	[sflag:s13] =	ssyncadd.s32 $0xFFFFB800  }
0x30: {  	[spmem:s2] =	stream.indirect.scatter.add.f32 [tilespmem:s16], [sflag:$0x1], $0x1, s3, s16, $0xb8;
	[tilespmem:$0x1F800] =	vst v63  }
0x31: {  	_ =	swait.ge [sflag:s13], $0x4800  }
0x32: {  	[sflag:s13] =	ssyncset.done $0x0  }
0x33: {  	[sflag:s13] =	ssyncadd.s32 $0xFFFFB800  }
0x34: {  	[bflag:$0x0] =	sbarrier.arrive $0xFFFF  }
0x35: {  	[hbm:s9@s14], [sflag:s17] =	dma.strided [spmem:s18@s19], $0x2400, s13, $0x10   }
0x36: {  	_ =	swait.ge [sflag:s13], $0x2400  }
0x37: {  	s22 =	smov.u32 s9;
	s21 =	simm.s32 $0x12000;
	[sflag:s13] =	ssyncset.done $0x0  }
.LBB2_4:
0x38: {  	p0 =	sne.s32 s21, $0x5A000;
	[sflag:s13] =	ssyncadd.s32 $0xFFFFDC00;
	s22 =	sadd.s32 $0x48000, s22  }
0x39: {  	[spmem:s4] =	stream.linear.scatter [tilespmem:s12], [sflag:$0x1], $0x4800, $0x38;
	[tilespmem:$0x1F800] =	vst v63  }
0x3a: {  	s23 =	smov.u32 s21;
	s21 =	sadd.s32 $0x12000, s21;
	_ =	swait.ge [sflag:s13], $0x4800  }
0x3b: {  	[sflag:s13] =	ssyncset.done $0x0  }
0x3c: {  	[sflag:s13] =	ssyncadd.s32 $0xFFFFB800  }
0x3d: {  	[spmem:s6] =	stream.linear.scatter [tilespmem:s12], [sflag:$0x1], $0x4800, $0x38;
	[tilespmem:$0x1F800] =	vst v63  }
0x3e: {  	_ =	swait.ge [sflag:s13], $0x4800  }
0x3f: {  	[sflag:s13] =	ssyncset.done $0x0  }
0x40: {  	[sflag:s13] =	ssyncadd.s32 $0xFFFFB800  }
0x41: {  	[spmem:s7] =	stream.linear.scatter [tilespmem:s12], [sflag:$0x1], $0x4800, $0x38;
	[tilespmem:$0x1F800] =	vst v63  }
0x42: {  	_ =	swait.ge [sflag:s13], $0x4800  }
0x43: {  	[sflag:s13] =	ssyncset.done $0x0  }
0x44: {  	[sflag:s13] =	ssyncadd.s32 $0xFFFFB800  }
0x45: {  	[spmem:s8] =	stream.linear.scatter [tilespmem:s12], [sflag:$0x1], $0x4800, $0x38;
	[tilespmem:$0x1F800] =	vst v63  }
0x46: {  	_ =	swait.ge [sflag:s13], $0x4800  }
0x47: {  	[sflag:s13] =	ssyncset.done $0x0  }
0x48: {  	[sflag:s13] =	ssyncadd.s32 $0xFFFFB800  }
0x49: {  	s24 =	sadd.s32 s23, s11;
	[bflag:$0x0] =	sbarrier.arrive $0xFFFF  }
0x4a: {  	[tilespmem:s3], [sflag:$0x1] =	stream.strided.gather [hbm4b:s24+s14], $0x4800, s15, s14, $0x38;
	[tilespmem:$0x1F800] =	vst v63  }
0x4b: {  	_ =	swait.ge [sflag:s13], $0x4800  }
0x4c: {  	[sflag:s13] =	ssyncset.done $0x0  }
0x4d: {  	s23 =	sadd.s32 s23, s10;
	[sflag:s13] =	ssyncadd.s32 $0xFFFFB800  }
0x4e: {  	[tilespmem:s16], [sflag:$0x1] =	stream.strided.gather [hbm4b:s23+s14], $0x4800, s15, s14, $0x38;
	[tilespmem:$0x1F800] =	vst v63  }
0x4f: {  	_ =	swait.ge [sflag:s13], $0x4800  }
0x50: {  	[sflag:s13] =	ssyncset.done $0x0  }
0x51: {  	[sflag:s13] =	ssyncadd.s32 $0xFFFFB800  }
0x52: {  	[spmem:s2] =	stream.indirect.scatter.add.f32 [tilespmem:s16], [sflag:$0x1], $0x1, s3, s16, $0xb8;
	[tilespmem:$0x1F800] =	vst v63  }
0x53: {  	_ =	swait.ge [sflag:s13], $0x4800  }
0x54: {  	[sflag:s13] =	ssyncset.done $0x0  }
.Ltmp1:
0x55: {  	[sflag:s13] =	ssyncadd.s32 $0xFFFFB800;
	(pc) =	sbr.rel @p0 .LBB2_4-.Ltmp1, $4  }
0x56: {  	[bflag:$0x0] =	sbarrier.arrive $0xFFFF  }
0x57: {  	[hbm:s22@s14], [sflag:s17] =	dma.strided [spmem:s18@s19], $0x2400, s13, $0x10   }
0x58: {  	_ =	swait.ge [sflag:s13], $0x2400  }
0x59: {  	[sflag:s13] =	ssyncset.done $0x0  }
0x5a: {  	s20 =	sadd.s32 $0x1, s20  }
0x5b: {  	p0 =	sne.s32 s20, s5  }
.Ltmp2:
0x5c: {  	_ = 	snop;
	(pc) =	sbr.rel @p0 .LBB2_1-.Ltmp2, $2  }
0x5d: {  	_ =	sdelay $0x2  }
0x5e: {  	[sflag:s13] =	ssyncadd.s32 $0xFFFFDC00  }
0x5f: {  	_ =	sfence.sel $0x180000  }
0x60: {  	[bflag:$0x0] =	sbarrier.arrive $0xFFFF  }
0x61: {  	p0 =	sne.s32 s0, $0x0;
	_ =	strace $0x9000004D  }
0x62: {  	s0 =	sadd.s32 @!p0 $0x100000, s1;
	[bflag:$0x2] =	sbarrier.arrive $0xFFFF  }
0x63: {  	[sflag:s0] =	ssyncadd.tile.s32 @!p0 $0x1;
	_ =	shalt  }
.Lfunc_end2:
_tile_overlayer_lowered:
.L_overlay_start_2:
0x64: {  	(tag) =	ssettag $0x2  }
0x65: {  	s0 =	rddreg [dreg:$0x0];
	s2 =	stileid.u32  }
0x66: {  	s1 =	rddreg [dreg:$0x1];
	p0 =	sne.s32 s2, $0x0  }
0x67: {  	s3 =	rddreg [dreg:$0x2];
	[bflag:$0x3] =	sbarrier.arrive $0xFFFF;
	s2 =	simm.s32 @!p0 $0x1C01  }
0x68: {  	[timem:s3], [sflag:s2] =	dma.local @!p0 [hbm:s0], s1  }
0x69: {  	s0 =	simm.s32 @!p0 $0x1  }
0x6a: {  	_ =	swait.ge @!p0 [sflag:s0], s1  }
0x6b: {  	s1 =	ssub.s32 @!p0 $0x0, s1;
	[sflag:s0] =	ssyncset.done @!p0 $0x0  }
0x6c: {  	[sflag:s0] =	ssyncadd.s32 @!p0 s1  }
0x6d: {  	[bflag:$0x3] =	sbarrier.arrive $0xFFFF  }
0x6e: {  	_ =	shalt  }

// kernel: kernel.23.cloned.1.call-start
scs
__scs_entry_jumppad:
0x0: {  	(pc) =	sbr.rel $0x88, $3  }
0x1: {  	(tag) =	ssettag $0x0;
	lr =	simm.s32 $0x1  }
0x2: {  	[smem:$0x3F9F] =	sst lr;
	_ =	strace $0xD0000000  }
0x3: {  	_ = 	snop  }
0x4: {  	_ = 	snop  }
0x5: {  	_ = 	snop  }
0x6: {  	_ = 	snop  }
0x7: {  	_ = 	snop  }
__scs_overlays_trampoline_lowered:
0x8: {  	[smem:$0x3FAE] =	sst s0  }
0x9: {  	[smem:$0x3FAF] =	sst s1  }
0xa: {  	[smem:$0x3FB0] =	sst s2  }
0xb: {  	[smem:$0x3FB1] =	sst s3  }
0xc: {  	[smem:$0x3FB2] =	sst s4  }
0xd: {  	[smem:$0x3FB3] =	sst s5  }
0xe: {  	[smem:$0x3FB4] =	sst s6  }
0xf: {  	[smem:$0x3FB5] =	sst s7  }
0x10: {  	[smem:$0x3FB6] =	sst s8  }
0x11: {  	[smem:$0x3FB7] =	sst s9;
	s0 =	simm.s32 @!p0 $0x0  }
0x12: {  	s1 =	sld [smem:$0x3F9D];
	s0 =	simm.s32 @p0 $0x1  }
0x13: {  	[smem:$0x3FB8] =	sst s0;
	s0 =	simm.s32 @!p1 $0x0  }
0x14: {  	s2 =	sld [smem:$0x3F9C];
	s0 =	simm.s32 @p1 $0x1  }
0x15: {  	[smem:$0x3FB9] =	sst s0;
	s0 =	simm.s32 @!p2 $0x0  }
0x16: {  	s3 =	sld [smem:$0x3FDB];
	s0 =	simm.s32 @p2 $0x1  }
0x17: {  	s4 =	simm.s32 $0x1BF5;
	[smem:$0x3FBB] =	sst s0  }
0x18: {  	s0 =	sld [smem:$0x3F9E];
	_ =	swait.ge [sflag:s4], $0x0  }
0x19: {  	s7 =	sld [smem:$0x3F9F]  }
0x1a: {  	s8 =	sadd.s32 $0xFFFFE003, lr  }
0x1b: {  	s9 =	sadd.s32 $0xFFFFFEF7, lr;
	s5 =	simm.s32 $0xFFFFFFFF;
	p2 =	slt.u32 s8, $0xFFFFF086  }
0x1c: {  	p1 =	slt.u32 s9, $0xF7A;
	s5 =	simm.s32 @!p2 $0x0  }
0x1d: {  	s5 =	simm.s32 @p1 $0x1;
	p0 =	seq.s32 s7, s2  }
0x1e: {  	s7 =	smul.u32 @!p0 $0xF7A, s2;
	p2 =	seq.s32 @!p0 s5, $0x0  }
0x1f: {  	s9 =	smul.u32 $0xF7A, s1;
	s8 =	simm.s32 @!p0 $0x1BF5;
	p2 =	por !p2, p0  }
0x20: {  	[sflag:s8] =	ssyncset.s32 @!p0 $0xFFFFF086;
	s6 =	sadd.s32 @!p0 s3, s7;
	s7 =	simm.s32 @!p0 $0x108  }
0x21: {  	s3 =	sadd.s32 s3, s9;
	s6 =	sadd.s32 @!p0 $0x88, s6;
	s7 =	simm.s32 @p2 $0x1082  }
0x22: {  	[simem:s7], [sflag:s8] =	dma.local @!p0 [hbm:s6], $0xF7A  }
0x23: {  	s9 =	sor.u32 $0xD0000000, s2;
	s6 =	simm.s32 $0x108;
	_ =	swait.ge @!p0 [sflag:s8], $0x0  }
0x24: {  	s3 =	sadd.s32 $0x88, s3;
	s6 =	simm.s32 @!p1 $0x1082;
	[sflag:s4] =	ssyncset.s32 $0xFFFFF086  }
0x25: {  	[simem:s6], [sflag:s4] =	dma.local [hbm:s3], $0xF7A  }
0x26: {  	[smem:$0x3F9F] =	sst s1;
	(tag) =	ssettag s2;
	_ =	strace s9  }
0x27: {  	s1 =	sld [smem:$0x3FAF]  }
0x28: {  	s2 =	sld [smem:$0x3FB0]  }
0x29: {  	s4 =	sld [smem:$0x3FB2]  }
0x2a: {  	p0 =	seq.s32 s5, $0x0;
	s5 =	sld [smem:$0x3FB3]  }
0x2b: {  	s6 =	sld [smem:$0x3FB4]  }
0x2c: {  	s7 =	sld [smem:$0x3FB5]  }
0x2d: {  	s3 =	simm.s32 $0x108;
	s8 =	sld [smem:$0x3FB6]  }
0x2e: {  	s3 =	simm.s32 @!p0 $0x1082;
	s9 =	sld [smem:$0x3FB7]  }
0x2f: {  	lr =	sadd.s32 s0, s3;
	s0 =	sld [smem:$0x3FAE]  }
0x30: {  	s3 =	sld [smem:$0x3FB1]  }
0x31: {  	[smem:$0x3FBA] =	sst s10  }
0x32: {  	s10 =	sld [smem:$0x3FB8];
	_ =	sdelay $0x3  }
0x33: {  	p0 =	seq.s32 s10, $0x1;
	s10 =	sld [smem:$0x3FBA];
	_ =	sdelay $0x3  }
0x34: {  	[smem:$0x3FBA] =	sst s10  }
0x35: {  	s10 =	sld [smem:$0x3FB9];
	_ =	sdelay $0x3  }
0x36: {  	p1 =	seq.s32 s10, $0x1;
	s10 =	sld [smem:$0x3FBA];
	_ =	sdelay $0x3  }
0x37: {  	[smem:$0x3FBA] =	sst s10  }
0x38: {  	s10 =	sld [smem:$0x3FBB]  }
0x39: {  	_ = 	snop;
	(pc) =	sbr.ind lr, $3  }
0x3a: {  	_ = 	snop  }
0x3b: {  	_ = 	snop  }
0x3c: {  	p2 =	seq.s32 s10, $0x1;
	s10 =	sld [smem:$0x3FBA]  }
0x3d: {  	_ =	shalt  }
0x3e: {  	_ =	shalt  }
0x3f: {  	_ =	shalt  }
0x40: {  	_ =	shalt  }
0x41: {  	_ =	shalt  }
0x42: {  	_ =	shalt  }
0x43: {  	_ =	shalt  }
0x44: {  	_ =	shalt  }
0x45: {  	_ =	shalt  }
0x46: {  	_ =	shalt  }
0x47: {  	_ =	shalt  }
0x48: {  	_ =	shalt  }
0x49: {  	_ =	shalt  }
0x4a: {  	_ =	shalt  }
0x4b: {  	_ =	shalt  }
0x4c: {  	_ =	shalt  }
0x4d: {  	_ =	shalt  }
0x4e: {  	_ =	shalt  }
0x4f: {  	_ =	shalt  }
0x50: {  	_ =	shalt  }
0x51: {  	_ =	shalt  }
0x52: {  	_ =	shalt  }
0x53: {  	_ =	shalt  }
0x54: {  	_ =	shalt  }
0x55: {  	_ =	shalt  }
0x56: {  	_ =	shalt  }
0x57: {  	_ =	shalt  }
0x58: {  	_ =	shalt  }
0x59: {  	_ =	shalt  }
0x5a: {  	_ =	shalt  }
0x5b: {  	_ =	shalt  }
0x5c: {  	_ =	shalt  }
0x5d: {  	_ =	shalt  }
0x5e: {  	_ =	shalt  }
0x5f: {  	_ =	shalt  }
0x60: {  	_ =	shalt  }
0x61: {  	_ =	shalt  }
0x62: {  	_ =	shalt  }
0x63: {  	_ =	shalt  }
0x64: {  	_ =	shalt  }
0x65: {  	_ =	shalt  }
0x66: {  	_ =	shalt  }
0x67: {  	_ =	shalt  }
0x68: {  	_ =	shalt  }
0x69: {  	_ =	shalt  }
0x6a: {  	_ =	shalt  }
0x6b: {  	_ =	shalt  }
0x6c: {  	_ =	shalt  }
0x6d: {  	_ =	shalt  }
0x6e: {  	_ =	shalt  }
0x6f: {  	_ =	shalt  }
0x70: {  	_ =	shalt  }
0x71: {  	_ =	shalt  }
0x72: {  	_ =	shalt  }
0x73: {  	_ =	shalt  }
0x74: {  	_ =	shalt  }
0x75: {  	_ =	shalt  }
0x76: {  	_ =	shalt  }
0x77: {  	_ =	shalt  }
0x78: {  	_ =	shalt  }
0x79: {  	_ =	shalt  }
0x7a: {  	_ =	shalt  }
0x7b: {  	_ =	shalt  }
0x7c: {  	_ =	shalt  }
0x7d: {  	_ =	shalt  }
0x7e: {  	_ =	shalt  }
0x7f: {  	_ =	shalt  }
0x80: {  	_ =	shalt  }
0x81: {  	_ =	shalt  }
0x82: {  	_ =	shalt  }
0x83: {  	_ =	shalt  }
0x84: {  	_ =	shalt  }
0x85: {  	_ =	shalt  }
0x86: {  	_ =	shalt  }
0x87: {  	_ =	shalt  }
.Lfunc_end0:
.L_simem_size_0:
called_computation.7_lowered:
.L_overlay_start_0:
0x88: {  	s2 =	sld [smem:$0x3FD9]  }
0x89: {  	s3 =	sld [smem:$0x3FFE];
	_ =	sdelay $0x1  }
0x8a: {  	s1 =	srdreg.scid  }
0x8b: {  	s0 =	sand.u32 $0x1, s1  }
0x8c: {  	s17 =	sshll.u32 s0, $0xA;
	s2 =	sadd.s32 s3, s2  }
0x8d: {  	s2 =	sadd.s32 s2, s17  }
0x8e: {  	[smem:$0x3FC6] =	sst s2  }
0x8f: {  	_ = 	snop  }
0x90: {  	(tm) =	ssettm $0x1  }
0x91: {  	s18 =	sld [smem:$0x3FFB];
	_ =	sdelay $0x3  }
0x92: {  	_ =	strace s18  }
0x93: {  	s2 =	sld [smem:$0x3FFC];
	_ =	sdelay $0x3  }
0x94: {  	_ =	strace s2  }
0x95: {  	s2 =	sld [smem:$0x3FFD];
	_ =	sdelay $0x3  }
0x96: {  	_ =	strace s2  }
0x97: {  	_ =	strace $0x8FFFFFFF  }
0x98: {  	s19 =	sld [smem:$0x3FDB];
	_ =	sdelay $0x1  }
0x99: {  	s20 =	simm.s32 $_scs_section_size  }
0x9a: {  	s4 =	simm.s32 $_size__tile_overlayer_lowered;
	s5 =	simm.s32 $_tile_overlayer_lowered  }
0x9b: {  	s6 =	simm.s32 $0x1BFF;
	s21 =	sshll.u32 s5, $0x1;
	s3 =	sadd.s32 s20, s19  }
0x9c: {  	s22 =	simm.s32 $0x0;
	s4 =	sshll.u32 s4, $0x1;
	s5 =	sadd.s32 s21, s3  }
0x9d: {  	[timem:s22], [sflag:s6] =	dma.local [hbm:s5], s4  }
0x9e: {  	_ =	swait.ge [sflag:s6], s4  }
0x9f: {  	s4 =	ssub.s32 $0x0, s4;
	[sflag:s6] =	ssyncset.done $0x0  }
0xa0: {  	[sflag:s6] =	ssyncadd.s32 s4;
	_ =	sdelay $0x1  }
0xa1: {  	s23 =	simm.s32 $0x1B8B  }
0xa2: {  	_ =	swait.ge [sflag:s23], $0x1  }
0xa3: {  	[sflag:s23] =	ssyncset.done $0x0  }
0xa4: {  	[sflag:s23] =	ssyncadd.s32 $0xFFFFFFFF  }
0xa5: {  	s4 =	sld [smem:$0x0]  }
0xa6: {  	s5 =	sand.u32 $0xFFFFFFFE, s1  }
0xa7: {  	p0 =	sne.s32 s1, s5  }
0xa8: {  	s5 =	sshll.u32 @p0 s5, $0xE  }
0xa9: {  	s5 =	sadd.s32 @p0 $0x11B8D, s5;
	s6 =	sshll.u32 @p0 s4, $0x11  }
0xaa: {  	s5 =	sor.u32 @p0 s6, s5  }
0xab: {  	[sflag:s5] =	ssyncadd.remote.s32 @p0 $0x1;
	_ =	sdelay $0x1  }
0xac: {  	s5 =	simm.s32 @p0 $0x1B8D  }
0xad: {  	_ =	swait.eq @p0 [sflag:s5], $0x1  }
0xae: {  	[sflag:s5] =	ssyncadd.s32 @p0 $0xFFFFFFFF  }
0xaf: {  	s6 =	sshll.u32 @!p0 s1, $0xE  }
0xb0: {  	s6 =	sor.u32 @!p0 $0x4000, s6;
	s5 =	simm.s32 @!p0 $0x1B8D  }
0xb1: {  	s4 =	sshll.u32 @!p0 s4, $0x11;
	s6 =	sadd.s32 @!p0 $0x11B8D, s6;
	_ =	swait.eq @!p0 [sflag:s5], $0x1  }
0xb2: {  	s4 =	sor.u32 @!p0 s4, s6;
	[sflag:s5] =	ssyncadd.s32 @!p0 $0xFFFFFFFF  }
0xb3: {  	s25 =	simm.s32 $0x1B8E;
	s24 =	sld [smem:$0x3FFE];
	[sflag:s4] =	ssyncadd.remote.s32 @!p0 $0x1  }
0xb4: {  	s26 =	simm.s32 $execute0_lowered;
	[smem:$0x3FD2] =	sst s25  }
0xb5: {  	s5 =	sshll.u32 s26, $0x1;
	_ =	strace $0x8000004F;
	[dreg:$0x1] =	wrdreg $0xFFFFFFFF  }
0xb6: {  	s28 =	simm.s32 $_size_execute0_lowered;
	s3 =	sadd.s32 s3, s5;
	[dreg:$0x0] =	wrdreg $0x0  }
0xb7: {  	s5 =	sshll.u32 s28, $0x1;
	[dreg:$0x2] =	wrdreg s3  }
0xb8: {  	[dreg:$0x3] =	wrdreg s5  }
0xb9: {  	[dreg:$0x4] =	wrdreg $0xC0  }
0xba: {  	_ =	task [dreg:s22], $0x5FFFF  }
0xbb: {  	[dreg:$0x1] =	wrdreg $0xFFFFFFFF  }
0xbc: {  	[dreg:$0x0] =	wrdreg $0x60  }
0xbd: {  	[dreg:$0x2] =	wrdreg s24  }
0xbe: {  	[dreg:$0x3] =	wrdreg $0xD8000  }
0xbf: {  	[dreg:$0x4] =	wrdreg $0xA  }
0xc0: {  	_ =	task.clear_ibuf [dreg:s22], $0x5FFFF;
	_ =	strace $0x9000004F  }
0xc1: {  	s29 =	simm.s32 $0xA;
	_ =	strace $0x80000051  }
0xc2: {  	_ =	swait.ge [sflag:s29], $0x1  }
0xc3: {  	[sflag:s29] =	ssyncadd.s32 $0xFFFFFFFF  }
0xc4: {  	_ =	strace $0x90000051  }
0xc5: {  	_ =	sfence  }
0xc6: {  	s30 =	sld [smem:$0x0];
	_ =	sdelay $0x2  }
0xc7: {  	s31 =	sshll.u32 s1, $0xD;
	s1 =	sshrl.u32 s1, $0x2  }
0xc8: {  	s4 =	sand.u32 $0x4000, s31;
	s1 =	sadd.s32 s1, s30  }
0xc9: {  	s0 =	sor.u32 s4, s0;
	s1 =	sshll.u32 s1, $0x11  }
0xca: {  	s0 =	sor.u32 s1, s0  }
0xcb: {  	s0 =	sadd.s32 $0x8F2B, s0  }
0xcc: {  	[sflag:s0] =	ssyncadd.remote.s32 $0x1  }
0xcd: {  	_ =	sfence.sel $0xFFFF  }
0xce: {  	[dreg:$0x0] =	wrdreg $0xFFFFFFFF;
	(pc) =	sbr.abs _section_cstart, $3  }
0xcf: {  	[dreg:$0x1] =	wrdreg $0xFFFFFFFF  }
0xd0: {  	_ =	task.clear_ibuf [dreg:s22], $0x2FFFF;
	_ =	strace $0x9FFFFFFF  }
0xd1: {  	(tm) =	ssettm $0x7FFFFFFF  }
tec
execute0_lowered:
.L_overlay_start_1:
0x0: {  	(tag) =	ssettag $0x1  }
0x1: {  	s0 =	stileid.u32;
	s5 =	rddreg [dreg:$0x0]  }
0x2: {  	s1 =	srdreg.scid;
	s2 =	rddreg [dreg:$0x1]  }
0x3: {  	s3 =	simm.s32 $0x0;
	s12 =	simm.s32 $0x9000;
	s13 =	simm.s32 $0x1  }
0x4: {  	s14 =	simm.s32 $0x80;
	s4 =	sand.u32 $0x1, s0;
	s28 =	smul.u32 $0x48000, s0  }
0x5: {  	s15 =	simm.s32 $0x400;
	s6 =	sand.u32 $0x1, s1;
	s7 =	smul.u32 $0x24000, s4  }
0x6: {  	s16 =	simm.s32 $0x4800;
	s19 =	simm.s32 $0x10;
	s8 =	smul.u32 $0x48000, s6  }
0x7: {  	s20 =	simm.s32 $0x0;
	s1 =	rddreg [dreg:$0x2];
	s4 =	smul.u32 $0x90000, s4  }
0x8: {  	s17 =	sshll.u32 s0, $0x6;
	[smem:$0x7FF] =	sst s3;
	s26 =	smul.u32 $0x120000, s6  }
0x9: {  	s9 =	sand.u32 $0x380, s17;
	_ =	strace $0x80000050;
	s6 =	ssub.s32 $0x2, s6  }
0xa: {  	s17 =	sor.u32 $0x1C01, s17;
	s29 =	sshrl.u32 s6, $0x1;
	s4 =	sadd.s32 s4, s26  }
0xb: {  	s30 =	sshrl.u32 s28, $0x2;
	s7 =	sadd.s32 s7, s8;
	s4 =	sor.u32 s9, s4  }
0xc: {  	s6 =	ssub.s32 s6, s29;
	s7 =	sor.u32 s9, s7;
	s4 =	sshrl.u32 s4, $0x3  }
0xd: {  	s7 =	sshrl.u32 s7, $0x3;
	s31 =	sadd.s32 s4, s5;
	s4 =	sadd.s32 s30, s2  }
0xe: {  	s11 =	sadd.s32 s7, s5;
	s5 =	smax.u32 s6, $0x1;
	s6 =	sadd.s32 $0x4800, s4  }
0xf: {  	s7 =	sadd.s32 $0x9000, s4;
	s8 =	sadd.s32 $0xD800, s4;
	s9 =	sadd.s32 $0x6C3000, s31  }
0x10: {  	v0 =	vimm.f32 $0.0e+00;
	s10 =	sadd.s32 $0x5EB000, s11;
	s11 =	sadd.s32 $0x657000, s11;
	s18 =	sshrl.u32 s4, $0x3  }
.LBB2_1:
0x11: {  	s21 =	simm.s32 $0x0  }
.LBB2_2:
0x12: {  	p0 =	sne.s32 s21, $0x11FC0  }
.Ltmp0:
0x13: {  	_ = 	snop;
	(pc) =	sbr.rel @p0 .LBB2_2-.Ltmp0, $3  }
0x14: {  	_ =	sdelay $0x1  }
0x15: {  	s22 =	sshra.s32 s21, $0x2  }
0x16: {  	s21 =	sadd.s32 $0x40, s21;
	[tilespmem:s22+$0x9000] =	vst v0  }
0x17: {  	[spmem:s4] =	stream.linear.scatter [tilespmem:s12], [sflag:$0x1], $0x4800, $0x38;
	[tilespmem:$0x1F800] =	vst v63  }
0x18: {  	_ =	swait.ge [sflag:s13], $0x4800  }
0x19: {  	[sflag:s13] =	ssyncset.done $0x0  }
0x1a: {  	[sflag:s13] =	ssyncadd.s32 $0xFFFFB800  }
0x1b: {  	[spmem:s6] =	stream.linear.scatter [tilespmem:s12], [sflag:$0x1], $0x4800, $0x38;
	[tilespmem:$0x1F800] =	vst v63  }
0x1c: {  	_ =	swait.ge [sflag:s13], $0x4800  }
0x1d: {  	[sflag:s13] =	ssyncset.done $0x0  }
0x1e: {  	[sflag:s13] =	ssyncadd.s32 $0xFFFFB800  }
0x1f: {  	[spmem:s7] =	stream.linear.scatter [tilespmem:s12], [sflag:$0x1], $0x4800, $0x38;
	[tilespmem:$0x1F800] =	vst v63  }
0x20: {  	_ =	swait.ge [sflag:s13], $0x4800  }
0x21: {  	[sflag:s13] =	ssyncset.done $0x0  }
0x22: {  	[sflag:s13] =	ssyncadd.s32 $0xFFFFB800  }
0x23: {  	[spmem:s8] =	stream.linear.scatter [tilespmem:s12], [sflag:$0x1], $0x4800, $0x38;
	[tilespmem:$0x1F800] =	vst v63  }
0x24: {  	_ =	swait.ge [sflag:s13], $0x4800  }
0x25: {  	[sflag:s13] =	ssyncset.done $0x0  }
0x26: {  	[sflag:s13] =	ssyncadd.s32 $0xFFFFB800  }
0x27: {  	s21 =	sadd.s32 $0x0, s11;
	[bflag:$0x0] =	sbarrier.arrive $0xFFFF  }
0x28: {  	[tilespmem:s3], [sflag:$0x1] =	stream.strided.gather [hbm4b:s21+s14], $0x4800, s15, s14, $0x38;
	[tilespmem:$0x1F800] =	vst v63  }
0x29: {  	_ =	swait.ge [sflag:s13], $0x4800  }
0x2a: {  	[sflag:s13] =	ssyncset.done $0x0  }
0x2b: {  	s31 =	sadd.s32 $0x0, s10;
	[sflag:s13] =	ssyncadd.s32 $0xFFFFB800  }
0x2c: {  	[tilespmem:s16], [sflag:$0x1] =	stream.strided.gather [hbm4b:s31+s14], $0x4800, s15, s14, $0x38;
	[tilespmem:$0x1F800] =	vst v63  }
0x2d: {  	_ =	swait.ge [sflag:s13], $0x4800  }
0x2e: {  	[sflag:s13] =	ssyncset.done $0x0  }
0x2f: {  	[sflag:s13] =	ssyncadd.s32 $0xFFFFB800  }
0x30: {  	[spmem:s2] =	stream.indirect.scatter.add.f32 [tilespmem:s16], [sflag:$0x1], $0x1, s3, s16, $0xb8;
	[tilespmem:$0x1F800] =	vst v63  }
0x31: {  	_ =	swait.ge [sflag:s13], $0x4800  }
0x32: {  	[sflag:s13] =	ssyncset.done $0x0  }
0x33: {  	[sflag:s13] =	ssyncadd.s32 $0xFFFFB800  }
0x34: {  	[bflag:$0x0] =	sbarrier.arrive $0xFFFF  }
0x35: {  	[hbm:s9@s14], [sflag:s17] =	dma.strided [spmem:s18@s19], $0x2400, s13, $0x10   }
0x36: {  	_ =	swait.ge [sflag:s13], $0x2400  }
0x37: {  	s22 =	smov.u32 s9;
	s21 =	simm.s32 $0x12000;
	[sflag:s13] =	ssyncset.done $0x0  }
.LBB2_4:
0x38: {  	p0 =	sne.s32 s21, $0x5A000;
	[sflag:s13] =	ssyncadd.s32 $0xFFFFDC00;
	s22 =	sadd.s32 $0x48000, s22  }
0x39: {  	[spmem:s4] =	stream.linear.scatter [tilespmem:s12], [sflag:$0x1], $0x4800, $0x38;
	[tilespmem:$0x1F800] =	vst v63  }
0x3a: {  	s23 =	smov.u32 s21;
	s21 =	sadd.s32 $0x12000, s21;
	_ =	swait.ge [sflag:s13], $0x4800  }
0x3b: {  	[sflag:s13] =	ssyncset.done $0x0  }
0x3c: {  	[sflag:s13] =	ssyncadd.s32 $0xFFFFB800  }
0x3d: {  	[spmem:s6] =	stream.linear.scatter [tilespmem:s12], [sflag:$0x1], $0x4800, $0x38;
	[tilespmem:$0x1F800] =	vst v63  }
0x3e: {  	_ =	swait.ge [sflag:s13], $0x4800  }
0x3f: {  	[sflag:s13] =	ssyncset.done $0x0  }
0x40: {  	[sflag:s13] =	ssyncadd.s32 $0xFFFFB800  }
0x41: {  	[spmem:s7] =	stream.linear.scatter [tilespmem:s12], [sflag:$0x1], $0x4800, $0x38;
	[tilespmem:$0x1F800] =	vst v63  }
0x42: {  	_ =	swait.ge [sflag:s13], $0x4800  }
0x43: {  	[sflag:s13] =	ssyncset.done $0x0  }
0x44: {  	[sflag:s13] =	ssyncadd.s32 $0xFFFFB800  }
0x45: {  	[spmem:s8] =	stream.linear.scatter [tilespmem:s12], [sflag:$0x1], $0x4800, $0x38;
	[tilespmem:$0x1F800] =	vst v63  }
0x46: {  	_ =	swait.ge [sflag:s13], $0x4800  }
0x47: {  	[sflag:s13] =	ssyncset.done $0x0  }
0x48: {  	[sflag:s13] =	ssyncadd.s32 $0xFFFFB800  }
0x49: {  	s24 =	sadd.s32 s23, s11;
	[bflag:$0x0] =	sbarrier.arrive $0xFFFF  }
0x4a: {  	[tilespmem:s3], [sflag:$0x1] =	stream.strided.gather [hbm4b:s24+s14], $0x4800, s15, s14, $0x38;
	[tilespmem:$0x1F800] =	vst v63  }
0x4b: {  	_ =	swait.ge [sflag:s13], $0x4800  }
0x4c: {  	[sflag:s13] =	ssyncset.done $0x0  }
0x4d: {  	s23 =	sadd.s32 s23, s10;
	[sflag:s13] =	ssyncadd.s32 $0xFFFFB800  }
0x4e: {  	[tilespmem:s16], [sflag:$0x1] =	stream.strided.gather [hbm4b:s23+s14], $0x4800, s15, s14, $0x38;
	[tilespmem:$0x1F800] =	vst v63  }
0x4f: {  	_ =	swait.ge [sflag:s13], $0x4800  }
0x50: {  	[sflag:s13] =	ssyncset.done $0x0  }
0x51: {  	[sflag:s13] =	ssyncadd.s32 $0xFFFFB800  }
0x52: {  	[spmem:s2] =	stream.indirect.scatter.add.f32 [tilespmem:s16], [sflag:$0x1], $0x1, s3, s16, $0xb8;
	[tilespmem:$0x1F800] =	vst v63  }
0x53: {  	_ =	swait.ge [sflag:s13], $0x4800  }
0x54: {  	[sflag:s13] =	ssyncset.done $0x0  }
.Ltmp1:
0x55: {  	[sflag:s13] =	ssyncadd.s32 $0xFFFFB800;
	(pc) =	sbr.rel @p0 .LBB2_4-.Ltmp1, $4  }
0x56: {  	[bflag:$0x0] =	sbarrier.arrive $0xFFFF  }
0x57: {  	[hbm:s22@s14], [sflag:s17] =	dma.strided [spmem:s18@s19], $0x2400, s13, $0x10   }
0x58: {  	_ =	swait.ge [sflag:s13], $0x2400  }
0x59: {  	[sflag:s13] =	ssyncset.done $0x0  }
0x5a: {  	s20 =	sadd.s32 $0x1, s20  }
0x5b: {  	p0 =	sne.s32 s20, s5  }
.Ltmp2:
0x5c: {  	_ = 	snop;
	(pc) =	sbr.rel @p0 .LBB2_1-.Ltmp2, $2  }
0x5d: {  	_ =	sdelay $0x2  }
0x5e: {  	[sflag:s13] =	ssyncadd.s32 $0xFFFFDC00  }
0x5f: {  	_ =	sfence.sel $0x180000  }
0x60: {  	[bflag:$0x0] =	sbarrier.arrive $0xFFFF  }
0x61: {  	p0 =	sne.s32 s0, $0x0;
	_ =	strace $0x90000050  }
0x62: {  	s0 =	sadd.s32 @!p0 $0x100000, s1;
	[bflag:$0x2] =	sbarrier.arrive $0xFFFF  }
0x63: {  	[sflag:s0] =	ssyncadd.tile.s32 @!p0 $0x1;
	_ =	shalt  }
.Lfunc_end2:
_tile_overlayer_lowered:
.L_overlay_start_2:
0x64: {  	(tag) =	ssettag $0x2  }
0x65: {  	s0 =	rddreg [dreg:$0x0];
	s2 =	stileid.u32  }
0x66: {  	s1 =	rddreg [dreg:$0x1];
	p0 =	sne.s32 s2, $0x0  }
0x67: {  	s3 =	rddreg [dreg:$0x2];
	[bflag:$0x3] =	sbarrier.arrive $0xFFFF;
	s2 =	simm.s32 @!p0 $0x1C01  }
0x68: {  	[timem:s3], [sflag:s2] =	dma.local @!p0 [hbm:s0], s1  }
0x69: {  	s0 =	simm.s32 @!p0 $0x1  }
0x6a: {  	_ =	swait.ge @!p0 [sflag:s0], s1  }
0x6b: {  	s1 =	ssub.s32 @!p0 $0x0, s1;
	[sflag:s0] =	ssyncset.done @!p0 $0x0  }
0x6c: {  	[sflag:s0] =	ssyncadd.s32 @!p0 s1  }
0x6d: {  	[bflag:$0x3] =	sbarrier.arrive $0xFFFF  }
0x6e: {  	_ =	shalt  }

// kernel: sparse-core-data-format-call.1.cloned.1.call-start
scs
called_computation.1_lowered:
.L_overlay_start_0:
0x0: {  	s2 =	sld [smem:$0x3FD9]  }
0x1: {  	s3 =	sld [smem:$0x3FFE];
	_ =	sdelay $0x1  }
0x2: {  	s1 =	srdreg.scid  }
0x3: {  	s0 =	sand.u32 $0x1, s1  }
0x4: {  	s18 =	sshll.u32 s0, $0xA;
	s2 =	sadd.s32 s3, s2  }
0x5: {  	s2 =	sadd.s32 s2, s18  }
0x6: {  	[smem:$0x3FC6] =	sst s2  }
0x7: {  	_ = 	snop  }
0x8: {  	(tm) =	ssettm $0x1  }
0x9: {  	s19 =	sld [smem:$0x3FFB];
	_ =	sdelay $0x3  }
0xa: {  	_ =	strace s19  }
0xb: {  	s2 =	sld [smem:$0x3FFC];
	_ =	sdelay $0x3  }
0xc: {  	_ =	strace s2  }
0xd: {  	s2 =	sld [smem:$0x3FFD];
	_ =	sdelay $0x3  }
0xe: {  	_ =	strace s2  }
0xf: {  	_ =	strace $0x8FFFFFFF  }
0x10: {  	s20 =	sld [smem:$0x3FDB];
	_ =	sdelay $0x1  }
0x11: {  	s21 =	simm.s32 $_scs_section_size  }
0x12: {  	s4 =	simm.s32 $_size__tile_overlayer_lowered;
	s5 =	simm.s32 $_tile_overlayer_lowered  }
0x13: {  	s6 =	simm.s32 $0x1BFF;
	s22 =	sshll.u32 s5, $0x1;
	s3 =	sadd.s32 s21, s20  }
0x14: {  	s23 =	simm.s32 $0x0;
	s4 =	sshll.u32 s4, $0x1;
	s5 =	sadd.s32 s22, s3  }
0x15: {  	[timem:s23], [sflag:s6] =	dma.local [hbm:s5], s4  }
0x16: {  	_ =	swait.ge [sflag:s6], s4  }
0x17: {  	s4 =	ssub.s32 $0x0, s4;
	[sflag:s6] =	ssyncset.done $0x0  }
0x18: {  	[sflag:s6] =	ssyncadd.s32 s4;
	_ =	sdelay $0x1  }
0x19: {  	s24 =	simm.s32 $0x1B8B  }
0x1a: {  	_ =	swait.ge [sflag:s24], $0x1  }
0x1b: {  	[sflag:s24] =	ssyncset.done $0x0  }
0x1c: {  	[sflag:s24] =	ssyncadd.s32 $0xFFFFFFFF  }
0x1d: {  	s4 =	sld [smem:$0x0]  }
0x1e: {  	s5 =	sand.u32 $0xFFFFFFFE, s1  }
0x1f: {  	p0 =	sne.s32 s1, s5  }
0x20: {  	s5 =	sshll.u32 @p0 s5, $0xE  }
0x21: {  	s5 =	sadd.s32 @p0 $0x11B8D, s5;
	s6 =	sshll.u32 @p0 s4, $0x11  }
0x22: {  	s5 =	sor.u32 @p0 s6, s5  }
0x23: {  	[sflag:s5] =	ssyncadd.remote.s32 @p0 $0x1;
	_ =	sdelay $0x1  }
0x24: {  	s5 =	simm.s32 @p0 $0x1B8D  }
0x25: {  	_ =	swait.eq @p0 [sflag:s5], $0x1  }
0x26: {  	[sflag:s5] =	ssyncadd.s32 @p0 $0xFFFFFFFF  }
0x27: {  	s6 =	sshll.u32 @!p0 s1, $0xE  }
0x28: {  	s6 =	sor.u32 @!p0 $0x4000, s6;
	s5 =	simm.s32 @!p0 $0x1B8D  }
0x29: {  	s4 =	sshll.u32 @!p0 s4, $0x11;
	s6 =	sadd.s32 @!p0 $0x11B8D, s6;
	_ =	swait.eq @!p0 [sflag:s5], $0x1  }
0x2a: {  	s4 =	sor.u32 @!p0 s4, s6;
	[sflag:s5] =	ssyncadd.s32 @!p0 $0xFFFFFFFF  }
0x2b: {  	s26 =	simm.s32 $0x1B8E;
	s25 =	sld [smem:$0x3FFE];
	[sflag:s4] =	ssyncadd.remote.s32 @!p0 $0x1  }
0x2c: {  	s27 =	simm.s32 $execute0_lowered;
	[smem:$0x3FD2] =	sst s26  }
0x2d: {  	s5 =	sshll.u32 s27, $0x1;
	_ =	strace $0x80000055;
	[dreg:$0x1] =	wrdreg $0xFFFFFFFF  }
0x2e: {  	s28 =	simm.s32 $_size_execute0_lowered;
	s3 =	sadd.s32 s3, s5;
	[dreg:$0x0] =	wrdreg $0x0  }
0x2f: {  	s5 =	sshll.u32 s28, $0x1;
	[dreg:$0x2] =	wrdreg s3  }
0x30: {  	[dreg:$0x3] =	wrdreg s5  }
0x31: {  	[dreg:$0x4] =	wrdreg $0xC0  }
0x32: {  	_ =	task [dreg:s23], $0x5FFFF  }
0x33: {  	[dreg:$0x1] =	wrdreg $0xFFFFFFFF  }
0x34: {  	[dreg:$0x0] =	wrdreg $0x60  }
0x35: {  	[dreg:$0x2] =	wrdreg s25  }
0x36: {  	[dreg:$0x3] =	wrdreg $0xB  }
0x37: {  	_ =	task.clear_ibuf [dreg:s23], $0x4FFFF;
	_ =	strace $0x90000055  }
0x38: {  	s29 =	simm.s32 $0xB;
	_ =	strace $0x80000057  }
0x39: {  	_ =	swait.ge [sflag:s29], $0x1  }
0x3a: {  	[sflag:s29] =	ssyncadd.s32 $0xFFFFFFFF  }
0x3b: {  	_ =	strace $0x90000057  }
0x3c: {  	_ =	sfence  }
0x3d: {  	s30 =	sld [smem:$0x0];
	_ =	sdelay $0x2  }
0x3e: {  	s31 =	sshll.u32 s1, $0xD;
	s1 =	sshrl.u32 s1, $0x2  }
0x3f: {  	s4 =	sand.u32 $0x4000, s31;
	s1 =	sadd.s32 s1, s30  }
0x40: {  	s0 =	sor.u32 s4, s0;
	s1 =	sshll.u32 s1, $0x11  }
0x41: {  	s0 =	sor.u32 s1, s0  }
0x42: {  	s0 =	sadd.s32 $0x8F2B, s0  }
0x43: {  	[sflag:s0] =	ssyncadd.remote.s32 $0x1  }
0x44: {  	_ =	sfence.sel $0xFFFF  }
0x45: {  	[dreg:$0x0] =	wrdreg $0xFFFFFFFF;
	(pc) =	sbr.abs _section_cstart, $3  }
0x46: {  	[dreg:$0x1] =	wrdreg $0xFFFFFFFF  }
0x47: {  	_ =	task.clear_ibuf [dreg:s23], $0x2FFFF;
	_ =	strace $0x9FFFFFFF  }
0x48: {  	(tm) =	ssettm $0x7FFFFFFF  }
0x49: {  	_ =	shalt  }
tec
execute0_lowered:
.L_overlay_start_1:
0x0: {  	(tag) =	ssettag $0x1  }
0x1: {  	s1 =	rddreg [dreg:$0x0]  }
0x2: {  	s0 =	rddreg [dreg:$0x1];
	_ =	strace $0x80000056  }
0x3: {  	s4 =	srdreg.scid;
	s6 =	simm.s32 $0x2;
	s12 =	simm.s32 $0x0  }
0x4: {  	p0 =	por $0x0, $0x0;
	s13 =	simm.s32 $0x0;
	s8 =	simm.s32 $0x0  }
.Ltmp0:
0x5: {  	s9 =	simm.s32 $0x0;
	s10 =	simm.s32 $0x0;
	(pc) =	sbr.rel .LBB1_1-.Ltmp0, $4  }
0x6: {  	s2 =	sadd.s32 $0xAB3000, s1;
	s3 =	sadd.s32 $0x1B3000, s1;
	s4 =	sshll.u32 s4, $0x4  }
0x7: {  	s1 =	stileid.u32;
	s5 =	sand.u32 $0x10, s4;
	s4 =	simm.s32 $0x1  }
0x8: {  	s7 =	simm.s32 $0x0;
	s5 =	sor.u32 s1, s5;
	[sflag:s4] =	ssyncpa.u1 $0x0  }
0x9: {  	[sflag:s6] =	ssyncpa.u1 $0x0;
	s6 =	simm.s32 $0xC00;
	s11 =	smov.u32 s5  }
.LBB1_5:
0xa: {  	p1 =	slt.u32 s7, $0x2  }
0xb: {  	s15 =	smov.u32 s13;
	p2 =	sgt.s32 @!p1 s13, $0x17F;
	s14 =	sshra.s32 @!p1 s13, $0x1F  }
0xc: {  	p3 =	sgt.s32 @!p1 s12, $0x100;
	s16 =	sshra.s32 @!p1 s12, $0x1F;
	p2 =	por !p2, p1  }
0xd: {  	s13 =	sand.u32 @!p1 s14, s13;
	p3 =	por !p3, p1;
	s14 =	smov.u32 s12  }
0xe: {  	s12 =	sand.u32 @!p1 s16, s12;
	s15 =	simm.s32 @p2 $0x17F;
	s14 =	simm.s32 @p3 $0x100  }
0xf: {  	s16 =	smov.u32 s11;
	s13 =	ssub.s32 @!p1 s15, s13;
	s12 =	ssub.s32 @!p1 s14, s12  }
0x10: {  	s14 =	sadd.s32 @!p1 $0xFFFFFE81, s13;
	s13 =	ssub.s32 @!p1 $0x180, s13;
	s15 =	sadd.s32 @!p1 $0xFFFFFF00, s12  }
0x11: {  	p2 =	sgt.s32 @!p1 s14, $0x0;
	s13 =	smul.u32 @!p1 $0x60, s13;
	p3 =	sgt.s32 @!p1 s15, $0x7F  }
0x12: {  	s12 =	ssub.s32 @!p1 $0x180, s12;
	p2 =	por !p2, p1;
	p3 =	por !p3, p1  }
0x13: {  	s14 =	sadd.s32 $0x80, s10;
	s13 =	simm.s32 @!p2 $0x0;
	s12 =	simm.s32 @!p3 $0x0  }
0x14: {  	p2 =	sgt.s32 s14, $0x17F;
	s12 =	smul.u32 @!p1 s12, s13;
	s13 =	sadd.s32 $0x20, s11  }
0x15: {  	s16 =	smov.u32 @p2 s13  }
0x16: {  	s7 =	sadd.s32 $0x1, s7;
	s14 =	simm.s32 @p2 $0x0;
	p2 =	sgt.s32 s16, $0x17F  }
0x17: {  	s16 =	smov.u32 @p2 s5;
	p2 =	sne.s32 s7, $0x26  }
.Ltmp1:
0x18: {  	p0 =	por !p0, !p0;
	(pc) =	sbr.rel @!p2 .LBB1_6-.Ltmp1, $4  }
0x19: {  	s15 =	simm.s32 @!p1 $0x2;
	s13 =	smov.u32 s9;
	s12 =	sand.u32 @!p1 $0x3FFFFFE0, s12  }
0x1a: {  	s9 =	smov.u32 s11;
	_ =	swait.ge @!p1 [sflag:s15], s12;
	s17 =	ssub.s32 @!p1 $0x0, s12  }
0x1b: {  	s12 =	smov.u32 s8;
	s8 =	smov.u32 s10;
	[sflag:s15] =	ssyncset.done @!p1 $0x0  }
0x1c: {  	s10 =	smov.u32 s14;
	s11 =	smov.u32 s16;
	[sflag:s15] =	ssyncadd.s32 @!p1 s17  }
.LBB1_1:
0x1d: {  	p1 =	sgt.u32 s7, $0x23  }
0x1e: {  	s14 =	sand.u32 @!p1 $0x1FFFFFF, s10  }
0x1f: {  	s15 =	smulhi.u32 @!p1 $0xAAAAAB, s14;
	_ =	sdelay $0x1  }
0x20: {  	s15 =	smul.u32 @!p1 $0x180, s15  }
0x21: {  	s16 =	smul.u32 @!p1 $0x1800, s11  }
0x22: {  	s14 =	ssub.s32 @!p1 s14, s15;
	s15 =	sxor.u32 @!p1 $0xFFFFFFFF, s7  }
0x23: {  	s16 =	sadd.s32 @!p1 s2, s16;
	s15 =	sshll.u32 @!p1 s15, $0xE;
	s14 =	sshll.u32 @!p1 s14, $0x4  }
0x24: {  	s15 =	sand.u32 @!p1 $0x4000, s15;
	s14 =	sadd.s32 @!p1 s14, s16;
	s16 =	simm.s32 @!p1 $0x0  }
0x25: {  	[tilespmem:s15], [sflag:$0x1] =	stream.linear.gather @!p1 [hbm4b:s14+s16], $0x4000, $0x38;
	[tilespmem:$0x10100] =	vst v63  }
0x26: {  	p1 =	seq.s32 s7, $0x0  }
0x27: {  	p2 =	seq.s32 @!p1 s7, $0x25  }
0x28: {  	p1 =	por p1, p2  }
.Ltmp2:
0x29: {  	_ = 	snop;
	(pc) =	sbr.rel @p1 .LBB1_5-.Ltmp2, $1  }
0x2a: {  	_ =	sdelay $0x3  }
0x2b: {  	s14 =	simm.s32 $0x1  }
0x2c: {  	_ =	swait.ge [sflag:s4], $0x4000;
	s14 =	simm.s32 @!p0 $0x0  }
0x2d: {  	[sflag:s4] =	ssyncset.done $0x0;
	s15 =	sshll.u32 s14, $0xE  }
0x2e: {  	[sflag:s4] =	ssyncadd.s32 $0xFFFFC000;
	s15 =	sor.u32 $0x40, s15  }
0x2f: {  	s14 =	smul.u32 $0x10200, s14;
	v0 =	vld [tilespmem:s15+$0x30]  }
0x30: {  	v1 =	vld [tilespmem:s15+$0xFFFFFFD0]  }
0x31: {  	s14 =	sshrl.u32 s14, $0x2;
	v5 =	vld [tilespmem:s15+$0xFFFFFFE0]  }
0x32: {  	v6 =	vld [tilespmem:s15+$0xFFFFFFF0];
	s17 =	sor.u32 $0x8000, s14  }
0x33: {  	s31 =	sand.u32 $0x1, s7;
	v4 =	vld [tilespmem:s15+$0x0];
	s16 =	sadd.s32 $0x0, s17  }
0x34: {  	v3 =	vld [tilespmem:s15+$0x10];
	s14 =	smul.u32 $0x10200, s31;
	[tilespmem:s16+$0x3870 ss:$0x81] =	vst.msk $0xffff, v0  }
0x35: {  	v2 =	vld [tilespmem:s15+$0x20];
	[tilespmem:s16+$0x810 ss:$0x81] =	vst.msk $0xffff, v1  }
0x36: {  	s14 =	sshrl.u32 s14, $0x2;
	v1 =	vld [tilespmem:s15+$0xFFFFFFC0];
	[tilespmem:s16+$0x1020 ss:$0x81] =	vst.msk $0xffff, v5;
	s15 =	sadd.s32 $0x80, s15  }
0x37: {  	s18 =	simm.s32 $0x4;
	s19 =	simm.s32 $0x8;
	s14 =	sor.u32 $0x8000, s14;
	[tilespmem:s16+$0x1830 ss:$0x81] =	vst.msk $0xffff, v6;
	v0 =	vld [tilespmem:s15+$0x30]  }
.LBB1_3:
0x38: {  	p1 =	sne.s32 s19, $0x1FC;
	v5 =	vld [tilespmem:s15+$0xFFFFFFD0];
	[tilespmem:s16+$0x2040 ss:$0x81] =	vst.msk $0xffff, v4  }
0x39: {  	v6 =	vld [tilespmem:s15+$0xFFFFFFE0];
	[tilespmem:s16+$0x2850 ss:$0x81] =	vst.msk $0xffff, v3  }
0x3a: {  	s20 =	sshra.s32 s18, $0x2;
	s18 =	smov.u32 s19;
	v7 =	vld [tilespmem:s15+$0xFFFFFFF0];
	[tilespmem:s16+$0x3060 ss:$0x81] =	vst.msk $0xffff, v2  }
.Ltmp3:
0x3b: {  	v4 =	vld [tilespmem:s15+$0x0];
	[tilespmem:s16+$0x0 ss:$0x81] =	vst.msk $0xffff, v1;
	s16 =	sadd.s32 s20, s17;
	(pc) =	sbr.rel @p1 .LBB1_3-.Ltmp3, $4  }
0x3c: {  	v3 =	vld [tilespmem:s15+$0x10];
	[tilespmem:s16+$0x3870 ss:$0x81] =	vst.msk $0xffff, v0  }
0x3d: {  	[tilespmem:s16+$0x810 ss:$0x81] =	vst.msk $0xffff, v5;
	v2 =	vld [tilespmem:s15+$0x20]  }
0x3e: {  	v1 =	vld [tilespmem:s15+$0xFFFFFFC0];
	[tilespmem:s16+$0x1020 ss:$0x81] =	vst.msk $0xffff, v6;
	s15 =	sadd.s32 $0x80, s15  }
0x3f: {  	s19 =	sadd.s32 $0x4, s19;
	v0 =	vld [tilespmem:s15+$0x30];
	[tilespmem:s16+$0x1830 ss:$0x81] =	vst.msk $0xffff, v7  }
0x40: {  	s19 =	sshll.u32 s8, $0x3;
	s20 =	sand.u32 $0x7F, s8;
	s18 =	sshra.s32 s18, $0x2  }
0x41: {  	p1 =	sgt.s32 s9, $0x17F;
	s22 =	smov.u32 s9;
	s23 =	sshra.s32 s9, $0x1F  }
0x42: {  	s31 =	sshra.s32 s8, $0x1F;
	s27 =	smul.u32 $0x1200, s9;
	s19 =	sand.u32 $0xFFFFFC00, s19  }
0x43: {  	s22 =	simm.s32 @!p1 $0x17F;
	s20 =	sor.u32 s20, s19;
	s19 =	smulhi.u32 $0xAAAAAAAB, s19  }
0x44: {  	v5 =	vld [tilespmem:s15+$0xFFFFFFD0];
	[tilespmem:s16+$0x2040 ss:$0x81] =	vst.msk $0xffff, v4;
	s23 =	sand.u32 s23, s9;
	s17 =	sadd.s32 s18, s17;
	p1 =	sgt.s32 s8, $0x100  }
0x45: {  	v58 =	vld [tilespmem:s15+$0xFFFFFFE0];
	[tilespmem:s16+$0x2850 ss:$0x81] =	vst.msk $0xffff, v3;
	s28 =	ssub.s32 s22, s23;
	s21 =	smulhi.u32 $0xAAAAAAAB, s20;
	s19 =	sshrl.u32 s19, $0x8  }
0x46: {  	v59 =	vld [tilespmem:s15+$0xFFFFFFF0];
	s18 =	smov.u32 s8;
	[tilespmem:s16+$0x3060 ss:$0x81] =	vst.msk $0xffff, v2;
	s30 =	ssub.s32 $0x180, s28;
	s24 =	smulhi.u32 $0x2AAAAAB, s19  }
0x47: {  	v60 =	vld [tilespmem:s15+$0x0];
	s18 =	simm.s32 @!p1 $0x100;
	s23 =	sadd.s32 $0xFFFFFE81, s28;
	[tilespmem:s16+$0x0 ss:$0x81] =	vst.msk $0xffff, v1;
	s16 =	smul.u32 $0x60, s30  }
0x48: {  	v61 =	vld [tilespmem:s15+$0x10];
	[tilespmem:s17+$0x3870 ss:$0x81] =	vst.msk $0xffff, v0;
	s21 =	sshrl.u32 s21, $0x8;
	s29 =	smul.u32 $0x60, s24;
	s24 =	sand.u32 s31, s8  }
0x49: {  	v62 =	vld [tilespmem:s15+$0x20];
	p1 =	sgt.s32 s23, $0x0;
	[tilespmem:s17+$0x810 ss:$0x81] =	vst.msk $0xffff, v5;
	s21 =	smul.u32 $0x180, s21;
	s18 =	ssub.s32 s18, s24  }
0x4a: {  	v63 =	vld [tilespmem:s15+$0xFFFFFFC0];
	[tilespmem:s17+$0x1020 ss:$0x81] =	vst.msk $0xffff, v58;
	s16 =	simm.s32 @p1 $0x0;
	s25 =	ssub.s32 s19, s29;
	s26 =	sadd.s32 $0xFFFFFF00, s18  }
0x4b: {  	[tilespmem:s17+$0x1830 ss:$0x81] =	vst.msk $0xffff, v59;
	s18 =	ssub.s32 $0x180, s18;
	p1 =	sgt.s32 s26, $0x7F;
	s15 =	smul.u32 $0x30, s25  }
.Ltmp4:
0x4c: {  	[tilespmem:s17+$0x2040 ss:$0x81] =	vst.msk $0xffff, v60;
	s20 =	ssub.s32 s20, s21;
	s18 =	simm.s32 @p1 $0x0;
	(pc) =	sbr.rel .LBB1_5-.Ltmp4, $4  }
0x4d: {  	s28 =	sadd.s32 s3, s27;
	[tilespmem:s17+$0x2850 ss:$0x81] =	vst.msk $0xffff, v61;
	s29 =	sand.u32 $0x7, s20;
	s16 =	smul.u32 s18, s16  }
0x4e: {  	[tilespmem:s17+$0x3060 ss:$0x81] =	vst.msk $0xffff, v62;
	s30 =	sshrl.u32 s20, $0x3;
	s19 =	sshll.u32 s29, $0x12;
	s15 =	sadd.s32 s15, s28  }
0x4f: {  	[tilespmem:s17+$0x0 ss:$0x81] =	vst.msk $0xffff, v63;
	s31 =	sor.u32 $0x400, s19;
	s15 =	sadd.s32 s30, s15;
	s16 =	sand.u32 $0x3FFFFFE0, s16  }
0x50: {  	[hbm4b:s15+s31] =	stream.strided.scatter [tilespmem:s14], [sflag:$0x2], s16, s6, s31, $0x20;
	[tilespmem:$0x10100] =	vst v63  }
.LBB1_6:
0x51: {  	_ =	sfence.sel $0x180000  }
0x52: {  	s2 =	simm.s32 $0x1;
	[bflag:$0x0] =	sbarrier.arrive $0xFFFF  }
0x53: {  	s31 =	simm.s32 $0x2;
	[sflag:s2] =	ssyncpa.u1 $0x1  }
0x54: {  	[sflag:s31] =	ssyncpa.u1 $0x1  }
0x55: {  	p0 =	sne.s32 s1, $0x0;
	_ =	strace $0x90000056  }
0x56: {  	s0 =	sadd.s32 @!p0 $0x100000, s0;
	[bflag:$0x2] =	sbarrier.arrive $0xFFFF  }
0x57: {  	[sflag:s0] =	ssyncadd.tile.s32 @!p0 $0x1;
	_ =	shalt  }
.Lfunc_end1:
_tile_overlayer_lowered:
.L_overlay_start_2:
0x58: {  	(tag) =	ssettag $0x2  }
0x59: {  	s0 =	rddreg [dreg:$0x0];
	s2 =	stileid.u32  }
0x5a: {  	s1 =	rddreg [dreg:$0x1];
	p0 =	sne.s32 s2, $0x0  }
0x5b: {  	s3 =	rddreg [dreg:$0x2];
	[bflag:$0x3] =	sbarrier.arrive $0xFFFF;
	s2 =	simm.s32 @!p0 $0x1C01  }
0x5c: {  	[timem:s3], [sflag:s2] =	dma.local @!p0 [hbm:s0], s1  }
0x5d: {  	s0 =	simm.s32 @!p0 $0x1  }
0x5e: {  	_ =	swait.ge @!p0 [sflag:s0], s1  }
0x5f: {  	s1 =	ssub.s32 @!p0 $0x0, s1;
	[sflag:s0] =	ssyncset.done @!p0 $0x0  }
0x60: {  	[sflag:s0] =	ssyncadd.s32 @!p0 s1  }
0x61: {  	[bflag:$0x3] =	sbarrier.arrive $0xFFFF  }
0x62: {  	_ =	shalt  }

// kernel: sparse-core-data-format-call.2.cloned.1.call-start
scs
called_computation.2_lowered:
.L_overlay_start_0:
0x0: {  	s2 =	sld [smem:$0x3FD9]  }
0x1: {  	s3 =	sld [smem:$0x3FFE];
	_ =	sdelay $0x1  }
0x2: {  	s1 =	srdreg.scid  }
0x3: {  	s0 =	sand.u32 $0x1, s1  }
0x4: {  	s18 =	sshll.u32 s0, $0xA;
	s2 =	sadd.s32 s3, s2  }
0x5: {  	s2 =	sadd.s32 s2, s18  }
0x6: {  	[smem:$0x3FC6] =	sst s2  }
0x7: {  	_ = 	snop  }
0x8: {  	(tm) =	ssettm $0x1  }
0x9: {  	s19 =	sld [smem:$0x3FFB];
	_ =	sdelay $0x3  }
0xa: {  	_ =	strace s19  }
0xb: {  	s2 =	sld [smem:$0x3FFC];
	_ =	sdelay $0x3  }
0xc: {  	_ =	strace s2  }
0xd: {  	s2 =	sld [smem:$0x3FFD];
	_ =	sdelay $0x3  }
0xe: {  	_ =	strace s2  }
0xf: {  	_ =	strace $0x8FFFFFFF  }
0x10: {  	s20 =	sld [smem:$0x3FDB];
	_ =	sdelay $0x1  }
0x11: {  	s21 =	simm.s32 $_scs_section_size  }
0x12: {  	s4 =	simm.s32 $_size__tile_overlayer_lowered;
	s5 =	simm.s32 $_tile_overlayer_lowered  }
0x13: {  	s6 =	simm.s32 $0x1BFF;
	s22 =	sshll.u32 s5, $0x1;
	s3 =	sadd.s32 s21, s20  }
0x14: {  	s23 =	simm.s32 $0x0;
	s4 =	sshll.u32 s4, $0x1;
	s5 =	sadd.s32 s22, s3  }
0x15: {  	[timem:s23], [sflag:s6] =	dma.local [hbm:s5], s4  }
0x16: {  	_ =	swait.ge [sflag:s6], s4  }
0x17: {  	s4 =	ssub.s32 $0x0, s4;
	[sflag:s6] =	ssyncset.done $0x0  }
0x18: {  	[sflag:s6] =	ssyncadd.s32 s4;
	_ =	sdelay $0x1  }
0x19: {  	s24 =	simm.s32 $0x1B8B  }
0x1a: {  	_ =	swait.ge [sflag:s24], $0x1  }
0x1b: {  	[sflag:s24] =	ssyncset.done $0x0  }
0x1c: {  	[sflag:s24] =	ssyncadd.s32 $0xFFFFFFFF  }
0x1d: {  	s4 =	sld [smem:$0x0]  }
0x1e: {  	s5 =	sand.u32 $0xFFFFFFFE, s1  }
0x1f: {  	p0 =	sne.s32 s1, s5  }
0x20: {  	s5 =	sshll.u32 @p0 s5, $0xE  }
0x21: {  	s5 =	sadd.s32 @p0 $0x11B8D, s5;
	s6 =	sshll.u32 @p0 s4, $0x11  }
0x22: {  	s5 =	sor.u32 @p0 s6, s5  }
0x23: {  	[sflag:s5] =	ssyncadd.remote.s32 @p0 $0x1;
	_ =	sdelay $0x1  }
0x24: {  	s5 =	simm.s32 @p0 $0x1B8D  }
0x25: {  	_ =	swait.eq @p0 [sflag:s5], $0x1  }
0x26: {  	[sflag:s5] =	ssyncadd.s32 @p0 $0xFFFFFFFF  }
0x27: {  	s6 =	sshll.u32 @!p0 s1, $0xE  }
0x28: {  	s6 =	sor.u32 @!p0 $0x4000, s6;
	s5 =	simm.s32 @!p0 $0x1B8D  }
0x29: {  	s4 =	sshll.u32 @!p0 s4, $0x11;
	s6 =	sadd.s32 @!p0 $0x11B8D, s6;
	_ =	swait.eq @!p0 [sflag:s5], $0x1  }
0x2a: {  	s4 =	sor.u32 @!p0 s4, s6;
	[sflag:s5] =	ssyncadd.s32 @!p0 $0xFFFFFFFF  }
0x2b: {  	s26 =	simm.s32 $0x1B8E;
	s25 =	sld [smem:$0x3FFE];
	[sflag:s4] =	ssyncadd.remote.s32 @!p0 $0x1  }
0x2c: {  	s27 =	simm.s32 $execute0_lowered;
	[smem:$0x3FD2] =	sst s26  }
0x2d: {  	s5 =	sshll.u32 s27, $0x1;
	_ =	strace $0x80000058;
	[dreg:$0x1] =	wrdreg $0xFFFFFFFF  }
0x2e: {  	s28 =	simm.s32 $_size_execute0_lowered;
	s3 =	sadd.s32 s3, s5;
	[dreg:$0x0] =	wrdreg $0x0  }
0x2f: {  	s5 =	sshll.u32 s28, $0x1;
	[dreg:$0x2] =	wrdreg s3  }
0x30: {  	[dreg:$0x3] =	wrdreg s5  }
0x31: {  	[dreg:$0x4] =	wrdreg $0xC0  }
0x32: {  	_ =	task [dreg:s23], $0x5FFFF  }
0x33: {  	[dreg:$0x1] =	wrdreg $0xFFFFFFFF  }
0x34: {  	[dreg:$0x0] =	wrdreg $0x60  }
0x35: {  	[dreg:$0x2] =	wrdreg s25  }
0x36: {  	[dreg:$0x3] =	wrdreg $0xC  }
0x37: {  	_ =	task.clear_ibuf [dreg:s23], $0x4FFFF;
	_ =	strace $0x90000058  }
0x38: {  	s29 =	simm.s32 $0xC;
	_ =	strace $0x8000005A  }
0x39: {  	_ =	swait.ge [sflag:s29], $0x1  }
0x3a: {  	[sflag:s29] =	ssyncadd.s32 $0xFFFFFFFF  }
0x3b: {  	_ =	strace $0x9000005A  }
0x3c: {  	_ =	sfence  }
0x3d: {  	s30 =	sld [smem:$0x0];
	_ =	sdelay $0x2  }
0x3e: {  	s31 =	sshll.u32 s1, $0xD;
	s1 =	sshrl.u32 s1, $0x2  }
0x3f: {  	s4 =	sand.u32 $0x4000, s31;
	s1 =	sadd.s32 s1, s30  }
0x40: {  	s0 =	sor.u32 s4, s0;
	s1 =	sshll.u32 s1, $0x11  }
0x41: {  	s0 =	sor.u32 s1, s0  }
0x42: {  	s0 =	sadd.s32 $0x8F2B, s0  }
0x43: {  	[sflag:s0] =	ssyncadd.remote.s32 $0x1  }
0x44: {  	_ =	sfence.sel $0xFFFF  }
0x45: {  	[dreg:$0x0] =	wrdreg $0xFFFFFFFF;
	(pc) =	sbr.abs _section_cstart, $3  }
0x46: {  	[dreg:$0x1] =	wrdreg $0xFFFFFFFF  }
0x47: {  	_ =	task.clear_ibuf [dreg:s23], $0x2FFFF;
	_ =	strace $0x9FFFFFFF  }
0x48: {  	(tm) =	ssettm $0x7FFFFFFF  }
0x49: {  	_ =	shalt  }
tec
execute0_lowered:
.L_overlay_start_1:
0x0: {  	(tag) =	ssettag $0x1  }
0x1: {  	s1 =	rddreg [dreg:$0x0]  }
0x2: {  	s0 =	rddreg [dreg:$0x1];
	_ =	strace $0x80000059  }
0x3: {  	s4 =	srdreg.scid;
	s6 =	simm.s32 $0x2;
	s12 =	simm.s32 $0x0  }
0x4: {  	p0 =	por $0x0, $0x0;
	s13 =	simm.s32 $0x0;
	s8 =	simm.s32 $0x0  }
.Ltmp0:
0x5: {  	s9 =	simm.s32 $0x0;
	s10 =	simm.s32 $0x0;
	(pc) =	sbr.rel .LBB1_1-.Ltmp0, $4  }
0x6: {  	s2 =	sadd.s32 $0x363000, s1;
	s3 =	sadd.s32 $0xCF3000, s1;
	s4 =	sshll.u32 s4, $0x4  }
0x7: {  	s1 =	stileid.u32;
	s5 =	sand.u32 $0x10, s4;
	s4 =	simm.s32 $0x1  }
0x8: {  	s7 =	simm.s32 $0x0;
	s5 =	sor.u32 s1, s5;
	[sflag:s4] =	ssyncpa.u1 $0x0  }
0x9: {  	[sflag:s6] =	ssyncpa.u1 $0x0;
	s6 =	simm.s32 $0xC00;
	s11 =	smov.u32 s5  }
.LBB1_5:
0xa: {  	p1 =	slt.u32 s7, $0x2  }
0xb: {  	s15 =	smov.u32 s13;
	p2 =	sgt.s32 @!p1 s13, $0x17F;
	s14 =	sshra.s32 @!p1 s13, $0x1F  }
0xc: {  	p3 =	sgt.s32 @!p1 s12, $0x100;
	s16 =	sshra.s32 @!p1 s12, $0x1F;
	p2 =	por !p2, p1  }
0xd: {  	s13 =	sand.u32 @!p1 s14, s13;
	p3 =	por !p3, p1;
	s14 =	smov.u32 s12  }
0xe: {  	s12 =	sand.u32 @!p1 s16, s12;
	s15 =	simm.s32 @p2 $0x17F;
	s14 =	simm.s32 @p3 $0x100  }
0xf: {  	s16 =	smov.u32 s11;
	s13 =	ssub.s32 @!p1 s15, s13;
	s12 =	ssub.s32 @!p1 s14, s12  }
0x10: {  	s14 =	sadd.s32 @!p1 $0xFFFFFE81, s13;
	s13 =	ssub.s32 @!p1 $0x180, s13;
	s15 =	sadd.s32 @!p1 $0xFFFFFF00, s12  }
0x11: {  	p2 =	sgt.s32 @!p1 s14, $0x0;
	s13 =	smul.u32 @!p1 $0x60, s13;
	p3 =	sgt.s32 @!p1 s15, $0x7F  }
0x12: {  	s12 =	ssub.s32 @!p1 $0x180, s12;
	p2 =	por !p2, p1;
	p3 =	por !p3, p1  }
0x13: {  	s14 =	sadd.s32 $0x80, s10;
	s13 =	simm.s32 @!p2 $0x0;
	s12 =	simm.s32 @!p3 $0x0  }
0x14: {  	p2 =	sgt.s32 s14, $0x17F;
	s12 =	smul.u32 @!p1 s12, s13;
	s13 =	sadd.s32 $0x20, s11  }
0x15: {  	s16 =	smov.u32 @p2 s13  }
0x16: {  	s7 =	sadd.s32 $0x1, s7;
	s14 =	simm.s32 @p2 $0x0;
	p2 =	sgt.s32 s16, $0x17F  }
0x17: {  	s16 =	smov.u32 @p2 s5;
	p2 =	sne.s32 s7, $0x26  }
.Ltmp1:
0x18: {  	p0 =	por !p0, !p0;
	(pc) =	sbr.rel @!p2 .LBB1_6-.Ltmp1, $4  }
0x19: {  	s15 =	simm.s32 @!p1 $0x2;
	s13 =	smov.u32 s9;
	s12 =	sand.u32 @!p1 $0x3FFFFFE0, s12  }
0x1a: {  	s9 =	smov.u32 s11;
	_ =	swait.ge @!p1 [sflag:s15], s12;
	s17 =	ssub.s32 @!p1 $0x0, s12  }
0x1b: {  	s12 =	smov.u32 s8;
	s8 =	smov.u32 s10;
	[sflag:s15] =	ssyncset.done @!p1 $0x0  }
0x1c: {  	s10 =	smov.u32 s14;
	s11 =	smov.u32 s16;
	[sflag:s15] =	ssyncadd.s32 @!p1 s17  }
.LBB1_1:
0x1d: {  	p1 =	sgt.u32 s7, $0x23  }
0x1e: {  	s14 =	sand.u32 @!p1 $0x1FFFFFF, s10  }
0x1f: {  	s15 =	smulhi.u32 @!p1 $0xAAAAAB, s14;
	_ =	sdelay $0x1  }
0x20: {  	s15 =	smul.u32 @!p1 $0x180, s15  }
0x21: {  	s16 =	smul.u32 @!p1 $0x1800, s11  }
0x22: {  	s14 =	ssub.s32 @!p1 s14, s15;
	s15 =	sxor.u32 @!p1 $0xFFFFFFFF, s7  }
0x23: {  	s16 =	sadd.s32 @!p1 s2, s16;
	s15 =	sshll.u32 @!p1 s15, $0xE;
	s14 =	sshll.u32 @!p1 s14, $0x4  }
0x24: {  	s15 =	sand.u32 @!p1 $0x4000, s15;
	s14 =	sadd.s32 @!p1 s14, s16;
	s16 =	simm.s32 @!p1 $0x0  }
0x25: {  	[tilespmem:s15], [sflag:$0x1] =	stream.linear.gather @!p1 [hbm4b:s14+s16], $0x4000, $0x38;
	[tilespmem:$0x10100] =	vst v63  }
0x26: {  	p1 =	seq.s32 s7, $0x0  }
0x27: {  	p2 =	seq.s32 @!p1 s7, $0x25  }
0x28: {  	p1 =	por p1, p2  }
.Ltmp2:
0x29: {  	_ = 	snop;
	(pc) =	sbr.rel @p1 .LBB1_5-.Ltmp2, $1  }
0x2a: {  	_ =	sdelay $0x3  }
0x2b: {  	s14 =	simm.s32 $0x1  }
0x2c: {  	_ =	swait.ge [sflag:s4], $0x4000;
	s14 =	simm.s32 @!p0 $0x0  }
0x2d: {  	[sflag:s4] =	ssyncset.done $0x0;
	s15 =	sshll.u32 s14, $0xE  }
0x2e: {  	[sflag:s4] =	ssyncadd.s32 $0xFFFFC000;
	s15 =	sor.u32 $0x40, s15  }
0x2f: {  	s14 =	smul.u32 $0x10200, s14;
	v0 =	vld [tilespmem:s15+$0x30]  }
0x30: {  	v1 =	vld [tilespmem:s15+$0xFFFFFFD0]  }
0x31: {  	s14 =	sshrl.u32 s14, $0x2;
	v5 =	vld [tilespmem:s15+$0xFFFFFFE0]  }
0x32: {  	v6 =	vld [tilespmem:s15+$0xFFFFFFF0];
	s17 =	sor.u32 $0x8000, s14  }
0x33: {  	s31 =	sand.u32 $0x1, s7;
	v4 =	vld [tilespmem:s15+$0x0];
	s16 =	sadd.s32 $0x0, s17  }
0x34: {  	v3 =	vld [tilespmem:s15+$0x10];
	s14 =	smul.u32 $0x10200, s31;
	[tilespmem:s16+$0x3870 ss:$0x81] =	vst.msk $0xffff, v0  }
0x35: {  	v2 =	vld [tilespmem:s15+$0x20];
	[tilespmem:s16+$0x810 ss:$0x81] =	vst.msk $0xffff, v1  }
0x36: {  	s14 =	sshrl.u32 s14, $0x2;
	v1 =	vld [tilespmem:s15+$0xFFFFFFC0];
	[tilespmem:s16+$0x1020 ss:$0x81] =	vst.msk $0xffff, v5;
	s15 =	sadd.s32 $0x80, s15  }
0x37: {  	s18 =	simm.s32 $0x4;
	s19 =	simm.s32 $0x8;
	s14 =	sor.u32 $0x8000, s14;
	[tilespmem:s16+$0x1830 ss:$0x81] =	vst.msk $0xffff, v6;
	v0 =	vld [tilespmem:s15+$0x30]  }
.LBB1_3:
0x38: {  	p1 =	sne.s32 s19, $0x1FC;
	v5 =	vld [tilespmem:s15+$0xFFFFFFD0];
	[tilespmem:s16+$0x2040 ss:$0x81] =	vst.msk $0xffff, v4  }
0x39: {  	v6 =	vld [tilespmem:s15+$0xFFFFFFE0];
	[tilespmem:s16+$0x2850 ss:$0x81] =	vst.msk $0xffff, v3  }
0x3a: {  	s20 =	sshra.s32 s18, $0x2;
	s18 =	smov.u32 s19;
	v7 =	vld [tilespmem:s15+$0xFFFFFFF0];
	[tilespmem:s16+$0x3060 ss:$0x81] =	vst.msk $0xffff, v2  }
.Ltmp3:
0x3b: {  	v4 =	vld [tilespmem:s15+$0x0];
	[tilespmem:s16+$0x0 ss:$0x81] =	vst.msk $0xffff, v1;
	s16 =	sadd.s32 s20, s17;
	(pc) =	sbr.rel @p1 .LBB1_3-.Ltmp3, $4  }
0x3c: {  	v3 =	vld [tilespmem:s15+$0x10];
	[tilespmem:s16+$0x3870 ss:$0x81] =	vst.msk $0xffff, v0  }
0x3d: {  	[tilespmem:s16+$0x810 ss:$0x81] =	vst.msk $0xffff, v5;
	v2 =	vld [tilespmem:s15+$0x20]  }
0x3e: {  	v1 =	vld [tilespmem:s15+$0xFFFFFFC0];
	[tilespmem:s16+$0x1020 ss:$0x81] =	vst.msk $0xffff, v6;
	s15 =	sadd.s32 $0x80, s15  }
0x3f: {  	s19 =	sadd.s32 $0x4, s19;
	v0 =	vld [tilespmem:s15+$0x30];
	[tilespmem:s16+$0x1830 ss:$0x81] =	vst.msk $0xffff, v7  }
0x40: {  	s19 =	sshll.u32 s8, $0x3;
	s20 =	sand.u32 $0x7F, s8;
	s18 =	sshra.s32 s18, $0x2  }
0x41: {  	p1 =	sgt.s32 s9, $0x17F;
	s22 =	smov.u32 s9;
	s23 =	sshra.s32 s9, $0x1F  }
0x42: {  	s31 =	sshra.s32 s8, $0x1F;
	s27 =	smul.u32 $0x1200, s9;
	s19 =	sand.u32 $0xFFFFFC00, s19  }
0x43: {  	s22 =	simm.s32 @!p1 $0x17F;
	s20 =	sor.u32 s20, s19;
	s19 =	smulhi.u32 $0xAAAAAAAB, s19  }
0x44: {  	v5 =	vld [tilespmem:s15+$0xFFFFFFD0];
	[tilespmem:s16+$0x2040 ss:$0x81] =	vst.msk $0xffff, v4;
	s23 =	sand.u32 s23, s9;
	s17 =	sadd.s32 s18, s17;
	p1 =	sgt.s32 s8, $0x100  }
0x45: {  	v58 =	vld [tilespmem:s15+$0xFFFFFFE0];
	[tilespmem:s16+$0x2850 ss:$0x81] =	vst.msk $0xffff, v3;
	s28 =	ssub.s32 s22, s23;
	s21 =	smulhi.u32 $0xAAAAAAAB, s20;
	s19 =	sshrl.u32 s19, $0x8  }
0x46: {  	v59 =	vld [tilespmem:s15+$0xFFFFFFF0];
	s18 =	smov.u32 s8;
	[tilespmem:s16+$0x3060 ss:$0x81] =	vst.msk $0xffff, v2;
	s30 =	ssub.s32 $0x180, s28;
	s24 =	smulhi.u32 $0x2AAAAAB, s19  }
0x47: {  	v60 =	vld [tilespmem:s15+$0x0];
	s18 =	simm.s32 @!p1 $0x100;
	s23 =	sadd.s32 $0xFFFFFE81, s28;
	[tilespmem:s16+$0x0 ss:$0x81] =	vst.msk $0xffff, v1;
	s16 =	smul.u32 $0x60, s30  }
0x48: {  	v61 =	vld [tilespmem:s15+$0x10];
	[tilespmem:s17+$0x3870 ss:$0x81] =	vst.msk $0xffff, v0;
	s21 =	sshrl.u32 s21, $0x8;
	s29 =	smul.u32 $0x60, s24;
	s24 =	sand.u32 s31, s8  }
0x49: {  	v62 =	vld [tilespmem:s15+$0x20];
	p1 =	sgt.s32 s23, $0x0;
	[tilespmem:s17+$0x810 ss:$0x81] =	vst.msk $0xffff, v5;
	s21 =	smul.u32 $0x180, s21;
	s18 =	ssub.s32 s18, s24  }
0x4a: {  	v63 =	vld [tilespmem:s15+$0xFFFFFFC0];
	[tilespmem:s17+$0x1020 ss:$0x81] =	vst.msk $0xffff, v58;
	s16 =	simm.s32 @p1 $0x0;
	s25 =	ssub.s32 s19, s29;
	s26 =	sadd.s32 $0xFFFFFF00, s18  }
0x4b: {  	[tilespmem:s17+$0x1830 ss:$0x81] =	vst.msk $0xffff, v59;
	s18 =	ssub.s32 $0x180, s18;
	p1 =	sgt.s32 s26, $0x7F;
	s15 =	smul.u32 $0x30, s25  }
.Ltmp4:
0x4c: {  	[tilespmem:s17+$0x2040 ss:$0x81] =	vst.msk $0xffff, v60;
	s20 =	ssub.s32 s20, s21;
	s18 =	simm.s32 @p1 $0x0;
	(pc) =	sbr.rel .LBB1_5-.Ltmp4, $4  }
0x4d: {  	s28 =	sadd.s32 s3, s27;
	[tilespmem:s17+$0x2850 ss:$0x81] =	vst.msk $0xffff, v61;
	s29 =	sand.u32 $0x7, s20;
	s16 =	smul.u32 s18, s16  }
0x4e: {  	[tilespmem:s17+$0x3060 ss:$0x81] =	vst.msk $0xffff, v62;
	s30 =	sshrl.u32 s20, $0x3;
	s19 =	sshll.u32 s29, $0x12;
	s15 =	sadd.s32 s15, s28  }
0x4f: {  	[tilespmem:s17+$0x0 ss:$0x81] =	vst.msk $0xffff, v63;
	s31 =	sor.u32 $0x400, s19;
	s15 =	sadd.s32 s30, s15;
	s16 =	sand.u32 $0x3FFFFFE0, s16  }
0x50: {  	[hbm4b:s15+s31] =	stream.strided.scatter [tilespmem:s14], [sflag:$0x2], s16, s6, s31, $0x20;
	[tilespmem:$0x10100] =	vst v63  }
.LBB1_6:
0x51: {  	_ =	sfence.sel $0x180000  }
0x52: {  	s2 =	simm.s32 $0x1;
	[bflag:$0x0] =	sbarrier.arrive $0xFFFF  }
0x53: {  	s31 =	simm.s32 $0x2;
	[sflag:s2] =	ssyncpa.u1 $0x1  }
0x54: {  	[sflag:s31] =	ssyncpa.u1 $0x1  }
0x55: {  	p0 =	sne.s32 s1, $0x0;
	_ =	strace $0x90000059  }
0x56: {  	s0 =	sadd.s32 @!p0 $0x100000, s0;
	[bflag:$0x2] =	sbarrier.arrive $0xFFFF  }
0x57: {  	[sflag:s0] =	ssyncadd.tile.s32 @!p0 $0x1;
	_ =	shalt  }
.Lfunc_end1:
_tile_overlayer_lowered:
.L_overlay_start_2:
0x58: {  	(tag) =	ssettag $0x2  }
0x59: {  	s0 =	rddreg [dreg:$0x0];
	s2 =	stileid.u32  }
0x5a: {  	s1 =	rddreg [dreg:$0x1];
	p0 =	sne.s32 s2, $0x0  }
0x5b: {  	s3 =	rddreg [dreg:$0x2];
	[bflag:$0x3] =	sbarrier.arrive $0xFFFF;
	s2 =	simm.s32 @!p0 $0x1C01  }
0x5c: {  	[timem:s3], [sflag:s2] =	dma.local @!p0 [hbm:s0], s1  }
0x5d: {  	s0 =	simm.s32 @!p0 $0x1  }
0x5e: {  	_ =	swait.ge @!p0 [sflag:s0], s1  }
0x5f: {  	s1 =	ssub.s32 @!p0 $0x0, s1;
	[sflag:s0] =	ssyncset.done @!p0 $0x0  }
0x60: {  	[sflag:s0] =	ssyncadd.s32 @!p0 s1  }
0x61: {  	[bflag:$0x3] =	sbarrier.arrive $0xFFFF  }
0x62: {  	_ =	shalt  }

// kernel: sparse-core-data-format-call.3.cloned.1.call-start
scs
called_computation.3_lowered:
.L_overlay_start_0:
0x0: {  	s2 =	sld [smem:$0x3FD9]  }
0x1: {  	s3 =	sld [smem:$0x3FFE];
	_ =	sdelay $0x1  }
0x2: {  	s1 =	srdreg.scid  }
0x3: {  	s0 =	sand.u32 $0x1, s1  }
0x4: {  	s18 =	sshll.u32 s0, $0xA;
	s2 =	sadd.s32 s3, s2  }
0x5: {  	s2 =	sadd.s32 s2, s18  }
0x6: {  	[smem:$0x3FC6] =	sst s2  }
0x7: {  	_ = 	snop  }
0x8: {  	s19 =	sld [smem:$0x3FD0];
	(tm) =	ssettm $0x1  }
0x9: {  	s20 =	sld [smem:$0x3FFB];
	_ =	sdelay $0x3  }
0xa: {  	_ =	strace s20  }
0xb: {  	s2 =	sld [smem:$0x3FFC];
	_ =	sdelay $0x3  }
0xc: {  	_ =	strace s2  }
0xd: {  	s2 =	sld [smem:$0x3FFD];
	_ =	sdelay $0x3  }
0xe: {  	_ =	strace s2  }
0xf: {  	_ =	strace $0x8FFFFFFF  }
0x10: {  	s21 =	sld [smem:$0x3FDB];
	_ =	sdelay $0x1  }
0x11: {  	s4 =	simm.s32 $_scs_section_size  }
0x12: {  	s5 =	simm.s32 $_size__tile_overlayer_lowered;
	s6 =	simm.s32 $_tile_overlayer_lowered  }
0x13: {  	s7 =	simm.s32 $0x1BFF;
	s22 =	sshll.u32 s6, $0x1;
	s4 =	sadd.s32 s4, s21  }
0x14: {  	s23 =	simm.s32 $0x0;
	s5 =	sshll.u32 s5, $0x1;
	s6 =	sadd.s32 s22, s4  }
0x15: {  	[timem:s23], [sflag:s7] =	dma.local [hbm:s6], s5  }
0x16: {  	_ =	swait.ge [sflag:s7], s5  }
0x17: {  	s5 =	ssub.s32 $0x0, s5;
	[sflag:s7] =	ssyncset.done $0x0  }
0x18: {  	[sflag:s7] =	ssyncadd.s32 s5;
	_ =	sdelay $0x1  }
0x19: {  	s24 =	simm.s32 $0x1B8B  }
0x1a: {  	_ =	swait.ge [sflag:s24], $0x1  }
0x1b: {  	[sflag:s24] =	ssyncset.done $0x0  }
0x1c: {  	[sflag:s24] =	ssyncadd.s32 $0xFFFFFFFF  }
0x1d: {  	s5 =	sld [smem:$0x0]  }
0x1e: {  	s6 =	sand.u32 $0xFFFFFFFE, s1  }
0x1f: {  	p0 =	sne.s32 s1, s6  }
0x20: {  	s6 =	sshll.u32 @p0 s6, $0xE  }
0x21: {  	s6 =	sadd.s32 @p0 $0x11B8D, s6;
	s7 =	sshll.u32 @p0 s5, $0x11  }
0x22: {  	s6 =	sor.u32 @p0 s7, s6  }
0x23: {  	[sflag:s6] =	ssyncadd.remote.s32 @p0 $0x1;
	_ =	sdelay $0x1  }
0x24: {  	s6 =	simm.s32 @p0 $0x1B8D  }
0x25: {  	_ =	swait.eq @p0 [sflag:s6], $0x1  }
0x26: {  	[sflag:s6] =	ssyncadd.s32 @p0 $0xFFFFFFFF  }
0x27: {  	s7 =	sshll.u32 @!p0 s1, $0xE  }
0x28: {  	s7 =	sor.u32 @!p0 $0x4000, s7;
	s6 =	simm.s32 @!p0 $0x1B8D  }
0x29: {  	s5 =	sshll.u32 @!p0 s5, $0x11;
	s7 =	sadd.s32 @!p0 $0x11B8D, s7;
	_ =	swait.eq @!p0 [sflag:s6], $0x1  }
0x2a: {  	s5 =	sor.u32 @!p0 s5, s7;
	[sflag:s6] =	ssyncadd.s32 @!p0 $0xFFFFFFFF  }
0x2b: {  	s26 =	simm.s32 $0x1B8E;
	s25 =	sld [smem:$0x3FFE];
	[sflag:s5] =	ssyncadd.remote.s32 @!p0 $0x1  }
0x2c: {  	s27 =	simm.s32 $execute0_lowered;
	[smem:$0x3FD2] =	sst s26  }
0x2d: {  	s6 =	sshll.u32 s27, $0x1;
	_ =	strace $0x8000005B;
	[dreg:$0x1] =	wrdreg $0xFFFFFFFF  }
0x2e: {  	s28 =	simm.s32 $_size_execute0_lowered;
	s4 =	sadd.s32 s4, s6;
	[dreg:$0x0] =	wrdreg $0x0  }
0x2f: {  	s6 =	sshll.u32 s28, $0x1;
	[dreg:$0x2] =	wrdreg s4  }
0x30: {  	[dreg:$0x3] =	wrdreg s6  }
0x31: {  	[dreg:$0x4] =	wrdreg $0xC0  }
0x32: {  	_ =	task [dreg:s23], $0x5FFFF  }
0x33: {  	[dreg:$0x1] =	wrdreg $0xFFFFFFFF  }
0x34: {  	[dreg:$0x0] =	wrdreg $0x60  }
0x35: {  	[dreg:$0x2] =	wrdreg s19  }
0x36: {  	[dreg:$0x3] =	wrdreg s25  }
0x37: {  	[dreg:$0x4] =	wrdreg $0xA  }
0x38: {  	_ =	task.clear_ibuf [dreg:s23], $0x5FFFF;
	_ =	strace $0x9000005B  }
0x39: {  	s29 =	simm.s32 $0xA;
	_ =	strace $0x8000005D  }
0x3a: {  	_ =	swait.ge [sflag:s29], $0x1  }
0x3b: {  	[sflag:s29] =	ssyncadd.s32 $0xFFFFFFFF  }
0x3c: {  	_ =	strace $0x9000005D  }
0x3d: {  	_ =	sfence  }
0x3e: {  	s30 =	sld [smem:$0x0];
	_ =	sdelay $0x2  }
0x3f: {  	s31 =	sshll.u32 s1, $0xD;
	s1 =	sshrl.u32 s1, $0x2  }
0x40: {  	s4 =	sand.u32 $0x4000, s31;
	s1 =	sadd.s32 s1, s30  }
0x41: {  	s0 =	sor.u32 s4, s0;
	s1 =	sshll.u32 s1, $0x11  }
0x42: {  	s0 =	sor.u32 s1, s0  }
0x43: {  	s0 =	sadd.s32 $0x8F2B, s0  }
0x44: {  	[sflag:s0] =	ssyncadd.remote.s32 $0x1  }
0x45: {  	_ =	sfence.sel $0xFFFF  }
0x46: {  	[dreg:$0x0] =	wrdreg $0xFFFFFFFF;
	(pc) =	sbr.abs _section_cstart, $3  }
0x47: {  	[dreg:$0x1] =	wrdreg $0xFFFFFFFF  }
0x48: {  	_ =	task.clear_ibuf [dreg:s23], $0x2FFFF;
	_ =	strace $0x9FFFFFFF  }
0x49: {  	(tm) =	ssettm $0x7FFFFFFF  }
tec
execute0_lowered:
.L_overlay_start_1:
0x0: {  	(tag) =	ssettag $0x1  }
0x1: {  	s2 =	rddreg [dreg:$0x0]  }
0x2: {  	s1 =	rddreg [dreg:$0x1]  }
0x3: {  	s0 =	rddreg [dreg:$0x2]  }
0x4: {  	s4 =	srdreg.scid;
	_ =	strace $0x8000005C;
	s6 =	simm.s32 $0x2  }
0x5: {  	s12 =	simm.s32 $0x0;
	p0 =	por $0x0, $0x0;
	s13 =	simm.s32 $0x0  }
.Ltmp0:
0x6: {  	s8 =	simm.s32 $0x0;
	s9 =	simm.s32 $0x0;
	(pc) =	sbr.rel .LBB1_1-.Ltmp0, $4  }
0x7: {  	s10 =	simm.s32 $0x0;
	s3 =	sadd.s32 $0x5A3000, s1;
	s4 =	sshll.u32 s4, $0x4  }
0x8: {  	s1 =	stileid.u32;
	s5 =	sand.u32 $0x10, s4;
	s4 =	simm.s32 $0x1  }
0x9: {  	s7 =	simm.s32 $0x0;
	s5 =	sor.u32 s1, s5;
	[sflag:s4] =	ssyncpa.u1 $0x0  }
0xa: {  	[sflag:s6] =	ssyncpa.u1 $0x0;
	s6 =	simm.s32 $0xC00;
	s11 =	smov.u32 s5  }
.LBB1_5:
0xb: {  	p1 =	slt.u32 s7, $0x2  }
0xc: {  	s15 =	smov.u32 s13;
	p2 =	sgt.s32 @!p1 s13, $0x17F;
	s14 =	sshra.s32 @!p1 s13, $0x1F  }
0xd: {  	p3 =	sgt.s32 @!p1 s12, $0x100;
	s16 =	sshra.s32 @!p1 s12, $0x1F;
	p2 =	por !p2, p1  }
0xe: {  	s13 =	sand.u32 @!p1 s14, s13;
	p3 =	por !p3, p1;
	s14 =	smov.u32 s12  }
0xf: {  	s12 =	sand.u32 @!p1 s16, s12;
	s15 =	simm.s32 @p2 $0x17F;
	s14 =	simm.s32 @p3 $0x100  }
0x10: {  	s16 =	smov.u32 s11;
	s13 =	ssub.s32 @!p1 s15, s13;
	s12 =	ssub.s32 @!p1 s14, s12  }
0x11: {  	s14 =	sadd.s32 @!p1 $0xFFFFFE81, s13;
	s13 =	ssub.s32 @!p1 $0x180, s13;
	s15 =	sadd.s32 @!p1 $0xFFFFFF00, s12  }
0x12: {  	p2 =	sgt.s32 @!p1 s14, $0x0;
	s13 =	smul.u32 @!p1 $0x60, s13;
	p3 =	sgt.s32 @!p1 s15, $0x7F  }
0x13: {  	s12 =	ssub.s32 @!p1 $0x180, s12;
	p2 =	por !p2, p1;
	p3 =	por !p3, p1  }
0x14: {  	s14 =	sadd.s32 $0x80, s10;
	s13 =	simm.s32 @!p2 $0x0;
	s12 =	simm.s32 @!p3 $0x0  }
0x15: {  	p2 =	sgt.s32 s14, $0x17F;
	s12 =	smul.u32 @!p1 s12, s13;
	s13 =	sadd.s32 $0x20, s11  }
0x16: {  	s16 =	smov.u32 @p2 s13  }
0x17: {  	s7 =	sadd.s32 $0x1, s7;
	s14 =	simm.s32 @p2 $0x0;
	p2 =	sgt.s32 s16, $0x17F  }
0x18: {  	s16 =	smov.u32 @p2 s5;
	p2 =	sne.s32 s7, $0x26  }
.Ltmp1:
0x19: {  	p0 =	por !p0, !p0;
	(pc) =	sbr.rel @!p2 .LBB1_6-.Ltmp1, $4  }
0x1a: {  	s15 =	simm.s32 @!p1 $0x2;
	s13 =	smov.u32 s9;
	s12 =	sand.u32 @!p1 $0x3FFFFFE0, s12  }
0x1b: {  	s9 =	smov.u32 s11;
	_ =	swait.ge @!p1 [sflag:s15], s12;
	s17 =	ssub.s32 @!p1 $0x0, s12  }
0x1c: {  	s12 =	smov.u32 s8;
	s8 =	smov.u32 s10;
	[sflag:s15] =	ssyncset.done @!p1 $0x0  }
0x1d: {  	s10 =	smov.u32 s14;
	s11 =	smov.u32 s16;
	[sflag:s15] =	ssyncadd.s32 @!p1 s17  }
.LBB1_1:
0x1e: {  	p1 =	sgt.u32 s7, $0x23  }
0x1f: {  	s14 =	sand.u32 @!p1 $0x1FFFFFF, s10  }
0x20: {  	s15 =	smulhi.u32 @!p1 $0xAAAAAB, s14;
	_ =	sdelay $0x1  }
0x21: {  	s15 =	smul.u32 @!p1 $0x180, s15  }
0x22: {  	s16 =	smul.u32 @!p1 $0x1800, s11  }
0x23: {  	s14 =	ssub.s32 @!p1 s14, s15;
	s15 =	sxor.u32 @!p1 $0xFFFFFFFF, s7  }
0x24: {  	s16 =	sadd.s32 @!p1 s2, s16;
	s15 =	sshll.u32 @!p1 s15, $0xE;
	s14 =	sshll.u32 @!p1 s14, $0x4  }
0x25: {  	s15 =	sand.u32 @!p1 $0x4000, s15;
	s14 =	sadd.s32 @!p1 s14, s16;
	s16 =	simm.s32 @!p1 $0x0  }
0x26: {  	[tilespmem:s15], [sflag:$0x1] =	stream.linear.gather @!p1 [hbm4b:s14+s16], $0x4000, $0x38;
	[tilespmem:$0x10100] =	vst v63  }
0x27: {  	p1 =	seq.s32 s7, $0x0  }
0x28: {  	p2 =	seq.s32 @!p1 s7, $0x25  }
0x29: {  	p1 =	por p1, p2  }
.Ltmp2:
0x2a: {  	_ = 	snop;
	(pc) =	sbr.rel @p1 .LBB1_5-.Ltmp2, $1  }
0x2b: {  	_ =	sdelay $0x3  }
0x2c: {  	s14 =	simm.s32 $0x1  }
0x2d: {  	_ =	swait.ge [sflag:s4], $0x4000;
	s14 =	simm.s32 @!p0 $0x0  }
0x2e: {  	[sflag:s4] =	ssyncset.done $0x0;
	s15 =	sshll.u32 s14, $0xE  }
0x2f: {  	[sflag:s4] =	ssyncadd.s32 $0xFFFFC000;
	s15 =	sor.u32 $0x40, s15  }
0x30: {  	s14 =	smul.u32 $0x10200, s14;
	v0 =	vld [tilespmem:s15+$0x30]  }
0x31: {  	v1 =	vld [tilespmem:s15+$0xFFFFFFD0]  }
0x32: {  	s14 =	sshrl.u32 s14, $0x2;
	v5 =	vld [tilespmem:s15+$0xFFFFFFE0]  }
0x33: {  	v6 =	vld [tilespmem:s15+$0xFFFFFFF0];
	s17 =	sor.u32 $0x8000, s14  }
0x34: {  	s31 =	sand.u32 $0x1, s7;
	v4 =	vld [tilespmem:s15+$0x0];
	s16 =	sadd.s32 $0x0, s17  }
0x35: {  	v3 =	vld [tilespmem:s15+$0x10];
	s14 =	smul.u32 $0x10200, s31;
	[tilespmem:s16+$0x3870 ss:$0x81] =	vst.msk $0xffff, v0  }
0x36: {  	v2 =	vld [tilespmem:s15+$0x20];
	[tilespmem:s16+$0x810 ss:$0x81] =	vst.msk $0xffff, v1  }
0x37: {  	s14 =	sshrl.u32 s14, $0x2;
	v1 =	vld [tilespmem:s15+$0xFFFFFFC0];
	[tilespmem:s16+$0x1020 ss:$0x81] =	vst.msk $0xffff, v5;
	s15 =	sadd.s32 $0x80, s15  }
0x38: {  	s18 =	simm.s32 $0x4;
	s19 =	simm.s32 $0x8;
	s14 =	sor.u32 $0x8000, s14;
	[tilespmem:s16+$0x1830 ss:$0x81] =	vst.msk $0xffff, v6;
	v0 =	vld [tilespmem:s15+$0x30]  }
.LBB1_3:
0x39: {  	p1 =	sne.s32 s19, $0x1FC;
	v5 =	vld [tilespmem:s15+$0xFFFFFFD0];
	[tilespmem:s16+$0x2040 ss:$0x81] =	vst.msk $0xffff, v4  }
0x3a: {  	v6 =	vld [tilespmem:s15+$0xFFFFFFE0];
	[tilespmem:s16+$0x2850 ss:$0x81] =	vst.msk $0xffff, v3  }
0x3b: {  	s20 =	sshra.s32 s18, $0x2;
	s18 =	smov.u32 s19;
	v7 =	vld [tilespmem:s15+$0xFFFFFFF0];
	[tilespmem:s16+$0x3060 ss:$0x81] =	vst.msk $0xffff, v2  }
.Ltmp3:
0x3c: {  	v4 =	vld [tilespmem:s15+$0x0];
	[tilespmem:s16+$0x0 ss:$0x81] =	vst.msk $0xffff, v1;
	s16 =	sadd.s32 s20, s17;
	(pc) =	sbr.rel @p1 .LBB1_3-.Ltmp3, $4  }
0x3d: {  	v3 =	vld [tilespmem:s15+$0x10];
	[tilespmem:s16+$0x3870 ss:$0x81] =	vst.msk $0xffff, v0  }
0x3e: {  	[tilespmem:s16+$0x810 ss:$0x81] =	vst.msk $0xffff, v5;
	v2 =	vld [tilespmem:s15+$0x20]  }
0x3f: {  	v1 =	vld [tilespmem:s15+$0xFFFFFFC0];
	[tilespmem:s16+$0x1020 ss:$0x81] =	vst.msk $0xffff, v6;
	s15 =	sadd.s32 $0x80, s15  }
0x40: {  	s19 =	sadd.s32 $0x4, s19;
	v0 =	vld [tilespmem:s15+$0x30];
	[tilespmem:s16+$0x1830 ss:$0x81] =	vst.msk $0xffff, v7  }
0x41: {  	s19 =	sshll.u32 s8, $0x3;
	s20 =	sand.u32 $0x7F, s8;
	s18 =	sshra.s32 s18, $0x2  }
0x42: {  	p1 =	sgt.s32 s9, $0x17F;
	s22 =	smov.u32 s9;
	s23 =	sshra.s32 s9, $0x1F  }
0x43: {  	s31 =	sshra.s32 s8, $0x1F;
	s27 =	smul.u32 $0x1200, s9;
	s19 =	sand.u32 $0xFFFFFC00, s19  }
0x44: {  	s22 =	simm.s32 @!p1 $0x17F;
	s20 =	sor.u32 s20, s19;
	s19 =	smulhi.u32 $0xAAAAAAAB, s19  }
0x45: {  	v5 =	vld [tilespmem:s15+$0xFFFFFFD0];
	[tilespmem:s16+$0x2040 ss:$0x81] =	vst.msk $0xffff, v4;
	s23 =	sand.u32 s23, s9;
	s17 =	sadd.s32 s18, s17;
	p1 =	sgt.s32 s8, $0x100  }
0x46: {  	v58 =	vld [tilespmem:s15+$0xFFFFFFE0];
	[tilespmem:s16+$0x2850 ss:$0x81] =	vst.msk $0xffff, v3;
	s28 =	ssub.s32 s22, s23;
	s21 =	smulhi.u32 $0xAAAAAAAB, s20;
	s19 =	sshrl.u32 s19, $0x8  }
0x47: {  	v59 =	vld [tilespmem:s15+$0xFFFFFFF0];
	s18 =	smov.u32 s8;
	[tilespmem:s16+$0x3060 ss:$0x81] =	vst.msk $0xffff, v2;
	s30 =	ssub.s32 $0x180, s28;
	s24 =	smulhi.u32 $0x2AAAAAB, s19  }
0x48: {  	v60 =	vld [tilespmem:s15+$0x0];
	s18 =	simm.s32 @!p1 $0x100;
	s23 =	sadd.s32 $0xFFFFFE81, s28;
	[tilespmem:s16+$0x0 ss:$0x81] =	vst.msk $0xffff, v1;
	s16 =	smul.u32 $0x60, s30  }
0x49: {  	v61 =	vld [tilespmem:s15+$0x10];
	[tilespmem:s17+$0x3870 ss:$0x81] =	vst.msk $0xffff, v0;
	s21 =	sshrl.u32 s21, $0x8;
	s29 =	smul.u32 $0x60, s24;
	s24 =	sand.u32 s31, s8  }
0x4a: {  	v62 =	vld [tilespmem:s15+$0x20];
	p1 =	sgt.s32 s23, $0x0;
	[tilespmem:s17+$0x810 ss:$0x81] =	vst.msk $0xffff, v5;
	s21 =	smul.u32 $0x180, s21;
	s18 =	ssub.s32 s18, s24  }
0x4b: {  	v63 =	vld [tilespmem:s15+$0xFFFFFFC0];
	[tilespmem:s17+$0x1020 ss:$0x81] =	vst.msk $0xffff, v58;
	s16 =	simm.s32 @p1 $0x0;
	s25 =	ssub.s32 s19, s29;
	s26 =	sadd.s32 $0xFFFFFF00, s18  }
0x4c: {  	[tilespmem:s17+$0x1830 ss:$0x81] =	vst.msk $0xffff, v59;
	s18 =	ssub.s32 $0x180, s18;
	p1 =	sgt.s32 s26, $0x7F;
	s15 =	smul.u32 $0x30, s25  }
.Ltmp4:
0x4d: {  	[tilespmem:s17+$0x2040 ss:$0x81] =	vst.msk $0xffff, v60;
	s20 =	ssub.s32 s20, s21;
	s18 =	simm.s32 @p1 $0x0;
	(pc) =	sbr.rel .LBB1_5-.Ltmp4, $4  }
0x4e: {  	s28 =	sadd.s32 s3, s27;
	[tilespmem:s17+$0x2850 ss:$0x81] =	vst.msk $0xffff, v61;
	s29 =	sand.u32 $0x7, s20;
	s16 =	smul.u32 s18, s16  }
0x4f: {  	[tilespmem:s17+$0x3060 ss:$0x81] =	vst.msk $0xffff, v62;
	s30 =	sshrl.u32 s20, $0x3;
	s19 =	sshll.u32 s29, $0x12;
	s15 =	sadd.s32 s15, s28  }
0x50: {  	[tilespmem:s17+$0x0 ss:$0x81] =	vst.msk $0xffff, v63;
	s31 =	sor.u32 $0x400, s19;
	s15 =	sadd.s32 s30, s15;
	s16 =	sand.u32 $0x3FFFFFE0, s16  }
0x51: {  	[hbm4b:s15+s31] =	stream.strided.scatter [tilespmem:s14], [sflag:$0x2], s16, s6, s31, $0x20;
	[tilespmem:$0x10100] =	vst v63  }
.LBB1_6:
0x52: {  	_ =	sfence.sel $0x180000  }
0x53: {  	s2 =	simm.s32 $0x1;
	[bflag:$0x0] =	sbarrier.arrive $0xFFFF  }
0x54: {  	s31 =	simm.s32 $0x2;
	[sflag:s2] =	ssyncpa.u1 $0x1  }
0x55: {  	[sflag:s31] =	ssyncpa.u1 $0x1  }
0x56: {  	p0 =	sne.s32 s1, $0x0;
	_ =	strace $0x9000005C  }
0x57: {  	s0 =	sadd.s32 @!p0 $0x100000, s0;
	[bflag:$0x2] =	sbarrier.arrive $0xFFFF  }
0x58: {  	[sflag:s0] =	ssyncadd.tile.s32 @!p0 $0x1;
	_ =	shalt  }
.Lfunc_end1:
_tile_overlayer_lowered:
.L_overlay_start_2:
0x59: {  	(tag) =	ssettag $0x2  }
0x5a: {  	s0 =	rddreg [dreg:$0x0];
	s2 =	stileid.u32  }
0x5b: {  	s1 =	rddreg [dreg:$0x1];
	p0 =	sne.s32 s2, $0x0  }
0x5c: {  	s3 =	rddreg [dreg:$0x2];
	[bflag:$0x3] =	sbarrier.arrive $0xFFFF;
	s2 =	simm.s32 @!p0 $0x1C01  }
0x5d: {  	[timem:s3], [sflag:s2] =	dma.local @!p0 [hbm:s0], s1  }
0x5e: {  	s0 =	simm.s32 @!p0 $0x1  }
0x5f: {  	_ =	swait.ge @!p0 [sflag:s0], s1  }
0x60: {  	s1 =	ssub.s32 @!p0 $0x0, s1;
	[sflag:s0] =	ssyncset.done @!p0 $0x0  }
0x61: {  	[sflag:s0] =	ssyncadd.s32 @!p0 s1  }
0x62: {  	[bflag:$0x3] =	sbarrier.arrive $0xFFFF  }
0x63: {  	_ =	shalt  }

// kernel: sparse-core-data-format-call.cloned.1.call-start
scs
called_computation_lowered:
.L_overlay_start_0:
0x0: {  	s2 =	sld [smem:$0x3FD9]  }
0x1: {  	s3 =	sld [smem:$0x3FFE];
	_ =	sdelay $0x1  }
0x2: {  	s1 =	srdreg.scid  }
0x3: {  	s0 =	sand.u32 $0x1, s1  }
0x4: {  	s18 =	sshll.u32 s0, $0xA;
	s2 =	sadd.s32 s3, s2  }
0x5: {  	s2 =	sadd.s32 s2, s18  }
0x6: {  	[smem:$0x3FC6] =	sst s2  }
0x7: {  	_ = 	snop  }
0x8: {  	(tm) =	ssettm $0x1  }
0x9: {  	s19 =	sld [smem:$0x3FFB];
	_ =	sdelay $0x3  }
0xa: {  	_ =	strace s19  }
0xb: {  	s2 =	sld [smem:$0x3FFC];
	_ =	sdelay $0x3  }
0xc: {  	_ =	strace s2  }
0xd: {  	s2 =	sld [smem:$0x3FFD];
	_ =	sdelay $0x3  }
0xe: {  	_ =	strace s2  }
0xf: {  	_ =	strace $0x8FFFFFFF  }
0x10: {  	s20 =	sld [smem:$0x3FDB];
	_ =	sdelay $0x1  }
0x11: {  	s21 =	simm.s32 $_scs_section_size  }
0x12: {  	s4 =	simm.s32 $_size__tile_overlayer_lowered;
	s5 =	simm.s32 $_tile_overlayer_lowered  }
0x13: {  	s6 =	simm.s32 $0x1BFF;
	s22 =	sshll.u32 s5, $0x1;
	s3 =	sadd.s32 s21, s20  }
0x14: {  	s23 =	simm.s32 $0x0;
	s4 =	sshll.u32 s4, $0x1;
	s5 =	sadd.s32 s22, s3  }
0x15: {  	[timem:s23], [sflag:s6] =	dma.local [hbm:s5], s4  }
0x16: {  	_ =	swait.ge [sflag:s6], s4  }
0x17: {  	s4 =	ssub.s32 $0x0, s4;
	[sflag:s6] =	ssyncset.done $0x0  }
0x18: {  	[sflag:s6] =	ssyncadd.s32 s4;
	_ =	sdelay $0x1  }
0x19: {  	s24 =	simm.s32 $0x1B8B  }
0x1a: {  	_ =	swait.ge [sflag:s24], $0x1  }
0x1b: {  	[sflag:s24] =	ssyncset.done $0x0  }
0x1c: {  	[sflag:s24] =	ssyncadd.s32 $0xFFFFFFFF  }
0x1d: {  	s4 =	sld [smem:$0x0]  }
0x1e: {  	s5 =	sand.u32 $0xFFFFFFFE, s1  }
0x1f: {  	p0 =	sne.s32 s1, s5  }
0x20: {  	s5 =	sshll.u32 @p0 s5, $0xE  }
0x21: {  	s5 =	sadd.s32 @p0 $0x11B8D, s5;
	s6 =	sshll.u32 @p0 s4, $0x11  }
0x22: {  	s5 =	sor.u32 @p0 s6, s5  }
0x23: {  	[sflag:s5] =	ssyncadd.remote.s32 @p0 $0x1;
	_ =	sdelay $0x1  }
0x24: {  	s5 =	simm.s32 @p0 $0x1B8D  }
0x25: {  	_ =	swait.eq @p0 [sflag:s5], $0x1  }
0x26: {  	[sflag:s5] =	ssyncadd.s32 @p0 $0xFFFFFFFF  }
0x27: {  	s6 =	sshll.u32 @!p0 s1, $0xE  }
0x28: {  	s6 =	sor.u32 @!p0 $0x4000, s6;
	s5 =	simm.s32 @!p0 $0x1B8D  }
0x29: {  	s4 =	sshll.u32 @!p0 s4, $0x11;
	s6 =	sadd.s32 @!p0 $0x11B8D, s6;
	_ =	swait.eq @!p0 [sflag:s5], $0x1  }
0x2a: {  	s4 =	sor.u32 @!p0 s4, s6;
	[sflag:s5] =	ssyncadd.s32 @!p0 $0xFFFFFFFF  }
0x2b: {  	s26 =	simm.s32 $0x1B8E;
	s25 =	sld [smem:$0x3FFE];
	[sflag:s4] =	ssyncadd.remote.s32 @!p0 $0x1  }
0x2c: {  	s27 =	simm.s32 $execute0_lowered;
	[smem:$0x3FD2] =	sst s26  }
0x2d: {  	s5 =	sshll.u32 s27, $0x1;
	_ =	strace $0x80000052;
	[dreg:$0x1] =	wrdreg $0xFFFFFFFF  }
0x2e: {  	s28 =	simm.s32 $_size_execute0_lowered;
	s3 =	sadd.s32 s3, s5;
	[dreg:$0x0] =	wrdreg $0x0  }
0x2f: {  	s5 =	sshll.u32 s28, $0x1;
	[dreg:$0x2] =	wrdreg s3  }
0x30: {  	[dreg:$0x3] =	wrdreg s5  }
0x31: {  	[dreg:$0x4] =	wrdreg $0xC0  }
0x32: {  	_ =	task [dreg:s23], $0x5FFFF  }
0x33: {  	[dreg:$0x1] =	wrdreg $0xFFFFFFFF  }
0x34: {  	[dreg:$0x0] =	wrdreg $0x60  }
0x35: {  	[dreg:$0x2] =	wrdreg s25  }
0x36: {  	[dreg:$0x3] =	wrdreg $0x9  }
0x37: {  	_ =	task.clear_ibuf [dreg:s23], $0x4FFFF;
	_ =	strace $0x90000052  }
0x38: {  	s29 =	simm.s32 $0x9;
	_ =	strace $0x80000054  }
0x39: {  	_ =	swait.ge [sflag:s29], $0x1  }
0x3a: {  	[sflag:s29] =	ssyncadd.s32 $0xFFFFFFFF  }
0x3b: {  	_ =	strace $0x90000054  }
0x3c: {  	_ =	sfence  }
0x3d: {  	s30 =	sld [smem:$0x0];
	_ =	sdelay $0x2  }
0x3e: {  	s31 =	sshll.u32 s1, $0xD;
	s1 =	sshrl.u32 s1, $0x2  }
0x3f: {  	s4 =	sand.u32 $0x4000, s31;
	s1 =	sadd.s32 s1, s30  }
0x40: {  	s0 =	sor.u32 s4, s0;
	s1 =	sshll.u32 s1, $0x11  }
0x41: {  	s0 =	sor.u32 s1, s0  }
0x42: {  	s0 =	sadd.s32 $0x8F2B, s0  }
0x43: {  	[sflag:s0] =	ssyncadd.remote.s32 $0x1  }
0x44: {  	_ =	sfence.sel $0xFFFF  }
0x45: {  	[dreg:$0x0] =	wrdreg $0xFFFFFFFF;
	(pc) =	sbr.abs _section_cstart, $3  }
0x46: {  	[dreg:$0x1] =	wrdreg $0xFFFFFFFF  }
0x47: {  	_ =	task.clear_ibuf [dreg:s23], $0x2FFFF;
	_ =	strace $0x9FFFFFFF  }
0x48: {  	(tm) =	ssettm $0x7FFFFFFF  }
0x49: {  	_ =	shalt  }
tec
execute0_lowered:
.L_overlay_start_1:
0x0: {  	(tag) =	ssettag $0x1  }
0x1: {  	s1 =	rddreg [dreg:$0x0]  }
0x2: {  	s0 =	rddreg [dreg:$0x1];
	_ =	strace $0x80000053  }
0x3: {  	s4 =	srdreg.scid;
	s6 =	simm.s32 $0x2;
	s12 =	simm.s32 $0x0  }
0x4: {  	p0 =	por $0x0, $0x0;
	s13 =	simm.s32 $0x0;
	s8 =	simm.s32 $0x0  }
.Ltmp0:
0x5: {  	s9 =	simm.s32 $0x0;
	s10 =	simm.s32 $0x0;
	(pc) =	sbr.rel .LBB1_1-.Ltmp0, $4  }
0x6: {  	s2 =	sadd.s32 $0x873000, s1;
	s3 =	sadd.s32 $0x3000, s1;
	s4 =	sshll.u32 s4, $0x4  }
0x7: {  	s1 =	stileid.u32;
	s5 =	sand.u32 $0x10, s4;
	s4 =	simm.s32 $0x1  }
0x8: {  	s7 =	simm.s32 $0x0;
	s5 =	sor.u32 s1, s5;
	[sflag:s4] =	ssyncpa.u1 $0x0  }
0x9: {  	[sflag:s6] =	ssyncpa.u1 $0x0;
	s6 =	simm.s32 $0xC00;
	s11 =	smov.u32 s5  }
.LBB1_5:
0xa: {  	p1 =	slt.u32 s7, $0x2  }
0xb: {  	s15 =	smov.u32 s13;
	p2 =	sgt.s32 @!p1 s13, $0x17F;
	s14 =	sshra.s32 @!p1 s13, $0x1F  }
0xc: {  	p3 =	sgt.s32 @!p1 s12, $0x100;
	s16 =	sshra.s32 @!p1 s12, $0x1F;
	p2 =	por !p2, p1  }
0xd: {  	s13 =	sand.u32 @!p1 s14, s13;
	p3 =	por !p3, p1;
	s14 =	smov.u32 s12  }
0xe: {  	s12 =	sand.u32 @!p1 s16, s12;
	s15 =	simm.s32 @p2 $0x17F;
	s14 =	simm.s32 @p3 $0x100  }
0xf: {  	s16 =	smov.u32 s11;
	s13 =	ssub.s32 @!p1 s15, s13;
	s12 =	ssub.s32 @!p1 s14, s12  }
0x10: {  	s14 =	sadd.s32 @!p1 $0xFFFFFE81, s13;
	s13 =	ssub.s32 @!p1 $0x180, s13;
	s15 =	sadd.s32 @!p1 $0xFFFFFF00, s12  }
0x11: {  	p2 =	sgt.s32 @!p1 s14, $0x0;
	s13 =	smul.u32 @!p1 $0x60, s13;
	p3 =	sgt.s32 @!p1 s15, $0x7F  }
0x12: {  	s12 =	ssub.s32 @!p1 $0x180, s12;
	p2 =	por !p2, p1;
	p3 =	por !p3, p1  }
0x13: {  	s14 =	sadd.s32 $0x80, s10;
	s13 =	simm.s32 @!p2 $0x0;
	s12 =	simm.s32 @!p3 $0x0  }
0x14: {  	p2 =	sgt.s32 s14, $0x17F;
	s12 =	smul.u32 @!p1 s12, s13;
	s13 =	sadd.s32 $0x20, s11  }
0x15: {  	s16 =	smov.u32 @p2 s13  }
0x16: {  	s7 =	sadd.s32 $0x1, s7;
	s14 =	simm.s32 @p2 $0x0;
	p2 =	sgt.s32 s16, $0x17F  }
0x17: {  	s16 =	smov.u32 @p2 s5;
	p2 =	sne.s32 s7, $0x26  }
.Ltmp1:
0x18: {  	p0 =	por !p0, !p0;
	(pc) =	sbr.rel @!p2 .LBB1_6-.Ltmp1, $4  }
0x19: {  	s15 =	simm.s32 @!p1 $0x2;
	s13 =	smov.u32 s9;
	s12 =	sand.u32 @!p1 $0x3FFFFFE0, s12  }
0x1a: {  	s9 =	smov.u32 s11;
	_ =	swait.ge @!p1 [sflag:s15], s12;
	s17 =	ssub.s32 @!p1 $0x0, s12  }
0x1b: {  	s12 =	smov.u32 s8;
	s8 =	smov.u32 s10;
	[sflag:s15] =	ssyncset.done @!p1 $0x0  }
0x1c: {  	s10 =	smov.u32 s14;
	s11 =	smov.u32 s16;
	[sflag:s15] =	ssyncadd.s32 @!p1 s17  }
.LBB1_1:
0x1d: {  	p1 =	sgt.u32 s7, $0x23  }
0x1e: {  	s14 =	sand.u32 @!p1 $0x1FFFFFF, s10  }
0x1f: {  	s15 =	smulhi.u32 @!p1 $0xAAAAAB, s14;
	_ =	sdelay $0x1  }
0x20: {  	s15 =	smul.u32 @!p1 $0x180, s15  }
0x21: {  	s16 =	smul.u32 @!p1 $0x1800, s11  }
0x22: {  	s14 =	ssub.s32 @!p1 s14, s15;
	s15 =	sxor.u32 @!p1 $0xFFFFFFFF, s7  }
0x23: {  	s16 =	sadd.s32 @!p1 s2, s16;
	s15 =	sshll.u32 @!p1 s15, $0xE;
	s14 =	sshll.u32 @!p1 s14, $0x4  }
0x24: {  	s15 =	sand.u32 @!p1 $0x4000, s15;
	s14 =	sadd.s32 @!p1 s14, s16;
	s16 =	simm.s32 @!p1 $0x0  }
0x25: {  	[tilespmem:s15], [sflag:$0x1] =	stream.linear.gather @!p1 [hbm4b:s14+s16], $0x4000, $0x38;
	[tilespmem:$0x10100] =	vst v63  }
0x26: {  	p1 =	seq.s32 s7, $0x0  }
0x27: {  	p2 =	seq.s32 @!p1 s7, $0x25  }
0x28: {  	p1 =	por p1, p2  }
.Ltmp2:
0x29: {  	_ = 	snop;
	(pc) =	sbr.rel @p1 .LBB1_5-.Ltmp2, $1  }
0x2a: {  	_ =	sdelay $0x3  }
0x2b: {  	s14 =	simm.s32 $0x1  }
0x2c: {  	_ =	swait.ge [sflag:s4], $0x4000;
	s14 =	simm.s32 @!p0 $0x0  }
0x2d: {  	[sflag:s4] =	ssyncset.done $0x0;
	s15 =	sshll.u32 s14, $0xE  }
0x2e: {  	[sflag:s4] =	ssyncadd.s32 $0xFFFFC000;
	s15 =	sor.u32 $0x40, s15  }
0x2f: {  	s14 =	smul.u32 $0x10200, s14;
	v0 =	vld [tilespmem:s15+$0x30]  }
0x30: {  	v1 =	vld [tilespmem:s15+$0xFFFFFFD0]  }
0x31: {  	s14 =	sshrl.u32 s14, $0x2;
	v5 =	vld [tilespmem:s15+$0xFFFFFFE0]  }
0x32: {  	v6 =	vld [tilespmem:s15+$0xFFFFFFF0];
	s17 =	sor.u32 $0x8000, s14  }
0x33: {  	s31 =	sand.u32 $0x1, s7;
	v4 =	vld [tilespmem:s15+$0x0];
	s16 =	sadd.s32 $0x0, s17  }
0x34: {  	v3 =	vld [tilespmem:s15+$0x10];
	s14 =	smul.u32 $0x10200, s31;
	[tilespmem:s16+$0x3870 ss:$0x81] =	vst.msk $0xffff, v0  }
0x35: {  	v2 =	vld [tilespmem:s15+$0x20];
	[tilespmem:s16+$0x810 ss:$0x81] =	vst.msk $0xffff, v1  }
0x36: {  	s14 =	sshrl.u32 s14, $0x2;
	v1 =	vld [tilespmem:s15+$0xFFFFFFC0];
	[tilespmem:s16+$0x1020 ss:$0x81] =	vst.msk $0xffff, v5;
	s15 =	sadd.s32 $0x80, s15  }
0x37: {  	s18 =	simm.s32 $0x4;
	s19 =	simm.s32 $0x8;
	s14 =	sor.u32 $0x8000, s14;
	[tilespmem:s16+$0x1830 ss:$0x81] =	vst.msk $0xffff, v6;
	v0 =	vld [tilespmem:s15+$0x30]  }
.LBB1_3:
0x38: {  	p1 =	sne.s32 s19, $0x1FC;
	v5 =	vld [tilespmem:s15+$0xFFFFFFD0];
	[tilespmem:s16+$0x2040 ss:$0x81] =	vst.msk $0xffff, v4  }
0x39: {  	v6 =	vld [tilespmem:s15+$0xFFFFFFE0];
	[tilespmem:s16+$0x2850 ss:$0x81] =	vst.msk $0xffff, v3  }
0x3a: {  	s20 =	sshra.s32 s18, $0x2;
	s18 =	smov.u32 s19;
	v7 =	vld [tilespmem:s15+$0xFFFFFFF0];
	[tilespmem:s16+$0x3060 ss:$0x81] =	vst.msk $0xffff, v2  }
.Ltmp3:
0x3b: {  	v4 =	vld [tilespmem:s15+$0x0];
	[tilespmem:s16+$0x0 ss:$0x81] =	vst.msk $0xffff, v1;
	s16 =	sadd.s32 s20, s17;
	(pc) =	sbr.rel @p1 .LBB1_3-.Ltmp3, $4  }
0x3c: {  	v3 =	vld [tilespmem:s15+$0x10];
	[tilespmem:s16+$0x3870 ss:$0x81] =	vst.msk $0xffff, v0  }
0x3d: {  	[tilespmem:s16+$0x810 ss:$0x81] =	vst.msk $0xffff, v5;
	v2 =	vld [tilespmem:s15+$0x20]  }
0x3e: {  	v1 =	vld [tilespmem:s15+$0xFFFFFFC0];
	[tilespmem:s16+$0x1020 ss:$0x81] =	vst.msk $0xffff, v6;
	s15 =	sadd.s32 $0x80, s15  }
0x3f: {  	s19 =	sadd.s32 $0x4, s19;
	v0 =	vld [tilespmem:s15+$0x30];
	[tilespmem:s16+$0x1830 ss:$0x81] =	vst.msk $0xffff, v7  }
0x40: {  	s19 =	sshll.u32 s8, $0x3;
	s20 =	sand.u32 $0x7F, s8;
	s18 =	sshra.s32 s18, $0x2  }
0x41: {  	p1 =	sgt.s32 s9, $0x17F;
	s22 =	smov.u32 s9;
	s23 =	sshra.s32 s9, $0x1F  }
0x42: {  	s31 =	sshra.s32 s8, $0x1F;
	s27 =	smul.u32 $0x1200, s9;
	s19 =	sand.u32 $0xFFFFFC00, s19  }
0x43: {  	s22 =	simm.s32 @!p1 $0x17F;
	s20 =	sor.u32 s20, s19;
	s19 =	smulhi.u32 $0xAAAAAAAB, s19  }
0x44: {  	v5 =	vld [tilespmem:s15+$0xFFFFFFD0];
	[tilespmem:s16+$0x2040 ss:$0x81] =	vst.msk $0xffff, v4;
	s23 =	sand.u32 s23, s9;
	s17 =	sadd.s32 s18, s17;
	p1 =	sgt.s32 s8, $0x100  }
0x45: {  	v58 =	vld [tilespmem:s15+$0xFFFFFFE0];
	[tilespmem:s16+$0x2850 ss:$0x81] =	vst.msk $0xffff, v3;
	s28 =	ssub.s32 s22, s23;
	s21 =	smulhi.u32 $0xAAAAAAAB, s20;
	s19 =	sshrl.u32 s19, $0x8  }
0x46: {  	v59 =	vld [tilespmem:s15+$0xFFFFFFF0];
	s18 =	smov.u32 s8;
	[tilespmem:s16+$0x3060 ss:$0x81] =	vst.msk $0xffff, v2;
	s30 =	ssub.s32 $0x180, s28;
	s24 =	smulhi.u32 $0x2AAAAAB, s19  }
0x47: {  	v60 =	vld [tilespmem:s15+$0x0];
	s18 =	simm.s32 @!p1 $0x100;
	s23 =	sadd.s32 $0xFFFFFE81, s28;
	[tilespmem:s16+$0x0 ss:$0x81] =	vst.msk $0xffff, v1;
	s16 =	smul.u32 $0x60, s30  }
0x48: {  	v61 =	vld [tilespmem:s15+$0x10];
	[tilespmem:s17+$0x3870 ss:$0x81] =	vst.msk $0xffff, v0;
	s21 =	sshrl.u32 s21, $0x8;
	s29 =	smul.u32 $0x60, s24;
	s24 =	sand.u32 s31, s8  }
0x49: {  	v62 =	vld [tilespmem:s15+$0x20];
	p1 =	sgt.s32 s23, $0x0;
	[tilespmem:s17+$0x810 ss:$0x81] =	vst.msk $0xffff, v5;
	s21 =	smul.u32 $0x180, s21;
	s18 =	ssub.s32 s18, s24  }
0x4a: {  	v63 =	vld [tilespmem:s15+$0xFFFFFFC0];
	[tilespmem:s17+$0x1020 ss:$0x81] =	vst.msk $0xffff, v58;
	s16 =	simm.s32 @p1 $0x0;
	s25 =	ssub.s32 s19, s29;
	s26 =	sadd.s32 $0xFFFFFF00, s18  }
0x4b: {  	[tilespmem:s17+$0x1830 ss:$0x81] =	vst.msk $0xffff, v59;
	s18 =	ssub.s32 $0x180, s18;
	p1 =	sgt.s32 s26, $0x7F;
	s15 =	smul.u32 $0x30, s25  }
.Ltmp4:
0x4c: {  	[tilespmem:s17+$0x2040 ss:$0x81] =	vst.msk $0xffff, v60;
	s20 =	ssub.s32 s20, s21;
	s18 =	simm.s32 @p1 $0x0;
	(pc) =	sbr.rel .LBB1_5-.Ltmp4, $4  }
0x4d: {  	s28 =	sadd.s32 s3, s27;
	[tilespmem:s17+$0x2850 ss:$0x81] =	vst.msk $0xffff, v61;
	s29 =	sand.u32 $0x7, s20;
	s16 =	smul.u32 s18, s16  }
0x4e: {  	[tilespmem:s17+$0x3060 ss:$0x81] =	vst.msk $0xffff, v62;
	s30 =	sshrl.u32 s20, $0x3;
	s19 =	sshll.u32 s29, $0x12;
	s15 =	sadd.s32 s15, s28  }
0x4f: {  	[tilespmem:s17+$0x0 ss:$0x81] =	vst.msk $0xffff, v63;
	s31 =	sor.u32 $0x400, s19;
	s15 =	sadd.s32 s30, s15;
	s16 =	sand.u32 $0x3FFFFFE0, s16  }
0x50: {  	[hbm4b:s15+s31] =	stream.strided.scatter [tilespmem:s14], [sflag:$0x2], s16, s6, s31, $0x20;
	[tilespmem:$0x10100] =	vst v63  }
.LBB1_6:
0x51: {  	_ =	sfence.sel $0x180000  }
0x52: {  	s2 =	simm.s32 $0x1;
	[bflag:$0x0] =	sbarrier.arrive $0xFFFF  }
0x53: {  	s31 =	simm.s32 $0x2;
	[sflag:s2] =	ssyncpa.u1 $0x1  }
0x54: {  	[sflag:s31] =	ssyncpa.u1 $0x1  }
0x55: {  	p0 =	sne.s32 s1, $0x0;
	_ =	strace $0x90000053  }
0x56: {  	s0 =	sadd.s32 @!p0 $0x100000, s0;
	[bflag:$0x2] =	sbarrier.arrive $0xFFFF  }
0x57: {  	[sflag:s0] =	ssyncadd.tile.s32 @!p0 $0x1;
	_ =	shalt  }
.Lfunc_end1:
_tile_overlayer_lowered:
.L_overlay_start_2:
0x58: {  	(tag) =	ssettag $0x2  }
0x59: {  	s0 =	rddreg [dreg:$0x0];
	s2 =	stileid.u32  }
0x5a: {  	s1 =	rddreg [dreg:$0x1];
	p0 =	sne.s32 s2, $0x0  }
0x5b: {  	s3 =	rddreg [dreg:$0x2];
	[bflag:$0x3] =	sbarrier.arrive $0xFFFF;
	s2 =	simm.s32 @!p0 $0x1C01  }
0x5c: {  	[timem:s3], [sflag:s2] =	dma.local @!p0 [hbm:s0], s1  }
0x5d: {  	s0 =	simm.s32 @!p0 $0x1  }
0x5e: {  	_ =	swait.ge @!p0 [sflag:s0], s1  }
0x5f: {  	s1 =	ssub.s32 @!p0 $0x0, s1;
	[sflag:s0] =	ssyncset.done @!p0 $0x0  }
0x60: {  	[sflag:s0] =	ssyncadd.s32 @!p0 s1  }
0x61: {  	[bflag:$0x3] =	sbarrier.arrive $0xFFFF  }
0x62: {  	_ =	shalt  }

</sc_bundles>
